<compile_context>
chip_gen: v7x
topology: tpu7x:2x2x1
jax: 0.10.2.dev20260603
libtpu: 0.0.44.dev20260713+nightly
codegen_flags: <defaults>
</compile_context>

<pallas_src>
import jax
import jax.numpy as jnp
from jax import lax
from jax.experimental import pallas as pl
from jax.experimental.pallas import tpu as pltpu
from jax.experimental.pallas import tpu_sc as plsc

_NC = 2
_NS = 16
_L = 16
_NW = _NC * _NS
_B = 16384
_K = 32
_BPW = _B // _NW
_NG = _BPW // _L
_NCOLS = 7813
_WC = 4
_NWIN = 62
_CAP = 832
_NVC = _B // _L


def _phase_a(u_hbm, i_hbm, gut_hbm, git_hbm, gu_flat, gi_flat,
             allidx_v, cand_u, cand_j, win_ring, sval, sidx, sem, wsem):
    wid = lax.axis_index("s") * _NC + lax.axis_index("c")
    ncols = jnp.where(wid < 5, 245, 244)
    c0 = wid * 244 + jnp.minimum(wid, 5)
    rlo = c0 * 128
    rhi = rlo + ncols * 128
    lanes = lax.iota(jnp.int32, _L)

    for idx_hbm, tab_hbm, out_flat in ((u_hbm, gut_hbm, gu_flat),
                                       (i_hbm, git_hbm, gi_flat)):
        pltpu.sync_copy(idx_hbm, allidx_v)

        neg1 = jnp.full((_L,), -1, jnp.int32)

        def prefill(v, _):
            sidx[pl.ds(v * _L, _L)] = neg1
            return 0

        lax.fori_loop(0, _CAP * _K // _L, prefill, 0)

        def collect(v, tot):
            vec = allidx_v[pl.ds(v * _L, _L)]
            mask = (vec >= rlo) & (vec < rhi)
            plsc.store_compressed(cand_u.at[pl.ds(tot, _L)], vec, mask=mask)
            plsc.store_compressed(cand_j.at[pl.ds(tot, _L)],
                                  lanes + v * _L, mask=mask)
            return tot + plsc.all_reduce_population_count(mask)[0]

        ncand = lax.fori_loop(0, _NVC, collect, jnp.int32(0))
        nvc_c = (ncand + _L - 1) // _L

        def fire(t, slot):
            fc = jnp.minimum(c0 + _WC * t, c0 + ncols - _WC)
            off = pl.multiple_of(fc * 128, 128)
            pltpu.make_async_copy(
                tab_hbm.at[:, pl.ds(off, _WC * 128)],
                win_ring.at[slot], wsem).start()

        def wait_win(slot):
            pltpu.make_async_copy(
                tab_hbm.at[:, pl.ds(0, _WC * 128)],
                win_ring.at[slot], wsem).wait()

        fire(0, 0)
        fire(1, 1)

        def window(t, carry):
            n = carry
            slot = t & 1
            wait_win(slot)
            fc = jnp.minimum(c0 + _WC * t, c0 + ncols - _WC)
            lo = rlo + t * (_WC * 128)
            hi = jnp.minimum(lo + _WC * 128, rhi)
            wbase = fc * 128

            def wcollect(v, st):
                m, base = st
                vec = cand_u[pl.ds(v * _L, _L)]
                jj = cand_j[pl.ds(v * _L, _L)]
                mask = ((vec >= lo) & (vec < hi)
                        & ((lanes + v * _L) < ncand))
                plsc.store_compressed(cand_u.at[pl.ds(_CAP + m, _L)],
                                      vec, mask=mask)
                plsc.store_compressed(cand_j.at[pl.ds(_CAP + m, _L)],
                                      jj, mask=mask)
                return (m + plsc.all_reduce_population_count(mask)[0], base)

            wcnt, _ = lax.fori_loop(0, nvc_c, wcollect, (jnp.int32(0), 0))

            def extract(e, nn):
                sel = pl.ds((_CAP + ((e >> 4) << 4)), _L)
                pick = lanes == (e & 15)
                uu = jnp.sum(jnp.where(pick, cand_u[sel], 0))
                jj = jnp.sum(jnp.where(pick, cand_j[sel], 0))
                lane = jnp.full((_L,), uu - wbase, jnp.int32)
                va = plsc.load_gather(win_ring.at[slot], [lanes, lane])
                vb = plsc.load_gather(win_ring.at[slot], [lanes + _L, lane])
                sval[pl.ds(nn * _K, _L)] = va
                sval[pl.ds(nn * _K + _L, _L)] = vb
                sidx[pl.ds(nn * _K, _L)] = jj * _K + lanes
                sidx[pl.ds(nn * _K + _L, _L)] = jj * _K + _L + lanes
                return nn + 1

            n = lax.fori_loop(0, wcnt, extract, n)

            @pl.when(t < _NWIN - 2)
            def _():
                fire(t + 2, slot)

            return n

        lax.fori_loop(0, _NWIN, window, jnp.int32(0))

        pltpu.async_copy(
            sval, out_flat.at[plsc.Indices(sidx, ignored_value=-1)], sem
        ).wait()


def _phase_b(u_hbm, i_hbm, r_hbm, a_hbm, al_hbm, ag_hbm,
             bu_hbm, bi_hbm, gu_flat, gi_flat, out_hbm,
             idxu_v, idxi_v, r_v, a_v, al_v, ag_v,
             bu_v, bi_v, gu_v, gi_v, tbuf, accbuf, sem):
    wid = lax.axis_index("s") * _NC + lax.axis_index("c")
    base = wid * _BPW

    pltpu.sync_copy(u_hbm.at[pl.ds(base, _BPW)], idxu_v)
    pltpu.sync_copy(i_hbm.at[pl.ds(base, _BPW)], idxi_v)
    pltpu.sync_copy(r_hbm.at[pl.ds(base, _BPW)], r_v)
    pltpu.sync_copy(a_hbm.at[pl.ds(base, _BPW)], a_v)
    pltpu.sync_copy(al_hbm, al_v)
    pltpu.sync_copy(ag_hbm, ag_v)
    pltpu.sync_copy(gu_flat.at[pl.ds(base * _K, _BPW * _K)], gu_v)
    pltpu.sync_copy(gi_flat.at[pl.ds(base * _K, _BPW * _K)], gi_v)

    bcopies = [
        pltpu.async_copy(bu_hbm.at[idxu_v], bu_v, sem),
        pltpu.async_copy(bi_hbm.at[idxi_v], bi_v, sem),
    ]
    for c in bcopies:
        c.wait()

    alpha = al_v[...]
    agec = ag_v[...]
    lanes = lax.iota(jnp.int32, _L)
    scat_base = lanes * _L

    def group(g, acc):
        row0 = g * _L
        for s in range(_L):
            ro = (row0 + s) * _K
            w = (gu_v[pl.ds(ro, _L)] * gi_v[pl.ds(ro, _L)]
                 + gu_v[pl.ds(ro + _L, _L)] * gi_v[pl.ds(ro + _L, _L)])
            plsc.store_scatter(tbuf, [scat_base + s], w)
        dot = tbuf[pl.ds(0, _L)]
        for d in range(1, _L):
            dot = dot + tbuf[pl.ds(d * _L, _L)]
        chunk = pl.ds(row0, _L)
        diff = (alpha + bu_v[chunk] + bi_v[chunk] + dot
                + a_v[chunk] * agec - r_v[chunk])
        return acc + diff * diff

    acc = lax.fori_loop(0, _NG, group, jnp.zeros((_L,), jnp.float32))
    accbuf[...] = acc
    pltpu.sync_copy(accbuf, out_hbm.at[wid])


@jax.jit
def _lfm_sc(sampleU, sampleI, sampleR, sampleA, al16, ag16,
            betaU, betaI, gammaU_t, gammaI_t):
    mesh = plsc.VectorSubcoreMesh(core_axis_name="c", subcore_axis_name="s")
    params = pltpu.CompilerParams(
        needs_layout_passes=False, use_tc_tiling_on_sc=True)
    gu_flat, gi_flat = pl.kernel(
        _phase_a,
        out_type=(jax.ShapeDtypeStruct((_B * _K,), jnp.float32),
                  jax.ShapeDtypeStruct((_B * _K,), jnp.float32)),
        mesh=mesh,
        compiler_params=params,
        scratch_types=[
            pltpu.VMEM((_B,), jnp.int32),
            pltpu.VMEM((2 * _CAP + _L,), jnp.int32),
            pltpu.VMEM((2 * _CAP + _L,), jnp.int32),
            pltpu.VMEM((2, _K, _WC * 128), jnp.float32),
            pltpu.VMEM((_CAP * _K,), jnp.float32),
            pltpu.VMEM((_CAP * _K,), jnp.int32),
            pltpu.SemaphoreType.DMA,
            pltpu.SemaphoreType.DMA,
        ],
    )(sampleU, sampleI, gammaU_t, gammaI_t)

    return pl.kernel(
        _phase_b,
        out_type=jax.ShapeDtypeStruct((_NW, _L), jnp.float32),
        mesh=mesh,
        compiler_params=params,
        scratch_types=[
            pltpu.VMEM((_BPW,), jnp.int32),
            pltpu.VMEM((_BPW,), jnp.int32),
            pltpu.VMEM((_BPW,), jnp.float32),
            pltpu.VMEM((_BPW,), jnp.float32),
            pltpu.VMEM((_L,), jnp.float32),
            pltpu.VMEM((_L,), jnp.float32),
            pltpu.VMEM((_BPW,), jnp.float32),
            pltpu.VMEM((_BPW,), jnp.float32),
            pltpu.VMEM((_BPW * _K,), jnp.float32),
            pltpu.VMEM((_BPW * _K,), jnp.float32),
            pltpu.VMEM((_L * _L,), jnp.float32),
            pltpu.VMEM((_L,), jnp.float32),
            pltpu.SemaphoreType.DMA,
        ],
    )(sampleU, sampleI, sampleR, sampleA, al16, ag16,
      betaU, betaI, gu_flat, gi_flat)


def kernel(sampleU, sampleI, sampleR, sampleA, alpha, agecoef,
           betaU, betaI, gammaU, gammaI):
    al16 = jnp.full((_L,), alpha, jnp.float32)
    ag16 = jnp.full((_L,), agecoef, jnp.float32)
    partials = _lfm_sc(sampleU, sampleI, sampleR, sampleA, al16, ag16,
                       betaU, betaI, gammaU.T, gammaI.T)
    return jnp.sum(partials) * (1.0 / _B)

# --- scband reference (transcript-rebuilt; emitter-appended) ---
"""Pipeline reference for scband-latent-factor-model-78606491452614 (READ-ONLY COPY).

The authoritative reference and input builder live on the scoring server;
editing this copy changes nothing except your own understanding.
"""

import jax, jax.numpy as jnp
import numpy as np

N_USERS = 1000000
N_ITEMS = 1000000
K = 32
B = 16384


def setup_inputs(seed: int = 0) -> dict:
    key = jax.random.key(seed)
    ks = jax.random.split(key, 8)
    sampleU = jax.random.randint(ks[0], (B,), 0, N_USERS, dtype=jnp.int32)
    sampleI = jax.random.randint(ks[1], (B,), 0, N_ITEMS, dtype=jnp.int32)
    sampleR = jax.random.uniform(ks[2], (B,), dtype=jnp.float32)
    sampleA = jax.random.uniform(ks[3], (B,), dtype=jnp.float32)
    alpha = jnp.float32(3.5)
    agecoef = jnp.float32(0.0001)
    betaU = jax.random.normal(ks[4], (N_USERS,), dtype=jnp.float32) * 0.001
    betaI = jax.random.normal(ks[5], (N_ITEMS,), dtype=jnp.float32) * 0.001
    gammaU = jax.random.normal(ks[6], (N_USERS, K), dtype=jnp.float32) * 0.001
    gammaI = jax.random.normal(ks[7], (N_ITEMS, K), dtype=jnp.float32) * 0.001
    return {
        "sampleU": sampleU,
        "sampleI": sampleI,
        "sampleR": sampleR,
        "sampleA": sampleA,
        "alpha": alpha,
        "agecoef": agecoef,
        "betaU": betaU,
        "betaI": betaI,
        "gammaU": gammaU,
        "gammaI": gammaI,
    }


def reference(sampleU, sampleI, sampleR, sampleA, alpha, agecoef, betaU, betaI, gammaU, gammaI):
    # predictSample: embedding lookups (tf.nn.embedding_lookup -> jnp.take)
    beta_u = jnp.take(betaU, sampleU, axis=0)
    beta_i = jnp.take(betaI, sampleI, axis=0)
    gamma_u = jnp.take(gammaU, sampleU, axis=0)
    gamma_i = jnp.take(gammaI, sampleI, axis=0)
    pred = alpha + beta_u + beta_i + jnp.sum(gamma_u * gamma_i, axis=1) + sampleA * agecoef
    # call: tf.nn.l2_loss(pred - r) * 2 / len(sampleR)  ==  sum((pred-r)^2) / B
    diff = pred - sampleR
    loss = jnp.sum(diff * diff) * 0.5 * 2.0 / sampleR.shape[0]
    return loss

if __name__ == "__main__":
    import jax
    _d = setup_inputs()
    print(jax.jit(kernel)(*tuple(_d.values())))

</pallas_src>

<mosaic_0001>
#map = affine_map<(d0, d1) -> (0)>
#map1 = affine_map<(d0, d1) -> (0, 0)>
module attributes {stable_mosaic.version = 14 : i64} {
  func.func @_phase_a(%arg0: i32, %arg1: i32, %arg2: memref<16384xi32, #tpu.memory_space<hbm>>, %arg3: memref<16384xi32, #tpu.memory_space<hbm>>, %arg4: memref<32x1000000xf32, #tpu.memory_space<hbm>>, %arg5: memref<32x1000000xf32, #tpu.memory_space<hbm>>, %arg6: memref<524288xf32, #tpu.memory_space<hbm>>, %arg7: memref<524288xf32, #tpu.memory_space<hbm>>, %arg8: memref<16384xi32, #tpu.memory_space<vmem>>, %arg9: memref<1680xi32, #tpu.memory_space<vmem>>, %arg10: memref<1680xi32, #tpu.memory_space<vmem>>, %arg11: memref<2x32x512xf32, #tpu.memory_space<vmem>>, %arg12: memref<26624xf32, #tpu.memory_space<vmem>>, %arg13: memref<26624xi32, #tpu.memory_space<vmem>>, %arg14: memref<!tpu.dma_semaphore, #tpu.memory_space<semaphore_mem>>, %arg15: memref<!tpu.dma_semaphore, #tpu.memory_space<semaphore_mem>>) attributes {dimension_semantics = [#tpu.dimension_semantics<core_parallel>, #tpu.dimension_semantics<subcore_parallel>], iteration_bounds = array<i64: 2, 16>, scalar_prefetch = 0 : i64, scratch_operands = 8 : i64, tpu.core_type = #tpu.core_type<sc_vector_subcore>, window_params = [{transform_indices = #map}, {transform_indices = #map}, {transform_indices = #map1}, {transform_indices = #map1}, {transform_indices = #map}, {transform_indices = #map}]} {
    %mul3A = arith.constant 2 : i32
    %mul3A_0 = arith.muli %arg1, %mul3A : i32
    %add3A = arith.addi %mul3A_0, %arg0 : i32
    %lt3A = arith.constant 5 : i32
    %lt3A_1 = arith.cmpi slt, %add3A, %lt3A : i32
    %jit3A = arith.constant 245 : i32
    %jit3A_2 = arith.constant 244 : i32
    %select_n3A = arith.select %lt3A_1, %jit3A, %jit3A_2 : i32
    %mul3A_3 = arith.constant 244 : i32
    %mul3A_4 = arith.muli %add3A, %mul3A_3 : i32
    %min3A = arith.constant 5 : i32
    %min3A_5 = arith.minsi %add3A, %min3A : i32
    %add3A_6 = arith.addi %mul3A_4, %min3A_5 : i32
    %mul3A_7 = arith.constant 128 : i32
    %mul3A_8 = arith.muli %add3A_6, %mul3A_7 : i32
    %mul3A_9 = arith.constant 128 : i32
    %mul3A_10 = arith.muli %select_n3A, %mul3A_9 : i32
    %add3A_11 = arith.addi %mul3A_8, %mul3A_10 : i32
    %iota3A = tpu.iota {dimensions = array<i32: 0>} : vector<16xi32>
    "tpu.region"() ({
      %run_scoped3A = tpu.sem_alloc : memref<!tpu.dma_semaphore, #tpu.memory_space<semaphore_mem>>
      tpu.enqueue_dma source(%arg2 : memref<16384xi32, #tpu.memory_space<hbm>>) target(%arg8 : memref<16384xi32, #tpu.memory_space<vmem>>) target_semaphore(%run_scoped3A : memref<!tpu.dma_semaphore, #tpu.memory_space<semaphore_mem>>)
      tpu.wait_dma2 semaphore(%run_scoped3A : memref<!tpu.dma_semaphore, #tpu.memory_space<semaphore_mem>>) src(%arg2 : memref<16384xi32, #tpu.memory_space<hbm>>) dst(%arg8 : memref<16384xi32, #tpu.memory_space<vmem>>)
      tpu.yield
    }) : () -> ()
    %broadcast_in_dim3A = arith.constant -1 : i32
    %broadcast_in_dim3A_12 = vector.broadcast %broadcast_in_dim3A : i32 to vector<16xi32>
    %scan3A = arith.constant 0 : i32
    %scan3A_13 = arith.constant 0 : i32
    %scan3A_14 = arith.constant 1664 : i32
    %scan3A_15 = arith.addi %scan3A_13, %scan3A_14 : i32
    %scan3A_16 = arith.constant 1 : i32
    %scan3A_17 = scf.for %scan3A_201 = %scan3A_13 to %scan3A_15 step %scan3A_16 iter_args(%scan3A_202 = %scan3A) -> (i32)  : i32 {
      %mul3A_203 = arith.constant 16 : i32
      %mul3A_204 = arith.muli %scan3A_201, %mul3A_203 : i32
      %swap3A = arith.index_cast %mul3A_204 : i32 to index
      %swap3A_205 = tpu.vector_load %arg13[%swap3A] {strides = array<i32>} : memref<26624xi32, #tpu.memory_space<vmem>>, vector<16xi32>,
      tpu.vector_store %arg13[%swap3A], %broadcast_in_dim3A_12 {strides = array<i32>} : memref<26624xi32, #tpu.memory_space<vmem>>, vector<16xi32>,
      %scan3A_206 = arith.constant 0 : i32
      scf.yield %scan3A_206 : i32
    }
    %scan3A_18 = arith.constant 1664 : i32
    %scan3A_19 = arith.constant 0 : i32
    %scan3A_20 = arith.constant 0 : i32
    %scan3A_21 = arith.constant 1024 : i32
    %scan3A_22 = arith.addi %scan3A_20, %scan3A_21 : i32
    %scan3A_23 = arith.constant 1 : i32
    %scan3A_24 = scf.for %scan3A_201 = %scan3A_20 to %scan3A_22 step %scan3A_23 iter_args(%scan3A_202 = %scan3A_19) -> (i32)  : i32 {
      %mul3A_203 = arith.constant 16 : i32
      %mul3A_204 = arith.muli %scan3A_201, %mul3A_203 : i32
      %get3A = arith.index_cast %mul3A_204 : i32 to index
      %get3A_205 = tpu.vector_load %arg8[%get3A] {strides = array<i32>} : memref<16384xi32, #tpu.memory_space<vmem>>, vector<16xi32>,
      %ge3A = vector.broadcast %mul3A_8 : i32 to vector<16xi32>
      %ge3A_206 = arith.cmpi sge, %get3A_205, %ge3A : vector<16xi32>
      %lt3A_207 = vector.broadcast %add3A_11 : i32 to vector<16xi32>
      %lt3A_208 = arith.cmpi slt, %get3A_205, %lt3A_207 : vector<16xi32>
      %and3A_209 = arith.andi %ge3A_206, %lt3A_208 : vector<16xi1>
      %swap3A = arith.index_cast %scan3A_202 : i32 to index
      %swap3A_210 = tpu.vector_load %arg9[%swap3A] masked %and3A_209 {strides = array<i32>} : memref<1680xi32, #tpu.memory_space<vmem>>, vector<16xi32>, vector<16xi1>
      tpu.vector_store %arg9[%swap3A], %get3A_205 masked %and3A_209 {strides = array<i32>} : memref<1680xi32, #tpu.memory_space<vmem>>, vector<16xi32>, vector<16xi1>
      %mul3A_211 = arith.constant 16 : i32
      %mul3A_212 = arith.muli %scan3A_201, %mul3A_211 : i32
      %add3A_213 = vector.broadcast %mul3A_212 : i32 to vector<16xi32>
      %add3A_214 = arith.addi %iota3A, %add3A_213 : vector<16xi32>
      %swap3A_215 = arith.index_cast %scan3A_202 : i32 to index
      %swap3A_216 = tpu.vector_load %arg10[%swap3A_215] masked %and3A_209 {strides = array<i32>} : memref<1680xi32, #tpu.memory_space<vmem>>, vector<16xi32>, vector<16xi1>
      tpu.vector_store %arg10[%swap3A_215], %add3A_214 masked %and3A_209 {strides = array<i32>} : memref<1680xi32, #tpu.memory_space<vmem>>, vector<16xi32>, vector<16xi1>
      %all_reduce_population_count3A = tpu.all_reduce %and3A_209 {dim = 0 : i64, kind = #tpu.reduction_kind<sum>} : vector<16xi1> -> vector<16xi32>
      %slice3A = vector.extract_strided_slice %all_reduce_population_count3A {offsets = [0], sizes = [1], strides = [1]} : vector<16xi32> to vector<1xi32>
      %squeeze3A = vector.extract %slice3A[0] : i32 from vector<1xi32>
      %add3A_217 = arith.addi %scan3A_202, %squeeze3A : i32
      scf.yield %add3A_217 : i32
    }
    %scan3A_25 = arith.constant 1024 : i32
    %add3A_26 = arith.constant 16 : i32
    %add3A_27 = arith.addi %scan3A_24, %add3A_26 : i32
    %sub3A = arith.constant 1 : i32
    %sub3A_28 = arith.subi %add3A_27, %sub3A : i32
    %jit3A_29 = arith.constant 16 : i32
    %div3A = arith.divsi %sub3A_28, %jit3A_29 : i32
    %sign3A = arith.constant 0 : i32
    %sign3A_30 = arith.cmpi sgt, %sub3A_28, %sign3A : i32
    %sign3A_31 = arith.extui %sign3A_30 : i1 to i32
    %sign3A_32 = arith.constant 0 : i32
    %sign3A_33 = arith.cmpi slt, %sub3A_28, %sign3A_32 : i32
    %sign3A_34 = arith.extui %sign3A_33 : i1 to i32
    %sign3A_35 = arith.subi %sign3A_31, %sign3A_34 : i32
    %sign3A_36 = arith.constant 0 : i32
    %sign3A_37 = arith.cmpi sgt, %jit3A_29, %sign3A_36 : i32
    %sign3A_38 = arith.extui %sign3A_37 : i1 to i32
    %sign3A_39 = arith.constant 0 : i32
    %sign3A_40 = arith.cmpi slt, %jit3A_29, %sign3A_39 : i32
    %sign3A_41 = arith.extui %sign3A_40 : i1 to i32
    %sign3A_42 = arith.subi %sign3A_38, %sign3A_41 : i32
    %ne3A = arith.cmpi ne, %sign3A_35, %sign3A_42 : i32
    %rem3A = arith.remsi %sub3A_28, %jit3A_29 : i32
    %ne3A_43 = arith.constant 0 : i32
    %ne3A_44 = arith.cmpi ne, %rem3A, %ne3A_43 : i32
    %and3A = arith.andi %ne3A, %ne3A_44 : i1
    %sub3A_45 = arith.constant 1 : i32
    %sub3A_46 = arith.subi %div3A, %sub3A_45 : i32
    %select_n3A_47 = arith.select %and3A, %sub3A_46, %div3A : i32
    %add3A_48 = arith.constant 0 : i32
    %add3A_49 = arith.addi %add3A_6, %add3A_48 : i32
    %add3A_50 = arith.addi %add3A_6, %select_n3A : i32
    %sub3A_51 = arith.constant 4 : i32
    %sub3A_52 = arith.subi %add3A_50, %sub3A_51 : i32
    %min3A_53 = arith.minsi %add3A_49, %sub3A_52 : i32
    %mul3A_54 = arith.constant 128 : i32
    %mul3A_55 = arith.muli %min3A_53, %mul3A_54 : i32
    %multiple_of3A = tpu.assume_multiple %mul3A_55, 128 : i32
    %dma_start3A = arith.constant 0 : i32
    %dma_start3A_56 = arith.constant 0 : i32
    %dma_start3A_57 = arith.constant 0 : i32
    %dma_start3A_58 = tpu.memref_slice %arg11[%dma_start3A, %dma_start3A_56, %dma_start3A_57] : memref<2x32x512xf32, #tpu.memory_space<vmem>> -> memref<1x32x512xf32, #tpu.memory_space<vmem>>
    %dma_start3A_59 = tpu.memref_squeeze %dma_start3A_58 : memref<1x32x512xf32, #tpu.memory_space<vmem>> -> memref<32x512xf32, #tpu.memory_space<vmem>>
    %dma_start3A_60 = arith.constant 0 : i32
    %dma_start3A_61 = tpu.memref_slice %arg4[%dma_start3A_60, %multiple_of3A] : memref<32x1000000xf32, #tpu.memory_space<hbm>> -> memref<32x512xf32, #tpu.memory_space<hbm>>
    %dma_start3A_62 = arith.constant 0 : i32
    %dma_start3A_63 = arith.constant 0 : i32
    %dma_start3A_64 = tpu.memref_slice %arg11[%dma_start3A, %dma_start3A_62, %dma_start3A_63] : memref<2x32x512xf32, #tpu.memory_space<vmem>> -> memref<1x32x512xf32, #tpu.memory_space<vmem>>
    %dma_start3A_65 = tpu.memref_squeeze %dma_start3A_64 : memref<1x32x512xf32, #tpu.memory_space<vmem>> -> memref<32x512xf32, #tpu.memory_space<vmem>>
    %dma_start3A_66 = arith.constant 0 : i32
    %dma_start3A_67 = tpu.memref_slice %arg4[%dma_start3A_66, %multiple_of3A] : memref<32x1000000xf32, #tpu.memory_space<hbm>> -> memref<32x512xf32, #tpu.memory_space<hbm>>
    tpu.enqueue_dma source(%dma_start3A_67 : memref<32x512xf32, #tpu.memory_space<hbm>>) target(%dma_start3A_65 : memref<32x512xf32, #tpu.memory_space<vmem>>) target_semaphore(%arg15 : memref<!tpu.dma_semaphore, #tpu.memory_space<semaphore_mem>>)
    %add3A_68 = arith.constant 4 : i32
    %add3A_69 = arith.addi %add3A_6, %add3A_68 : i32
    %add3A_70 = arith.addi %add3A_6, %select_n3A : i32
    %sub3A_71 = arith.constant 4 : i32
    %sub3A_72 = arith.subi %add3A_70, %sub3A_71 : i32
    %min3A_73 = arith.minsi %add3A_69, %sub3A_72 : i32
    %mul3A_74 = arith.constant 128 : i32
    %mul3A_75 = arith.muli %min3A_73, %mul3A_74 : i32
    %multiple_of3A_76 = tpu.assume_multiple %mul3A_75, 128 : i32
    %dma_start3A_77 = arith.constant 1 : i32
    %dma_start3A_78 = arith.constant 0 : i32
    %dma_start3A_79 = arith.constant 0 : i32
    %dma_start3A_80 = tpu.memref_slice %arg11[%dma_start3A_77, %dma_start3A_78, %dma_start3A_79] : memref<2x32x512xf32, #tpu.memory_space<vmem>> -> memref<1x32x512xf32, #tpu.memory_space<vmem>>
    %dma_start3A_81 = tpu.memref_squeeze %dma_start3A_80 : memref<1x32x512xf32, #tpu.memory_space<vmem>> -> memref<32x512xf32, #tpu.memory_space<vmem>>
    %dma_start3A_82 = arith.constant 0 : i32
    %dma_start3A_83 = tpu.memref_slice %arg4[%dma_start3A_82, %multiple_of3A_76] : memref<32x1000000xf32, #tpu.memory_space<hbm>> -> memref<32x512xf32, #tpu.memory_space<hbm>>
    %dma_start3A_84 = arith.constant 0 : i32
    %dma_start3A_85 = arith.constant 0 : i32
    %dma_start3A_86 = tpu.memref_slice %arg11[%dma_start3A_77, %dma_start3A_84, %dma_start3A_85] : memref<2x32x512xf32, #tpu.memory_space<vmem>> -> memref<1x32x512xf32, #tpu.memory_space<vmem>>
    %dma_start3A_87 = tpu.memref_squeeze %dma_start3A_86 : memref<1x32x512xf32, #tpu.memory_space<vmem>> -> memref<32x512xf32, #tpu.memory_space<vmem>>
    %dma_start3A_88 = arith.constant 0 : i32
    %dma_start3A_89 = tpu.memref_slice %arg4[%dma_start3A_88, %multiple_of3A_76] : memref<32x1000000xf32, #tpu.memory_space<hbm>> -> memref<32x512xf32, #tpu.memory_space<hbm>>
    tpu.enqueue_dma source(%dma_start3A_89 : memref<32x512xf32, #tpu.memory_space<hbm>>) target(%dma_start3A_87 : memref<32x512xf32, #tpu.memory_space<vmem>>) target_semaphore(%arg15 : memref<!tpu.dma_semaphore, #tpu.memory_space<semaphore_mem>>)
    %scan3A_90 = arith.constant 0 : i32
    %scan3A_91 = arith.constant 0 : i32
    %scan3A_92 = arith.constant 62 : i32
    %scan3A_93 = arith.addi %scan3A_91, %scan3A_92 : i32
    %scan3A_94 = arith.constant 1 : i32
    %scan3A_95 = scf.for %scan3A_201 = %scan3A_91 to %scan3A_93 step %scan3A_94 iter_args(%scan3A_202 = %scan3A_90) -> (i32)  : i32 {
      %and3A_203 = arith.constant 1 : i32
      %and3A_204 = arith.andi %scan3A_201, %and3A_203 : i32
      %dma_wait3A_205 = arith.constant 0 : i32
      %dma_wait3A_206 = arith.constant 0 : i32
      %dma_wait3A_207 = tpu.memref_slice %arg11[%and3A_204, %dma_wait3A_205, %dma_wait3A_206] : memref<2x32x512xf32, #tpu.memory_space<vmem>> -> memref<1x32x512xf32, #tpu.memory_space<vmem>>
      %dma_wait3A_208 = tpu.memref_squeeze %dma_wait3A_207 : memref<1x32x512xf32, #tpu.memory_space<vmem>> -> memref<32x512xf32, #tpu.memory_space<vmem>>
      %dma_wait3A_209 = arith.constant 0 : i32
      %dma_wait3A_210 = arith.constant 0 : i32
      %dma_wait3A_211 = tpu.memref_slice %arg4[%dma_wait3A_209, %dma_wait3A_210] : memref<32x1000000xf32, #tpu.memory_space<hbm>> -> memref<32x512xf32, #tpu.memory_space<hbm>>
      %dma_wait3A_212 = arith.constant 0 : i32
      %dma_wait3A_213 = arith.constant 0 : i32
      %dma_wait3A_214 = tpu.memref_slice %arg11[%and3A_204, %dma_wait3A_212, %dma_wait3A_213] : memref<2x32x512xf32, #tpu.memory_space<vmem>> -> memref<1x32x512xf32, #tpu.memory_space<vmem>>
      %dma_wait3A_215 = tpu.memref_squeeze %dma_wait3A_214 : memref<1x32x512xf32, #tpu.memory_space<vmem>> -> memref<32x512xf32, #tpu.memory_space<vmem>>
      %dma_wait3A_216 = arith.constant 0 : i32
      %dma_wait3A_217 = arith.constant 0 : i32
      %dma_wait3A_218 = tpu.memref_slice %arg4[%dma_wait3A_216, %dma_wait3A_217] : memref<32x1000000xf32, #tpu.memory_space<hbm>> -> memref<32x512xf32, #tpu.memory_space<hbm>>
      tpu.wait_dma2 semaphore(%arg15 : memref<!tpu.dma_semaphore, #tpu.memory_space<semaphore_mem>>) src(%dma_wait3A_218 : memref<32x512xf32, #tpu.memory_space<hbm>>) dst(%dma_wait3A_215 : memref<32x512xf32, #tpu.memory_space<vmem>>)
      %mul3A_219 = arith.constant 4 : i32
      %mul3A_220 = arith.muli %mul3A_219, %scan3A_201 : i32
      %add3A_221 = arith.addi %add3A_6, %mul3A_220 : i32
      %add3A_222 = arith.addi %add3A_6, %select_n3A : i32
      %sub3A_223 = arith.constant 4 : i32
      %sub3A_224 = arith.subi %add3A_222, %sub3A_223 : i32
      %min3A_225 = arith.minsi %add3A_221, %sub3A_224 : i32
      %mul3A_226 = arith.constant 512 : i32
      %mul3A_227 = arith.muli %scan3A_201, %mul3A_226 : i32
      %add3A_228 = arith.addi %mul3A_8, %mul3A_227 : i32
      %add3A_229 = arith.constant 512 : i32
      %add3A_230 = arith.addi %add3A_228, %add3A_229 : i32
      %min3A_231 = arith.minsi %add3A_230, %add3A_11 : i32
      %mul3A_232 = arith.constant 128 : i32
      %mul3A_233 = arith.muli %min3A_225, %mul3A_232 : i32
      %while3A = arith.constant 0 : i32
      %while3A_234 = arith.constant 0 : i32
      %while3A_235 = arith.constant 0 : i32
      %while3A_236 = arith.subi %select_n3A_47, %while3A_234 : i32
      %while3A_237 = arith.addi %while3A_234, %while3A_236 : i32
      %while3A_238 = arith.constant 1 : i32
      %while3A_239 = arith.divsi %while3A_236, %while3A_238 : i32
      %while3A_240 = arith.muli %while3A_239, %while3A_238 : i32
      %while3A_241 = arith.addi %while3A_234, %while3A_240 : i32
      %while3A_242 = arith.constant 1 : i32
      %while3A_243 = scf.for %while3A_260 = %while3A_234 to %while3A_241 step %while3A_242 iter_args(%while3A_261 = %while3A_235) -> (i32)  : i32 {
        %mul3A_262 = arith.constant 16 : i32
        %mul3A_263 = arith.muli %while3A_260, %mul3A_262 : i32
        %get3A = arith.index_cast %mul3A_263 : i32 to index
        %get3A_264 = tpu.vector_load %arg9[%get3A] {strides = array<i32>} : memref<1680xi32, #tpu.memory_space<vmem>>, vector<16xi32>,
        %mul3A_265 = arith.constant 16 : i32
        %mul3A_266 = arith.muli %while3A_260, %mul3A_265 : i32
        %get3A_267 = arith.index_cast %mul3A_266 : i32 to index
        %get3A_268 = tpu.vector_load %arg10[%get3A_267] {strides = array<i32>} : memref<1680xi32, #tpu.memory_space<vmem>>, vector<16xi32>,
        %ge3A = vector.broadcast %add3A_228 : i32 to vector<16xi32>
        %ge3A_269 = arith.cmpi sge, %get3A_264, %ge3A : vector<16xi32>
        %lt3A_270 = vector.broadcast %min3A_231 : i32 to vector<16xi32>
        %lt3A_271 = arith.cmpi slt, %get3A_264, %lt3A_270 : vector<16xi32>
        %and3A_272 = arith.andi %ge3A_269, %lt3A_271 : vector<16xi1>
        %mul3A_273 = arith.constant 16 : i32
        %mul3A_274 = arith.muli %while3A_260, %mul3A_273 : i32
        %add3A_275 = vector.broadcast %mul3A_274 : i32 to vector<16xi32>
        %add3A_276 = arith.addi %iota3A, %add3A_275 : vector<16xi32>
        %lt3A_277 = vector.broadcast %scan3A_24 : i32 to vector<16xi32>
        %lt3A_278 = arith.cmpi slt, %add3A_276, %lt3A_277 : vector<16xi32>
        %and3A_279 = arith.andi %and3A_272, %lt3A_278 : vector<16xi1>
        %add3A_280 = arith.constant 832 : i32
        %add3A_281 = arith.addi %add3A_280, %while3A_261 : i32
        %swap3A = arith.index_cast %add3A_281 : i32 to index
        %swap3A_282 = tpu.vector_load %arg9[%swap3A] masked %and3A_279 {strides = array<i32>} : memref<1680xi32, #tpu.memory_space<vmem>>, vector<16xi32>, vector<16xi1>
        tpu.vector_store %arg9[%swap3A], %get3A_264 masked %and3A_279 {strides = array<i32>} : memref<1680xi32, #tpu.memory_space<vmem>>, vector<16xi32>, vector<16xi1>
        %add3A_283 = arith.constant 832 : i32
        %add3A_284 = arith.addi %add3A_283, %while3A_261 : i32
        %swap3A_285 = arith.index_cast %add3A_284 : i32 to index
        %swap3A_286 = tpu.vector_load %arg10[%swap3A_285] masked %and3A_279 {strides = array<i32>} : memref<1680xi32, #tpu.memory_space<vmem>>, vector<16xi32>, vector<16xi1>
        tpu.vector_store %arg10[%swap3A_285], %get3A_268 masked %and3A_279 {strides = array<i32>} : memref<1680xi32, #tpu.memory_space<vmem>>, vector<16xi32>, vector<16xi1>
        %all_reduce_population_count3A = tpu.all_reduce %and3A_279 {dim = 0 : i64, kind = #tpu.reduction_kind<sum>} : vector<16xi1> -> vector<16xi32>
        %slice3A = vector.extract_strided_slice %all_reduce_population_count3A {offsets = [0], sizes = [1], strides = [1]} : vector<16xi32> to vector<1xi32>
        %squeeze3A = vector.extract %slice3A[0] : i32 from vector<1xi32>
        %add3A_287 = arith.addi %while3A_261, %squeeze3A : i32
        scf.yield %add3A_287 : i32
      }
      %while3A_244 = arith.constant 1 : i32
      %while3A_245 = scf.for %while3A_260 = %while3A_241 to %while3A_237 step %while3A_244 iter_args(%while3A_261 = %while3A_243) -> (i32)  : i32 {
        %mul3A_262 = arith.constant 16 : i32
        %mul3A_263 = arith.muli %while3A_260, %mul3A_262 : i32
        %get3A = arith.index_cast %mul3A_263 : i32 to index
        %get3A_264 = tpu.vector_load %arg9[%get3A] {strides = array<i32>} : memref<1680xi32, #tpu.memory_space<vmem>>, vector<16xi32>,
        %mul3A_265 = arith.constant 16 : i32
        %mul3A_266 = arith.muli %while3A_260, %mul3A_265 : i32
        %get3A_267 = arith.index_cast %mul3A_266 : i32 to index
        %get3A_268 = tpu.vector_load %arg10[%get3A_267] {strides = array<i32>} : memref<1680xi32, #tpu.memory_space<vmem>>, vector<16xi32>,
        %ge3A = vector.broadcast %add3A_228 : i32 to vector<16xi32>
        %ge3A_269 = arith.cmpi sge, %get3A_264, %ge3A : vector<16xi32>
        %lt3A_270 = vector.broadcast %min3A_231 : i32 to vector<16xi32>
        %lt3A_271 = arith.cmpi slt, %get3A_264, %lt3A_270 : vector<16xi32>
        %and3A_272 = arith.andi %ge3A_269, %lt3A_271 : vector<16xi1>
        %mul3A_273 = arith.constant 16 : i32
        %mul3A_274 = arith.muli %while3A_260, %mul3A_273 : i32
        %add3A_275 = vector.broadcast %mul3A_274 : i32 to vector<16xi32>
        %add3A_276 = arith.addi %iota3A, %add3A_275 : vector<16xi32>
        %lt3A_277 = vector.broadcast %scan3A_24 : i32 to vector<16xi32>
        %lt3A_278 = arith.cmpi slt, %add3A_276, %lt3A_277 : vector<16xi32>
        %and3A_279 = arith.andi %and3A_272, %lt3A_278 : vector<16xi1>
        %add3A_280 = arith.constant 832 : i32
        %add3A_281 = arith.addi %add3A_280, %while3A_261 : i32
        %swap3A = arith.index_cast %add3A_281 : i32 to index
        %swap3A_282 = tpu.vector_load %arg9[%swap3A] masked %and3A_279 {strides = array<i32>} : memref<1680xi32, #tpu.memory_space<vmem>>, vector<16xi32>, vector<16xi1>
        tpu.vector_store %arg9[%swap3A], %get3A_264 masked %and3A_279 {strides = array<i32>} : memref<1680xi32, #tpu.memory_space<vmem>>, vector<16xi32>, vector<16xi1>
        %add3A_283 = arith.constant 832 : i32
        %add3A_284 = arith.addi %add3A_283, %while3A_261 : i32
        %swap3A_285 = arith.index_cast %add3A_284 : i32 to index
        %swap3A_286 = tpu.vector_load %arg10[%swap3A_285] masked %and3A_279 {strides = array<i32>} : memref<1680xi32, #tpu.memory_space<vmem>>, vector<16xi32>, vector<16xi1>
        tpu.vector_store %arg10[%swap3A_285], %get3A_268 masked %and3A_279 {strides = array<i32>} : memref<1680xi32, #tpu.memory_space<vmem>>, vector<16xi32>, vector<16xi1>
        %all_reduce_population_count3A = tpu.all_reduce %and3A_279 {dim = 0 : i64, kind = #tpu.reduction_kind<sum>} : vector<16xi1> -> vector<16xi32>
        %slice3A = vector.extract_strided_slice %all_reduce_population_count3A {offsets = [0], sizes = [1], strides = [1]} : vector<16xi32> to vector<1xi32>
        %squeeze3A = vector.extract %slice3A[0] : i32 from vector<1xi32>
        %add3A_287 = arith.addi %while3A_261, %squeeze3A : i32
        scf.yield %add3A_287 : i32
      }
      %while3A_246 = arith.constant 0 : i32
      %while3A_247 = arith.subi %while3A_245, %while3A_246 : i32
      %while3A_248 = arith.addi %while3A_246, %while3A_247 : i32
      %while3A_249 = arith.constant 1 : i32
      %while3A_250 = arith.divsi %while3A_247, %while3A_249 : i32
      %while3A_251 = arith.muli %while3A_250, %while3A_249 : i32
      %while3A_252 = arith.addi %while3A_246, %while3A_251 : i32
      %while3A_253 = arith.constant 1 : i32
      %while3A_254 = scf.for %while3A_260 = %while3A_246 to %while3A_252 step %while3A_253 iter_args(%while3A_261 = %scan3A_202) -> (i32)  : i32 {
        %shift_right_arithmetic3A = arith.constant 4 : i32
        %shift_right_arithmetic3A_262 = arith.shrsi %while3A_260, %shift_right_arithmetic3A : i32
        %shift_left3A = arith.constant 4 : i32
        %shift_left3A_263 = arith.shli %shift_right_arithmetic3A_262, %shift_left3A : i32
        %add3A_264 = arith.constant 832 : i32
        %add3A_265 = arith.addi %add3A_264, %shift_left3A_263 : i32
        %and3A_266 = arith.constant 15 : i32
        %and3A_267 = arith.andi %while3A_260, %and3A_266 : i32
        %eq3A = vector.broadcast %and3A_267 : i32 to vector<16xi32>
        %eq3A_268 = arith.cmpi eq, %iota3A, %eq3A : vector<16xi32>
        %get3A = arith.index_cast %add3A_265 : i32 to index
        %get3A_269 = tpu.vector_load %arg9[%get3A] {strides = array<i32>} : memref<1680xi32, #tpu.memory_space<vmem>>, vector<16xi32>,
        %jit3A_270 = arith.constant 0 : i32
        %broadcast_in_dim3A_271 = vector.broadcast %jit3A_270 : i32 to vector<16xi32>
        %select_n3A_272 = arith.select %eq3A_268, %get3A_269, %broadcast_in_dim3A_271 : vector<16xi1>, vector<16xi32>
        %reduce_sum3A = arith.constant true
        %reduce_sum3A_273 = vector.broadcast %reduce_sum3A : i1 to vector<16xi1>
        %reduce_sum3A_274 = tpu.scan <sum>, %select_n3A_272 masked %reduce_sum3A_273 : vector<16xi32>, vector<16xi1> -> vector<16xi32>
        %reduce_sum3A_275 = vector.extract %reduce_sum3A_274[15] : i32 from vector<16xi32>
        %get3A_276 = arith.index_cast %add3A_265 : i32 to index
        %get3A_277 = tpu.vector_load %arg10[%get3A_276] {strides = array<i32>} : memref<1680xi32, #tpu.memory_space<vmem>>, vector<16xi32>,
        %jit3A_278 = arith.constant 0 : i32
        %broadcast_in_dim3A_279 = vector.broadcast %jit3A_278 : i32 to vector<16xi32>
        %select_n3A_280 = arith.select %eq3A_268, %get3A_277, %broadcast_in_dim3A_279 : vector<16xi1>, vector<16xi32>
        %reduce_sum3A_281 = arith.constant true
        %reduce_sum3A_282 = vector.broadcast %reduce_sum3A_281 : i1 to vector<16xi1>
        %reduce_sum3A_283 = tpu.scan <sum>, %select_n3A_280 masked %reduce_sum3A_282 : vector<16xi32>, vector<16xi1> -> vector<16xi32>
        %reduce_sum3A_284 = vector.extract %reduce_sum3A_283[15] : i32 from vector<16xi32>
        %sub3A_285 = arith.subi %reduce_sum3A_275, %mul3A_233 : i32
        %broadcast_in_dim3A_286 = vector.broadcast %sub3A_285 : i32 to vector<16xi32>
        %gather3A = arith.constant 0 : i32
        %gather3A_287 = arith.constant 0 : i32
        %gather3A_288 = tpu.memref_slice %arg11[%and3A_204, %gather3A, %gather3A_287] : memref<2x32x512xf32, #tpu.memory_space<vmem>> -> memref<1x32x512xf32, #tpu.memory_space<vmem>>
        %gather3A_289 = tpu.memref_squeeze %gather3A_288 : memref<1x32x512xf32, #tpu.memory_space<vmem>> -> memref<32x512xf32, #tpu.memory_space<vmem>>
        %gather3A_290 = tpu.vector_load_idx %gather3A_289[%iota3A, %broadcast_in_dim3A_286] : memref<32x512xf32, #tpu.memory_space<vmem>>[vector<16xi32>, vector<16xi32>], vector<16xf32>,
        %add3A_291 = arith.constant 16 : i32
        %add3A_292 = vector.broadcast %add3A_291 : i32 to vector<16xi32>
        %add3A_293 = arith.addi %iota3A, %add3A_292 : vector<16xi32>
        %gather3A_294 = arith.constant 0 : i32
        %gather3A_295 = arith.constant 0 : i32
        %gather3A_296 = tpu.memref_slice %arg11[%and3A_204, %gather3A_294, %gather3A_295] : memref<2x32x512xf32, #tpu.memory_space<vmem>> -> memref<1x32x512xf32, #tpu.memory_space<vmem>>
        %gather3A_297 = tpu.memref_squeeze %gather3A_296 : memref<1x32x512xf32, #tpu.memory_space<vmem>> -> memref<32x512xf32, #tpu.memory_space<vmem>>
        %gather3A_298 = tpu.vector_load_idx %gather3A_297[%add3A_293, %broadcast_in_dim3A_286] : memref<32x512xf32, #tpu.memory_space<vmem>>[vector<16xi32>, vector<16xi32>], vector<16xf32>,
        %mul3A_299 = arith.constant 32 : i32
        %mul3A_300 = arith.muli %while3A_261, %mul3A_299 : i32
        %swap3A = arith.index_cast %mul3A_300 : i32 to index
        %swap3A_301 = tpu.vector_load %arg12[%swap3A] {strides = array<i32>} : memref<26624xf32, #tpu.memory_space<vmem>>, vector<16xf32>,
        tpu.vector_store %arg12[%swap3A], %gather3A_290 {strides = array<i32>} : memref<26624xf32, #tpu.memory_space<vmem>>, vector<16xf32>,
        %mul3A_302 = arith.constant 32 : i32
        %mul3A_303 = arith.muli %while3A_261, %mul3A_302 : i32
        %add3A_304 = arith.constant 16 : i32
        %add3A_305 = arith.addi %mul3A_303, %add3A_304 : i32
        %swap3A_306 = arith.index_cast %add3A_305 : i32 to index
        %swap3A_307 = tpu.vector_load %arg12[%swap3A_306] {strides = array<i32>} : memref<26624xf32, #tpu.memory_space<vmem>>, vector<16xf32>,
        tpu.vector_store %arg12[%swap3A_306], %gather3A_298 {strides = array<i32>} : memref<26624xf32, #tpu.memory_space<vmem>>, vector<16xf32>,
        %mul3A_308 = arith.constant 32 : i32
        %mul3A_309 = arith.muli %reduce_sum3A_284, %mul3A_308 : i32
        %add3A_310 = vector.broadcast %mul3A_309 : i32 to vector<16xi32>
        %add3A_311 = arith.addi %add3A_310, %iota3A : vector<16xi32>
        %mul3A_312 = arith.constant 32 : i32
        %mul3A_313 = arith.muli %while3A_261, %mul3A_312 : i32
        %swap3A_314 = arith.index_cast %mul3A_313 : i32 to index
        %swap3A_315 = tpu.vector_load %arg13[%swap3A_314] {strides = array<i32>} : memref<26624xi32, #tpu.memory_space<vmem>>, vector<16xi32>,
        tpu.vector_store %arg13[%swap3A_314], %add3A_311 {strides = array<i32>} : memref<26624xi32, #tpu.memory_space<vmem>>, vector<16xi32>,
        %mul3A_316 = arith.constant 32 : i32
        %mul3A_317 = arith.muli %reduce_sum3A_284, %mul3A_316 : i32
        %add3A_318 = arith.constant 16 : i32
        %add3A_319 = arith.addi %mul3A_317, %add3A_318 : i32
        %add3A_320 = vector.broadcast %add3A_319 : i32 to vector<16xi32>
        %add3A_321 = arith.addi %add3A_320, %iota3A : vector<16xi32>
        %mul3A_322 = arith.constant 32 : i32
        %mul3A_323 = arith.muli %while3A_261, %mul3A_322 : i32
        %add3A_324 = arith.constant 16 : i32
        %add3A_325 = arith.addi %mul3A_323, %add3A_324 : i32
        %swap3A_326 = arith.index_cast %add3A_325 : i32 to index
        %swap3A_327 = tpu.vector_load %arg13[%swap3A_326] {strides = array<i32>} : memref<26624xi32, #tpu.memory_space<vmem>>, vector<16xi32>,
        tpu.vector_store %arg13[%swap3A_326], %add3A_321 {strides = array<i32>} : memref<26624xi32, #tpu.memory_space<vmem>>, vector<16xi32>,
        %add3A_328 = arith.constant 1 : i32
        %add3A_329 = arith.addi %while3A_261, %add3A_328 : i32
        scf.yield %add3A_329 : i32
      }
      %while3A_255 = arith.constant 1 : i32
      %while3A_256 = scf.for %while3A_260 = %while3A_252 to %while3A_248 step %while3A_255 iter_args(%while3A_261 = %while3A_254) -> (i32)  : i32 {
        %shift_right_arithmetic3A = arith.constant 4 : i32
        %shift_right_arithmetic3A_262 = arith.shrsi %while3A_260, %shift_right_arithmetic3A : i32
        %shift_left3A = arith.constant 4 : i32
        %shift_left3A_263 = arith.shli %shift_right_arithmetic3A_262, %shift_left3A : i32
        %add3A_264 = arith.constant 832 : i32
        %add3A_265 = arith.addi %add3A_264, %shift_left3A_263 : i32
        %and3A_266 = arith.constant 15 : i32
        %and3A_267 = arith.andi %while3A_260, %and3A_266 : i32
        %eq3A = vector.broadcast %and3A_267 : i32 to vector<16xi32>
        %eq3A_268 = arith.cmpi eq, %iota3A, %eq3A : vector<16xi32>
        %get3A = arith.index_cast %add3A_265 : i32 to index
        %get3A_269 = tpu.vector_load %arg9[%get3A] {strides = array<i32>} : memref<1680xi32, #tpu.memory_space<vmem>>, vector<16xi32>,
        %jit3A_270 = arith.constant 0 : i32
        %broadcast_in_dim3A_271 = vector.broadcast %jit3A_270 : i32 to vector<16xi32>
        %select_n3A_272 = arith.select %eq3A_268, %get3A_269, %broadcast_in_dim3A_271 : vector<16xi1>, vector<16xi32>
        %reduce_sum3A = arith.constant true
        %reduce_sum3A_273 = vector.broadcast %reduce_sum3A : i1 to vector<16xi1>
        %reduce_sum3A_274 = tpu.scan <sum>, %select_n3A_272 masked %reduce_sum3A_273 : vector<16xi32>, vector<16xi1> -> vector<16xi32>
        %reduce_sum3A_275 = vector.extract %reduce_sum3A_274[15] : i32 from vector<16xi32>
        %get3A_276 = arith.index_cast %add3A_265 : i32 to index
        %get3A_277 = tpu.vector_load %arg10[%get3A_276] {strides = array<i32>} : memref<1680xi32, #tpu.memory_space<vmem>>, vector<16xi32>,
        %jit3A_278 = arith.constant 0 : i32
        %broadcast_in_dim3A_279 = vector.broadcast %jit3A_278 : i32 to vector<16xi32>
        %select_n3A_280 = arith.select %eq3A_268, %get3A_277, %broadcast_in_dim3A_279 : vector<16xi1>, vector<16xi32>
        %reduce_sum3A_281 = arith.constant true
        %reduce_sum3A_282 = vector.broadcast %reduce_sum3A_281 : i1 to vector<16xi1>
        %reduce_sum3A_283 = tpu.scan <sum>, %select_n3A_280 masked %reduce_sum3A_282 : vector<16xi32>, vector<16xi1> -> vector<16xi32>
        %reduce_sum3A_284 = vector.extract %reduce_sum3A_283[15] : i32 from vector<16xi32>
        %sub3A_285 = arith.subi %reduce_sum3A_275, %mul3A_233 : i32
        %broadcast_in_dim3A_286 = vector.broadcast %sub3A_285 : i32 to vector<16xi32>
        %gather3A = arith.constant 0 : i32
        %gather3A_287 = arith.constant 0 : i32
        %gather3A_288 = tpu.memref_slice %arg11[%and3A_204, %gather3A, %gather3A_287] : memref<2x32x512xf32, #tpu.memory_space<vmem>> -> memref<1x32x512xf32, #tpu.memory_space<vmem>>
        %gather3A_289 = tpu.memref_squeeze %gather3A_288 : memref<1x32x512xf32, #tpu.memory_space<vmem>> -> memref<32x512xf32, #tpu.memory_space<vmem>>
        %gather3A_290 = tpu.vector_load_idx %gather3A_289[%iota3A, %broadcast_in_dim3A_286] : memref<32x512xf32, #tpu.memory_space<vmem>>[vector<16xi32>, vector<16xi32>], vector<16xf32>,
        %add3A_291 = arith.constant 16 : i32
        %add3A_292 = vector.broadcast %add3A_291 : i32 to vector<16xi32>
        %add3A_293 = arith.addi %iota3A, %add3A_292 : vector<16xi32>
        %gather3A_294 = arith.constant 0 : i32
        %gather3A_295 = arith.constant 0 : i32
        %gather3A_296 = tpu.memref_slice %arg11[%and3A_204, %gather3A_294, %gather3A_295] : memref<2x32x512xf32, #tpu.memory_space<vmem>> -> memref<1x32x512xf32, #tpu.memory_space<vmem>>
        %gather3A_297 = tpu.memref_squeeze %gather3A_296 : memref<1x32x512xf32, #tpu.memory_space<vmem>> -> memref<32x512xf32, #tpu.memory_space<vmem>>
        %gather3A_298 = tpu.vector_load_idx %gather3A_297[%add3A_293, %broadcast_in_dim3A_286] : memref<32x512xf32, #tpu.memory_space<vmem>>[vector<16xi32>, vector<16xi32>], vector<16xf32>,
        %mul3A_299 = arith.constant 32 : i32
        %mul3A_300 = arith.muli %while3A_261, %mul3A_299 : i32
        %swap3A = arith.index_cast %mul3A_300 : i32 to index
        %swap3A_301 = tpu.vector_load %arg12[%swap3A] {strides = array<i32>} : memref<26624xf32, #tpu.memory_space<vmem>>, vector<16xf32>,
        tpu.vector_store %arg12[%swap3A], %gather3A_290 {strides = array<i32>} : memref<26624xf32, #tpu.memory_space<vmem>>, vector<16xf32>,
        %mul3A_302 = arith.constant 32 : i32
        %mul3A_303 = arith.muli %while3A_261, %mul3A_302 : i32
        %add3A_304 = arith.constant 16 : i32
        %add3A_305 = arith.addi %mul3A_303, %add3A_304 : i32
        %swap3A_306 = arith.index_cast %add3A_305 : i32 to index
        %swap3A_307 = tpu.vector_load %arg12[%swap3A_306] {strides = array<i32>} : memref<26624xf32, #tpu.memory_space<vmem>>, vector<16xf32>,
        tpu.vector_store %arg12[%swap3A_306], %gather3A_298 {strides = array<i32>} : memref<26624xf32, #tpu.memory_space<vmem>>, vector<16xf32>,
        %mul3A_308 = arith.constant 32 : i32
        %mul3A_309 = arith.muli %reduce_sum3A_284, %mul3A_308 : i32
        %add3A_310 = vector.broadcast %mul3A_309 : i32 to vector<16xi32>
        %add3A_311 = arith.addi %add3A_310, %iota3A : vector<16xi32>
        %mul3A_312 = arith.constant 32 : i32
        %mul3A_313 = arith.muli %while3A_261, %mul3A_312 : i32
        %swap3A_314 = arith.index_cast %mul3A_313 : i32 to index
        %swap3A_315 = tpu.vector_load %arg13[%swap3A_314] {strides = array<i32>} : memref<26624xi32, #tpu.memory_space<vmem>>, vector<16xi32>,
        tpu.vector_store %arg13[%swap3A_314], %add3A_311 {strides = array<i32>} : memref<26624xi32, #tpu.memory_space<vmem>>, vector<16xi32>,
        %mul3A_316 = arith.constant 32 : i32
        %mul3A_317 = arith.muli %reduce_sum3A_284, %mul3A_316 : i32
        %add3A_318 = arith.constant 16 : i32
        %add3A_319 = arith.addi %mul3A_317, %add3A_318 : i32
        %add3A_320 = vector.broadcast %add3A_319 : i32 to vector<16xi32>
        %add3A_321 = arith.addi %add3A_320, %iota3A : vector<16xi32>
        %mul3A_322 = arith.constant 32 : i32
        %mul3A_323 = arith.muli %while3A_261, %mul3A_322 : i32
        %add3A_324 = arith.constant 16 : i32
        %add3A_325 = arith.addi %mul3A_323, %add3A_324 : i32
        %swap3A_326 = arith.index_cast %add3A_325 : i32 to index
        %swap3A_327 = tpu.vector_load %arg13[%swap3A_326] {strides = array<i32>} : memref<26624xi32, #tpu.memory_space<vmem>>, vector<16xi32>,
        tpu.vector_store %arg13[%swap3A_326], %add3A_321 {strides = array<i32>} : memref<26624xi32, #tpu.memory_space<vmem>>, vector<16xi32>,
        %add3A_328 = arith.constant 1 : i32
        %add3A_329 = arith.addi %while3A_261, %add3A_328 : i32
        scf.yield %add3A_329 : i32
      }
      %lt3A_257 = arith.constant 60 : i32
      %lt3A_258 = arith.cmpi slt, %scan3A_201, %lt3A_257 : i32
      %convert_element_type3A = arith.extui %lt3A_258 : i1 to i32
      %cond3A = arith.constant 0 : i32
      %cond3A_259 = arith.cmpi ne, %convert_element_type3A, %cond3A : i32
      scf.if %cond3A_259 {
        %add3A_260 = arith.constant 2 : i32
        %add3A_261 = arith.addi %scan3A_201, %add3A_260 : i32
        %mul3A_262 = arith.constant 4 : i32
        %mul3A_263 = arith.muli %mul3A_262, %add3A_261 : i32
        %add3A_264 = arith.addi %add3A_6, %mul3A_263 : i32
        %add3A_265 = arith.addi %add3A_6, %select_n3A : i32
        %sub3A_266 = arith.constant 4 : i32
        %sub3A_267 = arith.subi %add3A_265, %sub3A_266 : i32
        %min3A_268 = arith.minsi %add3A_264, %sub3A_267 : i32
        %mul3A_269 = arith.constant 128 : i32
        %mul3A_270 = arith.muli %min3A_268, %mul3A_269 : i32
        %multiple_of3A_271 = tpu.assume_multiple %mul3A_270, 128 : i32
        %dma_start3A_272 = arith.constant 0 : i32
        %dma_start3A_273 = arith.constant 0 : i32
        %dma_start3A_274 = tpu.memref_slice %arg11[%and3A_204, %dma_start3A_272, %dma_start3A_273] : memref<2x32x512xf32, #tpu.memory_space<vmem>> -> memref<1x32x512xf32, #tpu.memory_space<vmem>>
        %dma_start3A_275 = tpu.memref_squeeze %dma_start3A_274 : memref<1x32x512xf32, #tpu.memory_space<vmem>> -> memref<32x512xf32, #tpu.memory_space<vmem>>
        %dma_start3A_276 = arith.constant 0 : i32
        %dma_start3A_277 = tpu.memref_slice %arg4[%dma_start3A_276, %multiple_of3A_271] : memref<32x1000000xf32, #tpu.memory_space<hbm>> -> memref<32x512xf32, #tpu.memory_space<hbm>>
        %dma_start3A_278 = arith.constant 0 : i32
        %dma_start3A_279 = arith.constant 0 : i32
        %dma_start3A_280 = tpu.memref_slice %arg11[%and3A_204, %dma_start3A_278, %dma_start3A_279] : memref<2x32x512xf32, #tpu.memory_space<vmem>> -> memref<1x32x512xf32, #tpu.memory_space<vmem>>
        %dma_start3A_281 = tpu.memref_squeeze %dma_start3A_280 : memref<1x32x512xf32, #tpu.memory_space<vmem>> -> memref<32x512xf32, #tpu.memory_space<vmem>>
        %dma_start3A_282 = arith.constant 0 : i32
        %dma_start3A_283 = tpu.memref_slice %arg4[%dma_start3A_282, %multiple_of3A_271] : memref<32x1000000xf32, #tpu.memory_space<hbm>> -> memref<32x512xf32, #tpu.memory_space<hbm>>
        tpu.enqueue_dma source(%dma_start3A_283 : memref<32x512xf32, #tpu.memory_space<hbm>>) target(%dma_start3A_281 : memref<32x512xf32, #tpu.memory_space<vmem>>) target_semaphore(%arg15 : memref<!tpu.dma_semaphore, #tpu.memory_space<semaphore_mem>>)
      } else {
      }
      scf.yield %while3A_256 : i32
    }
    %scan3A_96 = arith.constant 62 : i32
    %dma_start3A_97 = arith.constant 0 : i32
    %dma_start3A_98 = tpu.memref_slice %arg6[%dma_start3A_97] : memref<524288xf32, #tpu.memory_space<hbm>> -> memref<524288xf32, #tpu.memory_space<hbm>>
    %dma_start3A_99 = arith.constant -1 : i32
    tpu.enqueue_indirect_dma source(%arg12 : memref<26624xf32, #tpu.memory_space<vmem>>) target(%dma_start3A_98 : memref<524288xf32, #tpu.memory_space<hbm>>) offsets(%arg13 : memref<26624xi32, #tpu.memory_space<vmem>>) offset_filter(%dma_start3A_99) semaphore(%arg14 : memref<!tpu.dma_semaphore, #tpu.memory_space<semaphore_mem>>)
    %dma_wait3A = arith.constant 0 : i32
    %dma_wait3A_100 = tpu.memref_slice %arg6[%dma_wait3A] : memref<524288xf32, #tpu.memory_space<hbm>> -> memref<524288xf32, #tpu.memory_space<hbm>>
    tpu.wait_indirect_dma semaphore(%arg14 : memref<!tpu.dma_semaphore, #tpu.memory_space<semaphore_mem>>) src(%arg12 : memref<26624xf32, #tpu.memory_space<vmem>>) dst(%dma_wait3A_100 : memref<524288xf32, #tpu.memory_space<hbm>>)
    "tpu.region"() ({
      %run_scoped3A = tpu.sem_alloc : memref<!tpu.dma_semaphore, #tpu.memory_space<semaphore_mem>>
      tpu.enqueue_dma source(%arg3 : memref<16384xi32, #tpu.memory_space<hbm>>) target(%arg8 : memref<16384xi32, #tpu.memory_space<vmem>>) target_semaphore(%run_scoped3A : memref<!tpu.dma_semaphore, #tpu.memory_space<semaphore_mem>>)
      tpu.wait_dma2 semaphore(%run_scoped3A : memref<!tpu.dma_semaphore, #tpu.memory_space<semaphore_mem>>) src(%arg3 : memref<16384xi32, #tpu.memory_space<hbm>>) dst(%arg8 : memref<16384xi32, #tpu.memory_space<vmem>>)
      tpu.yield
    }) : () -> ()
    %broadcast_in_dim3A_101 = arith.constant -1 : i32
    %broadcast_in_dim3A_102 = vector.broadcast %broadcast_in_dim3A_101 : i32 to vector<16xi32>
    %scan3A_103 = arith.constant 0 : i32
    %scan3A_104 = arith.constant 0 : i32
    %scan3A_105 = arith.constant 1664 : i32
    %scan3A_106 = arith.addi %scan3A_104, %scan3A_105 : i32
    %scan3A_107 = arith.constant 1 : i32
    %scan3A_108 = scf.for %scan3A_201 = %scan3A_104 to %scan3A_106 step %scan3A_107 iter_args(%scan3A_202 = %scan3A_103) -> (i32)  : i32 {
      %mul3A_203 = arith.constant 16 : i32
      %mul3A_204 = arith.muli %scan3A_201, %mul3A_203 : i32
      %swap3A = arith.index_cast %mul3A_204 : i32 to index
      %swap3A_205 = tpu.vector_load %arg13[%swap3A] {strides = array<i32>} : memref<26624xi32, #tpu.memory_space<vmem>>, vector<16xi32>,
      tpu.vector_store %arg13[%swap3A], %broadcast_in_dim3A_102 {strides = array<i32>} : memref<26624xi32, #tpu.memory_space<vmem>>, vector<16xi32>,
      %scan3A_206 = arith.constant 0 : i32
      scf.yield %scan3A_206 : i32
    }
    %scan3A_109 = arith.constant 1664 : i32
    %scan3A_110 = arith.constant 0 : i32
    %scan3A_111 = arith.constant 0 : i32
    %scan3A_112 = arith.constant 1024 : i32
    %scan3A_113 = arith.addi %scan3A_111, %scan3A_112 : i32
    %scan3A_114 = arith.constant 1 : i32
    %scan3A_115 = scf.for %scan3A_201 = %scan3A_111 to %scan3A_113 step %scan3A_114 iter_args(%scan3A_202 = %scan3A_110) -> (i32)  : i32 {
      %mul3A_203 = arith.constant 16 : i32
      %mul3A_204 = arith.muli %scan3A_201, %mul3A_203 : i32
      %get3A = arith.index_cast %mul3A_204 : i32 to index
      %get3A_205 = tpu.vector_load %arg8[%get3A] {strides = array<i32>} : memref<16384xi32, #tpu.memory_space<vmem>>, vector<16xi32>,
      %ge3A = vector.broadcast %mul3A_8 : i32 to vector<16xi32>
      %ge3A_206 = arith.cmpi sge, %get3A_205, %ge3A : vector<16xi32>
      %lt3A_207 = vector.broadcast %add3A_11 : i32 to vector<16xi32>
      %lt3A_208 = arith.cmpi slt, %get3A_205, %lt3A_207 : vector<16xi32>
      %and3A_209 = arith.andi %ge3A_206, %lt3A_208 : vector<16xi1>
      %swap3A = arith.index_cast %scan3A_202 : i32 to index
      %swap3A_210 = tpu.vector_load %arg9[%swap3A] masked %and3A_209 {strides = array<i32>} : memref<1680xi32, #tpu.memory_space<vmem>>, vector<16xi32>, vector<16xi1>
      tpu.vector_store %arg9[%swap3A], %get3A_205 masked %and3A_209 {strides = array<i32>} : memref<1680xi32, #tpu.memory_space<vmem>>, vector<16xi32>, vector<16xi1>
      %mul3A_211 = arith.constant 16 : i32
      %mul3A_212 = arith.muli %scan3A_201, %mul3A_211 : i32
      %add3A_213 = vector.broadcast %mul3A_212 : i32 to vector<16xi32>
      %add3A_214 = arith.addi %iota3A, %add3A_213 : vector<16xi32>
      %swap3A_215 = arith.index_cast %scan3A_202 : i32 to index
      %swap3A_216 = tpu.vector_load %arg10[%swap3A_215] masked %and3A_209 {strides = array<i32>} : memref<1680xi32, #tpu.memory_space<vmem>>, vector<16xi32>, vector<16xi1>
      tpu.vector_store %arg10[%swap3A_215], %add3A_214 masked %and3A_209 {strides = array<i32>} : memref<1680xi32, #tpu.memory_space<vmem>>, vector<16xi32>, vector<16xi1>
      %all_reduce_population_count3A = tpu.all_reduce %and3A_209 {dim = 0 : i64, kind = #tpu.reduction_kind<sum>} : vector<16xi1> -> vector<16xi32>
      %slice3A = vector.extract_strided_slice %all_reduce_population_count3A {offsets = [0], sizes = [1], strides = [1]} : vector<16xi32> to vector<1xi32>
      %squeeze3A = vector.extract %slice3A[0] : i32 from vector<1xi32>
      %add3A_217 = arith.addi %scan3A_202, %squeeze3A : i32
      scf.yield %add3A_217 : i32
    }
    %scan3A_116 = arith.constant 1024 : i32
    %add3A_117 = arith.constant 16 : i32
    %add3A_118 = arith.addi %scan3A_115, %add3A_117 : i32
    %sub3A_119 = arith.constant 1 : i32
    %sub3A_120 = arith.subi %add3A_118, %sub3A_119 : i32
    %jit3A_121 = arith.constant 16 : i32
    %div3A_122 = arith.divsi %sub3A_120, %jit3A_121 : i32
    %sign3A_123 = arith.constant 0 : i32
    %sign3A_124 = arith.cmpi sgt, %sub3A_120, %sign3A_123 : i32
    %sign3A_125 = arith.extui %sign3A_124 : i1 to i32
    %sign3A_126 = arith.constant 0 : i32
    %sign3A_127 = arith.cmpi slt, %sub3A_120, %sign3A_126 : i32
    %sign3A_128 = arith.extui %sign3A_127 : i1 to i32
    %sign3A_129 = arith.subi %sign3A_125, %sign3A_128 : i32
    %sign3A_130 = arith.constant 0 : i32
    %sign3A_131 = arith.cmpi sgt, %jit3A_121, %sign3A_130 : i32
    %sign3A_132 = arith.extui %sign3A_131 : i1 to i32
    %sign3A_133 = arith.constant 0 : i32
    %sign3A_134 = arith.cmpi slt, %jit3A_121, %sign3A_133 : i32
    %sign3A_135 = arith.extui %sign3A_134 : i1 to i32
    %sign3A_136 = arith.subi %sign3A_132, %sign3A_135 : i32
    %ne3A_137 = arith.cmpi ne, %sign3A_129, %sign3A_136 : i32
    %rem3A_138 = arith.remsi %sub3A_120, %jit3A_121 : i32
    %ne3A_139 = arith.constant 0 : i32
    %ne3A_140 = arith.cmpi ne, %rem3A_138, %ne3A_139 : i32
    %and3A_141 = arith.andi %ne3A_137, %ne3A_140 : i1
    %sub3A_142 = arith.constant 1 : i32
    %sub3A_143 = arith.subi %div3A_122, %sub3A_142 : i32
    %select_n3A_144 = arith.select %and3A_141, %sub3A_143, %div3A_122 : i32
    %add3A_145 = arith.constant 0 : i32
    %add3A_146 = arith.addi %add3A_6, %add3A_145 : i32
    %add3A_147 = arith.addi %add3A_6, %select_n3A : i32
    %sub3A_148 = arith.constant 4 : i32
    %sub3A_149 = arith.subi %add3A_147, %sub3A_148 : i32
    %min3A_150 = arith.minsi %add3A_146, %sub3A_149 : i32
    %mul3A_151 = arith.constant 128 : i32
    %mul3A_152 = arith.muli %min3A_150, %mul3A_151 : i32
    %multiple_of3A_153 = tpu.assume_multiple %mul3A_152, 128 : i32
    %dma_start3A_154 = arith.constant 0 : i32
    %dma_start3A_155 = arith.constant 0 : i32
    %dma_start3A_156 = arith.constant 0 : i32
    %dma_start3A_157 = tpu.memref_slice %arg11[%dma_start3A_154, %dma_start3A_155, %dma_start3A_156] : memref<2x32x512xf32, #tpu.memory_space<vmem>> -> memref<1x32x512xf32, #tpu.memory_space<vmem>>
    %dma_start3A_158 = tpu.memref_squeeze %dma_start3A_157 : memref<1x32x512xf32, #tpu.memory_space<vmem>> -> memref<32x512xf32, #tpu.memory_space<vmem>>
    %dma_start3A_159 = arith.constant 0 : i32
    %dma_start3A_160 = tpu.memref_slice %arg5[%dma_start3A_159, %multiple_of3A_153] : memref<32x1000000xf32, #tpu.memory_space<hbm>> -> memref<32x512xf32, #tpu.memory_space<hbm>>
    %dma_start3A_161 = arith.constant 0 : i32
    %dma_start3A_162 = arith.constant 0 : i32
    %dma_start3A_163 = tpu.memref_slice %arg11[%dma_start3A_154, %dma_start3A_161, %dma_start3A_162] : memref<2x32x512xf32, #tpu.memory_space<vmem>> -> memref<1x32x512xf32, #tpu.memory_space<vmem>>
    %dma_start3A_164 = tpu.memref_squeeze %dma_start3A_163 : memref<1x32x512xf32, #tpu.memory_space<vmem>> -> memref<32x512xf32, #tpu.memory_space<vmem>>
    %dma_start3A_165 = arith.constant 0 : i32
    %dma_start3A_166 = tpu.memref_slice %arg5[%dma_start3A_165, %multiple_of3A_153] : memref<32x1000000xf32, #tpu.memory_space<hbm>> -> memref<32x512xf32, #tpu.memory_space<hbm>>
    tpu.enqueue_dma source(%dma_start3A_166 : memref<32x512xf32, #tpu.memory_space<hbm>>) target(%dma_start3A_164 : memref<32x512xf32, #tpu.memory_space<vmem>>) target_semaphore(%arg15 : memref<!tpu.dma_semaphore, #tpu.memory_space<semaphore_mem>>)
    %add3A_167 = arith.constant 4 : i32
    %add3A_168 = arith.addi %add3A_6, %add3A_167 : i32
    %add3A_169 = arith.addi %add3A_6, %select_n3A : i32
    %sub3A_170 = arith.constant 4 : i32
    %sub3A_171 = arith.subi %add3A_169, %sub3A_170 : i32
    %min3A_172 = arith.minsi %add3A_168, %sub3A_171 : i32
    %mul3A_173 = arith.constant 128 : i32
    %mul3A_174 = arith.muli %min3A_172, %mul3A_173 : i32
    %multiple_of3A_175 = tpu.assume_multiple %mul3A_174, 128 : i32
    %dma_start3A_176 = arith.constant 1 : i32
    %dma_start3A_177 = arith.constant 0 : i32
    %dma_start3A_178 = arith.constant 0 : i32
    %dma_start3A_179 = tpu.memref_slice %arg11[%dma_start3A_176, %dma_start3A_177, %dma_start3A_178] : memref<2x32x512xf32, #tpu.memory_space<vmem>> -> memref<1x32x512xf32, #tpu.memory_space<vmem>>
    %dma_start3A_180 = tpu.memref_squeeze %dma_start3A_179 : memref<1x32x512xf32, #tpu.memory_space<vmem>> -> memref<32x512xf32, #tpu.memory_space<vmem>>
    %dma_start3A_181 = arith.constant 0 : i32
    %dma_start3A_182 = tpu.memref_slice %arg5[%dma_start3A_181, %multiple_of3A_175] : memref<32x1000000xf32, #tpu.memory_space<hbm>> -> memref<32x512xf32, #tpu.memory_space<hbm>>
    %dma_start3A_183 = arith.constant 0 : i32
    %dma_start3A_184 = arith.constant 0 : i32
    %dma_start3A_185 = tpu.memref_slice %arg11[%dma_start3A_176, %dma_start3A_183, %dma_start3A_184] : memref<2x32x512xf32, #tpu.memory_space<vmem>> -> memref<1x32x512xf32, #tpu.memory_space<vmem>>
    %dma_start3A_186 = tpu.memref_squeeze %dma_start3A_185 : memref<1x32x512xf32, #tpu.memory_space<vmem>> -> memref<32x512xf32, #tpu.memory_space<vmem>>
    %dma_start3A_187 = arith.constant 0 : i32
    %dma_start3A_188 = tpu.memref_slice %arg5[%dma_start3A_187, %multiple_of3A_175] : memref<32x1000000xf32, #tpu.memory_space<hbm>> -> memref<32x512xf32, #tpu.memory_space<hbm>>
    tpu.enqueue_dma source(%dma_start3A_188 : memref<32x512xf32, #tpu.memory_space<hbm>>) target(%dma_start3A_186 : memref<32x512xf32, #tpu.memory_space<vmem>>) target_semaphore(%arg15 : memref<!tpu.dma_semaphore, #tpu.memory_space<semaphore_mem>>)
    %scan3A_189 = arith.constant 0 : i32
    %scan3A_190 = arith.constant 0 : i32
    %scan3A_191 = arith.constant 62 : i32
    %scan3A_192 = arith.addi %scan3A_190, %scan3A_191 : i32
    %scan3A_193 = arith.constant 1 : i32
    %scan3A_194 = scf.for %scan3A_201 = %scan3A_190 to %scan3A_192 step %scan3A_193 iter_args(%scan3A_202 = %scan3A_189) -> (i32)  : i32 {
      %and3A_203 = arith.constant 1 : i32
      %and3A_204 = arith.andi %scan3A_201, %and3A_203 : i32
      %dma_wait3A_205 = arith.constant 0 : i32
      %dma_wait3A_206 = arith.constant 0 : i32
      %dma_wait3A_207 = tpu.memref_slice %arg11[%and3A_204, %dma_wait3A_205, %dma_wait3A_206] : memref<2x32x512xf32, #tpu.memory_space<vmem>> -> memref<1x32x512xf32, #tpu.memory_space<vmem>>
      %dma_wait3A_208 = tpu.memref_squeeze %dma_wait3A_207 : memref<1x32x512xf32, #tpu.memory_space<vmem>> -> memref<32x512xf32, #tpu.memory_space<vmem>>
      %dma_wait3A_209 = arith.constant 0 : i32
      %dma_wait3A_210 = arith.constant 0 : i32
      %dma_wait3A_211 = tpu.memref_slice %arg5[%dma_wait3A_209, %dma_wait3A_210] : memref<32x1000000xf32, #tpu.memory_space<hbm>> -> memref<32x512xf32, #tpu.memory_space<hbm>>
      %dma_wait3A_212 = arith.constant 0 : i32
      %dma_wait3A_213 = arith.constant 0 : i32
      %dma_wait3A_214 = tpu.memref_slice %arg11[%and3A_204, %dma_wait3A_212, %dma_wait3A_213] : memref<2x32x512xf32, #tpu.memory_space<vmem>> -> memref<1x32x512xf32, #tpu.memory_space<vmem>>
      %dma_wait3A_215 = tpu.memref_squeeze %dma_wait3A_214 : memref<1x32x512xf32, #tpu.memory_space<vmem>> -> memref<32x512xf32, #tpu.memory_space<vmem>>
      %dma_wait3A_216 = arith.constant 0 : i32
      %dma_wait3A_217 = arith.constant 0 : i32
      %dma_wait3A_218 = tpu.memref_slice %arg5[%dma_wait3A_216, %dma_wait3A_217] : memref<32x1000000xf32, #tpu.memory_space<hbm>> -> memref<32x512xf32, #tpu.memory_space<hbm>>
      tpu.wait_dma2 semaphore(%arg15 : memref<!tpu.dma_semaphore, #tpu.memory_space<semaphore_mem>>) src(%dma_wait3A_218 : memref<32x512xf32, #tpu.memory_space<hbm>>) dst(%dma_wait3A_215 : memref<32x512xf32, #tpu.memory_space<vmem>>)
      %mul3A_219 = arith.constant 4 : i32
      %mul3A_220 = arith.muli %mul3A_219, %scan3A_201 : i32
      %add3A_221 = arith.addi %add3A_6, %mul3A_220 : i32
      %add3A_222 = arith.addi %add3A_6, %select_n3A : i32
      %sub3A_223 = arith.constant 4 : i32
      %sub3A_224 = arith.subi %add3A_222, %sub3A_223 : i32
      %min3A_225 = arith.minsi %add3A_221, %sub3A_224 : i32
      %mul3A_226 = arith.constant 512 : i32
      %mul3A_227 = arith.muli %scan3A_201, %mul3A_226 : i32
      %add3A_228 = arith.addi %mul3A_8, %mul3A_227 : i32
      %add3A_229 = arith.constant 512 : i32
      %add3A_230 = arith.addi %add3A_228, %add3A_229 : i32
      %min3A_231 = arith.minsi %add3A_230, %add3A_11 : i32
      %mul3A_232 = arith.constant 128 : i32
      %mul3A_233 = arith.muli %min3A_225, %mul3A_232 : i32
      %while3A = arith.constant 0 : i32
      %while3A_234 = arith.constant 0 : i32
      %while3A_235 = arith.constant 0 : i32
      %while3A_236 = arith.subi %select_n3A_144, %while3A_234 : i32
      %while3A_237 = arith.addi %while3A_234, %while3A_236 : i32
      %while3A_238 = arith.constant 1 : i32
      %while3A_239 = arith.divsi %while3A_236, %while3A_238 : i32
      %while3A_240 = arith.muli %while3A_239, %while3A_238 : i32
      %while3A_241 = arith.addi %while3A_234, %while3A_240 : i32
      %while3A_242 = arith.constant 1 : i32
      %while3A_243 = scf.for %while3A_260 = %while3A_234 to %while3A_241 step %while3A_242 iter_args(%while3A_261 = %while3A_235) -> (i32)  : i32 {
        %mul3A_262 = arith.constant 16 : i32
        %mul3A_263 = arith.muli %while3A_260, %mul3A_262 : i32
        %get3A = arith.index_cast %mul3A_263 : i32 to index
        %get3A_264 = tpu.vector_load %arg9[%get3A] {strides = array<i32>} : memref<1680xi32, #tpu.memory_space<vmem>>, vector<16xi32>,
        %mul3A_265 = arith.constant 16 : i32
        %mul3A_266 = arith.muli %while3A_260, %mul3A_265 : i32
        %get3A_267 = arith.index_cast %mul3A_266 : i32 to index
        %get3A_268 = tpu.vector_load %arg10[%get3A_267] {strides = array<i32>} : memref<1680xi32, #tpu.memory_space<vmem>>, vector<16xi32>,
        %ge3A = vector.broadcast %add3A_228 : i32 to vector<16xi32>
        %ge3A_269 = arith.cmpi sge, %get3A_264, %ge3A : vector<16xi32>
        %lt3A_270 = vector.broadcast %min3A_231 : i32 to vector<16xi32>
        %lt3A_271 = arith.cmpi slt, %get3A_264, %lt3A_270 : vector<16xi32>
        %and3A_272 = arith.andi %ge3A_269, %lt3A_271 : vector<16xi1>
        %mul3A_273 = arith.constant 16 : i32
        %mul3A_274 = arith.muli %while3A_260, %mul3A_273 : i32
        %add3A_275 = vector.broadcast %mul3A_274 : i32 to vector<16xi32>
        %add3A_276 = arith.addi %iota3A, %add3A_275 : vector<16xi32>
        %lt3A_277 = vector.broadcast %scan3A_115 : i32 to vector<16xi32>
        %lt3A_278 = arith.cmpi slt, %add3A_276, %lt3A_277 : vector<16xi32>
        %and3A_279 = arith.andi %and3A_272, %lt3A_278 : vector<16xi1>
        %add3A_280 = arith.constant 832 : i32
        %add3A_281 = arith.addi %add3A_280, %while3A_261 : i32
        %swap3A = arith.index_cast %add3A_281 : i32 to index
        %swap3A_282 = tpu.vector_load %arg9[%swap3A] masked %and3A_279 {strides = array<i32>} : memref<1680xi32, #tpu.memory_space<vmem>>, vector<16xi32>, vector<16xi1>
        tpu.vector_store %arg9[%swap3A], %get3A_264 masked %and3A_279 {strides = array<i32>} : memref<1680xi32, #tpu.memory_space<vmem>>, vector<16xi32>, vector<16xi1>
        %add3A_283 = arith.constant 832 : i32
        %add3A_284 = arith.addi %add3A_283, %while3A_261 : i32
        %swap3A_285 = arith.index_cast %add3A_284 : i32 to index
        %swap3A_286 = tpu.vector_load %arg10[%swap3A_285] masked %and3A_279 {strides = array<i32>} : memref<1680xi32, #tpu.memory_space<vmem>>, vector<16xi32>, vector<16xi1>
        tpu.vector_store %arg10[%swap3A_285], %get3A_268 masked %and3A_279 {strides = array<i32>} : memref<1680xi32, #tpu.memory_space<vmem>>, vector<16xi32>, vector<16xi1>
        %all_reduce_population_count3A = tpu.all_reduce %and3A_279 {dim = 0 : i64, kind = #tpu.reduction_kind<sum>} : vector<16xi1> -> vector<16xi32>
        %slice3A = vector.extract_strided_slice %all_reduce_population_count3A {offsets = [0], sizes = [1], strides = [1]} : vector<16xi32> to vector<1xi32>
        %squeeze3A = vector.extract %slice3A[0] : i32 from vector<1xi32>
        %add3A_287 = arith.addi %while3A_261, %squeeze3A : i32
        scf.yield %add3A_287 : i32
      }
      %while3A_244 = arith.constant 1 : i32
      %while3A_245 = scf.for %while3A_260 = %while3A_241 to %while3A_237 step %while3A_244 iter_args(%while3A_261 = %while3A_243) -> (i32)  : i32 {
        %mul3A_262 = arith.constant 16 : i32
        %mul3A_263 = arith.muli %while3A_260, %mul3A_262 : i32
        %get3A = arith.index_cast %mul3A_263 : i32 to index
        %get3A_264 = tpu.vector_load %arg9[%get3A] {strides = array<i32>} : memref<1680xi32, #tpu.memory_space<vmem>>, vector<16xi32>,
        %mul3A_265 = arith.constant 16 : i32
        %mul3A_266 = arith.muli %while3A_260, %mul3A_265 : i32
        %get3A_267 = arith.index_cast %mul3A_266 : i32 to index
        %get3A_268 = tpu.vector_load %arg10[%get3A_267] {strides = array<i32>} : memref<1680xi32, #tpu.memory_space<vmem>>, vector<16xi32>,
        %ge3A = vector.broadcast %add3A_228 : i32 to vector<16xi32>
        %ge3A_269 = arith.cmpi sge, %get3A_264, %ge3A : vector<16xi32>
        %lt3A_270 = vector.broadcast %min3A_231 : i32 to vector<16xi32>
        %lt3A_271 = arith.cmpi slt, %get3A_264, %lt3A_270 : vector<16xi32>
        %and3A_272 = arith.andi %ge3A_269, %lt3A_271 : vector<16xi1>
        %mul3A_273 = arith.constant 16 : i32
        %mul3A_274 = arith.muli %while3A_260, %mul3A_273 : i32
        %add3A_275 = vector.broadcast %mul3A_274 : i32 to vector<16xi32>
        %add3A_276 = arith.addi %iota3A, %add3A_275 : vector<16xi32>
        %lt3A_277 = vector.broadcast %scan3A_115 : i32 to vector<16xi32>
        %lt3A_278 = arith.cmpi slt, %add3A_276, %lt3A_277 : vector<16xi32>
        %and3A_279 = arith.andi %and3A_272, %lt3A_278 : vector<16xi1>
        %add3A_280 = arith.constant 832 : i32
        %add3A_281 = arith.addi %add3A_280, %while3A_261 : i32
        %swap3A = arith.index_cast %add3A_281 : i32 to index
        %swap3A_282 = tpu.vector_load %arg9[%swap3A] masked %and3A_279 {strides = array<i32>} : memref<1680xi32, #tpu.memory_space<vmem>>, vector<16xi32>, vector<16xi1>
        tpu.vector_store %arg9[%swap3A], %get3A_264 masked %and3A_279 {strides = array<i32>} : memref<1680xi32, #tpu.memory_space<vmem>>, vector<16xi32>, vector<16xi1>
        %add3A_283 = arith.constant 832 : i32
        %add3A_284 = arith.addi %add3A_283, %while3A_261 : i32
        %swap3A_285 = arith.index_cast %add3A_284 : i32 to index
        %swap3A_286 = tpu.vector_load %arg10[%swap3A_285] masked %and3A_279 {strides = array<i32>} : memref<1680xi32, #tpu.memory_space<vmem>>, vector<16xi32>, vector<16xi1>
        tpu.vector_store %arg10[%swap3A_285], %get3A_268 masked %and3A_279 {strides = array<i32>} : memref<1680xi32, #tpu.memory_space<vmem>>, vector<16xi32>, vector<16xi1>
        %all_reduce_population_count3A = tpu.all_reduce %and3A_279 {dim = 0 : i64, kind = #tpu.reduction_kind<sum>} : vector<16xi1> -> vector<16xi32>
        %slice3A = vector.extract_strided_slice %all_reduce_population_count3A {offsets = [0], sizes = [1], strides = [1]} : vector<16xi32> to vector<1xi32>
        %squeeze3A = vector.extract %slice3A[0] : i32 from vector<1xi32>
        %add3A_287 = arith.addi %while3A_261, %squeeze3A : i32
        scf.yield %add3A_287 : i32
      }
      %while3A_246 = arith.constant 0 : i32
      %while3A_247 = arith.subi %while3A_245, %while3A_246 : i32
      %while3A_248 = arith.addi %while3A_246, %while3A_247 : i32
      %while3A_249 = arith.constant 1 : i32
      %while3A_250 = arith.divsi %while3A_247, %while3A_249 : i32
      %while3A_251 = arith.muli %while3A_250, %while3A_249 : i32
      %while3A_252 = arith.addi %while3A_246, %while3A_251 : i32
      %while3A_253 = arith.constant 1 : i32
      %while3A_254 = scf.for %while3A_260 = %while3A_246 to %while3A_252 step %while3A_253 iter_args(%while3A_261 = %scan3A_202) -> (i32)  : i32 {
        %shift_right_arithmetic3A = arith.constant 4 : i32
        %shift_right_arithmetic3A_262 = arith.shrsi %while3A_260, %shift_right_arithmetic3A : i32
        %shift_left3A = arith.constant 4 : i32
        %shift_left3A_263 = arith.shli %shift_right_arithmetic3A_262, %shift_left3A : i32
        %add3A_264 = arith.constant 832 : i32
        %add3A_265 = arith.addi %add3A_264, %shift_left3A_263 : i32
        %and3A_266 = arith.constant 15 : i32
        %and3A_267 = arith.andi %while3A_260, %and3A_266 : i32
        %eq3A = vector.broadcast %and3A_267 : i32 to vector<16xi32>
        %eq3A_268 = arith.cmpi eq, %iota3A, %eq3A : vector<16xi32>
        %get3A = arith.index_cast %add3A_265 : i32 to index
        %get3A_269 = tpu.vector_load %arg9[%get3A] {strides = array<i32>} : memref<1680xi32, #tpu.memory_space<vmem>>, vector<16xi32>,
        %jit3A_270 = arith.constant 0 : i32
        %broadcast_in_dim3A_271 = vector.broadcast %jit3A_270 : i32 to vector<16xi32>
        %select_n3A_272 = arith.select %eq3A_268, %get3A_269, %broadcast_in_dim3A_271 : vector<16xi1>, vector<16xi32>
        %reduce_sum3A = arith.constant true
        %reduce_sum3A_273 = vector.broadcast %reduce_sum3A : i1 to vector<16xi1>
        %reduce_sum3A_274 = tpu.scan <sum>, %select_n3A_272 masked %reduce_sum3A_273 : vector<16xi32>, vector<16xi1> -> vector<16xi32>
        %reduce_sum3A_275 = vector.extract %reduce_sum3A_274[15] : i32 from vector<16xi32>
        %get3A_276 = arith.index_cast %add3A_265 : i32 to index
        %get3A_277 = tpu.vector_load %arg10[%get3A_276] {strides = array<i32>} : memref<1680xi32, #tpu.memory_space<vmem>>, vector<16xi32>,
        %jit3A_278 = arith.constant 0 : i32
        %broadcast_in_dim3A_279 = vector.broadcast %jit3A_278 : i32 to vector<16xi32>
        %select_n3A_280 = arith.select %eq3A_268, %get3A_277, %broadcast_in_dim3A_279 : vector<16xi1>, vector<16xi32>
        %reduce_sum3A_281 = arith.constant true
        %reduce_sum3A_282 = vector.broadcast %reduce_sum3A_281 : i1 to vector<16xi1>
        %reduce_sum3A_283 = tpu.scan <sum>, %select_n3A_280 masked %reduce_sum3A_282 : vector<16xi32>, vector<16xi1> -> vector<16xi32>
        %reduce_sum3A_284 = vector.extract %reduce_sum3A_283[15] : i32 from vector<16xi32>
        %sub3A_285 = arith.subi %reduce_sum3A_275, %mul3A_233 : i32
        %broadcast_in_dim3A_286 = vector.broadcast %sub3A_285 : i32 to vector<16xi32>
        %gather3A = arith.constant 0 : i32
        %gather3A_287 = arith.constant 0 : i32
        %gather3A_288 = tpu.memref_slice %arg11[%and3A_204, %gather3A, %gather3A_287] : memref<2x32x512xf32, #tpu.memory_space<vmem>> -> memref<1x32x512xf32, #tpu.memory_space<vmem>>
        %gather3A_289 = tpu.memref_squeeze %gather3A_288 : memref<1x32x512xf32, #tpu.memory_space<vmem>> -> memref<32x512xf32, #tpu.memory_space<vmem>>
        %gather3A_290 = tpu.vector_load_idx %gather3A_289[%iota3A, %broadcast_in_dim3A_286] : memref<32x512xf32, #tpu.memory_space<vmem>>[vector<16xi32>, vector<16xi32>], vector<16xf32>,
        %add3A_291 = arith.constant 16 : i32
        %add3A_292 = vector.broadcast %add3A_291 : i32 to vector<16xi32>
        %add3A_293 = arith.addi %iota3A, %add3A_292 : vector<16xi32>
        %gather3A_294 = arith.constant 0 : i32
        %gather3A_295 = arith.constant 0 : i32
        %gather3A_296 = tpu.memref_slice %arg11[%and3A_204, %gather3A_294, %gather3A_295] : memref<2x32x512xf32, #tpu.memory_space<vmem>> -> memref<1x32x512xf32, #tpu.memory_space<vmem>>
        %gather3A_297 = tpu.memref_squeeze %gather3A_296 : memref<1x32x512xf32, #tpu.memory_space<vmem>> -> memref<32x512xf32, #tpu.memory_space<vmem>>
        %gather3A_298 = tpu.vector_load_idx %gather3A_297[%add3A_293, %broadcast_in_dim3A_286] : memref<32x512xf32, #tpu.memory_space<vmem>>[vector<16xi32>, vector<16xi32>], vector<16xf32>,
        %mul3A_299 = arith.constant 32 : i32
        %mul3A_300 = arith.muli %while3A_261, %mul3A_299 : i32
        %swap3A = arith.index_cast %mul3A_300 : i32 to index
        %swap3A_301 = tpu.vector_load %arg12[%swap3A] {strides = array<i32>} : memref<26624xf32, #tpu.memory_space<vmem>>, vector<16xf32>,
        tpu.vector_store %arg12[%swap3A], %gather3A_290 {strides = array<i32>} : memref<26624xf32, #tpu.memory_space<vmem>>, vector<16xf32>,
        %mul3A_302 = arith.constant 32 : i32
        %mul3A_303 = arith.muli %while3A_261, %mul3A_302 : i32
        %add3A_304 = arith.constant 16 : i32
        %add3A_305 = arith.addi %mul3A_303, %add3A_304 : i32
        %swap3A_306 = arith.index_cast %add3A_305 : i32 to index
        %swap3A_307 = tpu.vector_load %arg12[%swap3A_306] {strides = array<i32>} : memref<26624xf32, #tpu.memory_space<vmem>>, vector<16xf32>,
        tpu.vector_store %arg12[%swap3A_306], %gather3A_298 {strides = array<i32>} : memref<26624xf32, #tpu.memory_space<vmem>>, vector<16xf32>,
        %mul3A_308 = arith.constant 32 : i32
        %mul3A_309 = arith.muli %reduce_sum3A_284, %mul3A_308 : i32
        %add3A_310 = vector.broadcast %mul3A_309 : i32 to vector<16xi32>
        %add3A_311 = arith.addi %add3A_310, %iota3A : vector<16xi32>
        %mul3A_312 = arith.constant 32 : i32
        %mul3A_313 = arith.muli %while3A_261, %mul3A_312 : i32
        %swap3A_314 = arith.index_cast %mul3A_313 : i32 to index
        %swap3A_315 = tpu.vector_load %arg13[%swap3A_314] {strides = array<i32>} : memref<26624xi32, #tpu.memory_space<vmem>>, vector<16xi32>,
        tpu.vector_store %arg13[%swap3A_314], %add3A_311 {strides = array<i32>} : memref<26624xi32, #tpu.memory_space<vmem>>, vector<16xi32>,
        %mul3A_316 = arith.constant 32 : i32
        %mul3A_317 = arith.muli %reduce_sum3A_284, %mul3A_316 : i32
        %add3A_318 = arith.constant 16 : i32
        %add3A_319 = arith.addi %mul3A_317, %add3A_318 : i32
        %add3A_320 = vector.broadcast %add3A_319 : i32 to vector<16xi32>
        %add3A_321 = arith.addi %add3A_320, %iota3A : vector<16xi32>
        %mul3A_322 = arith.constant 32 : i32
        %mul3A_323 = arith.muli %while3A_261, %mul3A_322 : i32
        %add3A_324 = arith.constant 16 : i32
        %add3A_325 = arith.addi %mul3A_323, %add3A_324 : i32
        %swap3A_326 = arith.index_cast %add3A_325 : i32 to index
        %swap3A_327 = tpu.vector_load %arg13[%swap3A_326] {strides = array<i32>} : memref<26624xi32, #tpu.memory_space<vmem>>, vector<16xi32>,
        tpu.vector_store %arg13[%swap3A_326], %add3A_321 {strides = array<i32>} : memref<26624xi32, #tpu.memory_space<vmem>>, vector<16xi32>,
        %add3A_328 = arith.constant 1 : i32
        %add3A_329 = arith.addi %while3A_261, %add3A_328 : i32
        scf.yield %add3A_329 : i32
      }
      %while3A_255 = arith.constant 1 : i32
      %while3A_256 = scf.for %while3A_260 = %while3A_252 to %while3A_248 step %while3A_255 iter_args(%while3A_261 = %while3A_254) -> (i32)  : i32 {
        %shift_right_arithmetic3A = arith.constant 4 : i32
        %shift_right_arithmetic3A_262 = arith.shrsi %while3A_260, %shift_right_arithmetic3A : i32
        %shift_left3A = arith.constant 4 : i32
        %shift_left3A_263 = arith.shli %shift_right_arithmetic3A_262, %shift_left3A : i32
        %add3A_264 = arith.constant 832 : i32
        %add3A_265 = arith.addi %add3A_264, %shift_left3A_263 : i32
        %and3A_266 = arith.constant 15 : i32
        %and3A_267 = arith.andi %while3A_260, %and3A_266 : i32
        %eq3A = vector.broadcast %and3A_267 : i32 to vector<16xi32>
        %eq3A_268 = arith.cmpi eq, %iota3A, %eq3A : vector<16xi32>
        %get3A = arith.index_cast %add3A_265 : i32 to index
        %get3A_269 = tpu.vector_load %arg9[%get3A] {strides = array<i32>} : memref<1680xi32, #tpu.memory_space<vmem>>, vector<16xi32>,
        %jit3A_270 = arith.constant 0 : i32
        %broadcast_in_dim3A_271 = vector.broadcast %jit3A_270 : i32 to vector<16xi32>
        %select_n3A_272 = arith.select %eq3A_268, %get3A_269, %broadcast_in_dim3A_271 : vector<16xi1>, vector<16xi32>
        %reduce_sum3A = arith.constant true
        %reduce_sum3A_273 = vector.broadcast %reduce_sum3A : i1 to vector<16xi1>
        %reduce_sum3A_274 = tpu.scan <sum>, %select_n3A_272 masked %reduce_sum3A_273 : vector<16xi32>, vector<16xi1> -> vector<16xi32>
        %reduce_sum3A_275 = vector.extract %reduce_sum3A_274[15] : i32 from vector<16xi32>
        %get3A_276 = arith.index_cast %add3A_265 : i32 to index
        %get3A_277 = tpu.vector_load %arg10[%get3A_276] {strides = array<i32>} : memref<1680xi32, #tpu.memory_space<vmem>>, vector<16xi32>,
        %jit3A_278 = arith.constant 0 : i32
        %broadcast_in_dim3A_279 = vector.broadcast %jit3A_278 : i32 to vector<16xi32>
        %select_n3A_280 = arith.select %eq3A_268, %get3A_277, %broadcast_in_dim3A_279 : vector<16xi1>, vector<16xi32>
        %reduce_sum3A_281 = arith.constant true
        %reduce_sum3A_282 = vector.broadcast %reduce_sum3A_281 : i1 to vector<16xi1>
        %reduce_sum3A_283 = tpu.scan <sum>, %select_n3A_280 masked %reduce_sum3A_282 : vector<16xi32>, vector<16xi1> -> vector<16xi32>
        %reduce_sum3A_284 = vector.extract %reduce_sum3A_283[15] : i32 from vector<16xi32>
        %sub3A_285 = arith.subi %reduce_sum3A_275, %mul3A_233 : i32
        %broadcast_in_dim3A_286 = vector.broadcast %sub3A_285 : i32 to vector<16xi32>
        %gather3A = arith.constant 0 : i32
        %gather3A_287 = arith.constant 0 : i32
        %gather3A_288 = tpu.memref_slice %arg11[%and3A_204, %gather3A, %gather3A_287] : memref<2x32x512xf32, #tpu.memory_space<vmem>> -> memref<1x32x512xf32, #tpu.memory_space<vmem>>
        %gather3A_289 = tpu.memref_squeeze %gather3A_288 : memref<1x32x512xf32, #tpu.memory_space<vmem>> -> memref<32x512xf32, #tpu.memory_space<vmem>>
        %gather3A_290 = tpu.vector_load_idx %gather3A_289[%iota3A, %broadcast_in_dim3A_286] : memref<32x512xf32, #tpu.memory_space<vmem>>[vector<16xi32>, vector<16xi32>], vector<16xf32>,
        %add3A_291 = arith.constant 16 : i32
        %add3A_292 = vector.broadcast %add3A_291 : i32 to vector<16xi32>
        %add3A_293 = arith.addi %iota3A, %add3A_292 : vector<16xi32>
        %gather3A_294 = arith.constant 0 : i32
        %gather3A_295 = arith.constant 0 : i32
        %gather3A_296 = tpu.memref_slice %arg11[%and3A_204, %gather3A_294, %gather3A_295] : memref<2x32x512xf32, #tpu.memory_space<vmem>> -> memref<1x32x512xf32, #tpu.memory_space<vmem>>
        %gather3A_297 = tpu.memref_squeeze %gather3A_296 : memref<1x32x512xf32, #tpu.memory_space<vmem>> -> memref<32x512xf32, #tpu.memory_space<vmem>>
        %gather3A_298 = tpu.vector_load_idx %gather3A_297[%add3A_293, %broadcast_in_dim3A_286] : memref<32x512xf32, #tpu.memory_space<vmem>>[vector<16xi32>, vector<16xi32>], vector<16xf32>,
        %mul3A_299 = arith.constant 32 : i32
        %mul3A_300 = arith.muli %while3A_261, %mul3A_299 : i32
        %swap3A = arith.index_cast %mul3A_300 : i32 to index
        %swap3A_301 = tpu.vector_load %arg12[%swap3A] {strides = array<i32>} : memref<26624xf32, #tpu.memory_space<vmem>>, vector<16xf32>,
        tpu.vector_store %arg12[%swap3A], %gather3A_290 {strides = array<i32>} : memref<26624xf32, #tpu.memory_space<vmem>>, vector<16xf32>,
        %mul3A_302 = arith.constant 32 : i32
        %mul3A_303 = arith.muli %while3A_261, %mul3A_302 : i32
        %add3A_304 = arith.constant 16 : i32
        %add3A_305 = arith.addi %mul3A_303, %add3A_304 : i32
        %swap3A_306 = arith.index_cast %add3A_305 : i32 to index
        %swap3A_307 = tpu.vector_load %arg12[%swap3A_306] {strides = array<i32>} : memref<26624xf32, #tpu.memory_space<vmem>>, vector<16xf32>,
        tpu.vector_store %arg12[%swap3A_306], %gather3A_298 {strides = array<i32>} : memref<26624xf32, #tpu.memory_space<vmem>>, vector<16xf32>,
        %mul3A_308 = arith.constant 32 : i32
        %mul3A_309 = arith.muli %reduce_sum3A_284, %mul3A_308 : i32
        %add3A_310 = vector.broadcast %mul3A_309 : i32 to vector<16xi32>
        %add3A_311 = arith.addi %add3A_310, %iota3A : vector<16xi32>
        %mul3A_312 = arith.constant 32 : i32
        %mul3A_313 = arith.muli %while3A_261, %mul3A_312 : i32
        %swap3A_314 = arith.index_cast %mul3A_313 : i32 to index
        %swap3A_315 = tpu.vector_load %arg13[%swap3A_314] {strides = array<i32>} : memref<26624xi32, #tpu.memory_space<vmem>>, vector<16xi32>,
        tpu.vector_store %arg13[%swap3A_314], %add3A_311 {strides = array<i32>} : memref<26624xi32, #tpu.memory_space<vmem>>, vector<16xi32>,
        %mul3A_316 = arith.constant 32 : i32
        %mul3A_317 = arith.muli %reduce_sum3A_284, %mul3A_316 : i32
        %add3A_318 = arith.constant 16 : i32
        %add3A_319 = arith.addi %mul3A_317, %add3A_318 : i32
        %add3A_320 = vector.broadcast %add3A_319 : i32 to vector<16xi32>
        %add3A_321 = arith.addi %add3A_320, %iota3A : vector<16xi32>
        %mul3A_322 = arith.constant 32 : i32
        %mul3A_323 = arith.muli %while3A_261, %mul3A_322 : i32
        %add3A_324 = arith.constant 16 : i32
        %add3A_325 = arith.addi %mul3A_323, %add3A_324 : i32
        %swap3A_326 = arith.index_cast %add3A_325 : i32 to index
        %swap3A_327 = tpu.vector_load %arg13[%swap3A_326] {strides = array<i32>} : memref<26624xi32, #tpu.memory_space<vmem>>, vector<16xi32>,
        tpu.vector_store %arg13[%swap3A_326], %add3A_321 {strides = array<i32>} : memref<26624xi32, #tpu.memory_space<vmem>>, vector<16xi32>,
        %add3A_328 = arith.constant 1 : i32
        %add3A_329 = arith.addi %while3A_261, %add3A_328 : i32
        scf.yield %add3A_329 : i32
      }
      %lt3A_257 = arith.constant 60 : i32
      %lt3A_258 = arith.cmpi slt, %scan3A_201, %lt3A_257 : i32
      %convert_element_type3A = arith.extui %lt3A_258 : i1 to i32
      %cond3A = arith.constant 0 : i32
      %cond3A_259 = arith.cmpi ne, %convert_element_type3A, %cond3A : i32
      scf.if %cond3A_259 {
        %add3A_260 = arith.constant 2 : i32
        %add3A_261 = arith.addi %scan3A_201, %add3A_260 : i32
        %mul3A_262 = arith.constant 4 : i32
        %mul3A_263 = arith.muli %mul3A_262, %add3A_261 : i32
        %add3A_264 = arith.addi %add3A_6, %mul3A_263 : i32
        %add3A_265 = arith.addi %add3A_6, %select_n3A : i32
        %sub3A_266 = arith.constant 4 : i32
        %sub3A_267 = arith.subi %add3A_265, %sub3A_266 : i32
        %min3A_268 = arith.minsi %add3A_264, %sub3A_267 : i32
        %mul3A_269 = arith.constant 128 : i32
        %mul3A_270 = arith.muli %min3A_268, %mul3A_269 : i32
        %multiple_of3A_271 = tpu.assume_multiple %mul3A_270, 128 : i32
        %dma_start3A_272 = arith.constant 0 : i32
        %dma_start3A_273 = arith.constant 0 : i32
        %dma_start3A_274 = tpu.memref_slice %arg11[%and3A_204, %dma_start3A_272, %dma_start3A_273] : memref<2x32x512xf32, #tpu.memory_space<vmem>> -> memref<1x32x512xf32, #tpu.memory_space<vmem>>
        %dma_start3A_275 = tpu.memref_squeeze %dma_start3A_274 : memref<1x32x512xf32, #tpu.memory_space<vmem>> -> memref<32x512xf32, #tpu.memory_space<vmem>>
        %dma_start3A_276 = arith.constant 0 : i32
        %dma_start3A_277 = tpu.memref_slice %arg5[%dma_start3A_276, %multiple_of3A_271] : memref<32x1000000xf32, #tpu.memory_space<hbm>> -> memref<32x512xf32, #tpu.memory_space<hbm>>
        %dma_start3A_278 = arith.constant 0 : i32
        %dma_start3A_279 = arith.constant 0 : i32
        %dma_start3A_280 = tpu.memref_slice %arg11[%and3A_204, %dma_start3A_278, %dma_start3A_279] : memref<2x32x512xf32, #tpu.memory_space<vmem>> -> memref<1x32x512xf32, #tpu.memory_space<vmem>>
        %dma_start3A_281 = tpu.memref_squeeze %dma_start3A_280 : memref<1x32x512xf32, #tpu.memory_space<vmem>> -> memref<32x512xf32, #tpu.memory_space<vmem>>
        %dma_start3A_282 = arith.constant 0 : i32
        %dma_start3A_283 = tpu.memref_slice %arg5[%dma_start3A_282, %multiple_of3A_271] : memref<32x1000000xf32, #tpu.memory_space<hbm>> -> memref<32x512xf32, #tpu.memory_space<hbm>>
        tpu.enqueue_dma source(%dma_start3A_283 : memref<32x512xf32, #tpu.memory_space<hbm>>) target(%dma_start3A_281 : memref<32x512xf32, #tpu.memory_space<vmem>>) target_semaphore(%arg15 : memref<!tpu.dma_semaphore, #tpu.memory_space<semaphore_mem>>)
      } else {
      }
      scf.yield %while3A_256 : i32
    }
    %scan3A_195 = arith.constant 62 : i32
    %dma_start3A_196 = arith.constant 0 : i32
    %dma_start3A_197 = tpu.memref_slice %arg7[%dma_start3A_196] : memref<524288xf32, #tpu.memory_space<hbm>> -> memref<524288xf32, #tpu.memory_space<hbm>>
    %dma_start3A_198 = arith.constant -1 : i32
    tpu.enqueue_indirect_dma source(%arg12 : memref<26624xf32, #tpu.memory_space<vmem>>) target(%dma_start3A_197 : memref<524288xf32, #tpu.memory_space<hbm>>) offsets(%arg13 : memref<26624xi32, #tpu.memory_space<vmem>>) offset_filter(%dma_start3A_198) semaphore(%arg14 : memref<!tpu.dma_semaphore, #tpu.memory_space<semaphore_mem>>)
    %dma_wait3A_199 = arith.constant 0 : i32
    %dma_wait3A_200 = tpu.memref_slice %arg7[%dma_wait3A_199] : memref<524288xf32, #tpu.memory_space<hbm>> -> memref<524288xf32, #tpu.memory_space<hbm>>
    tpu.wait_indirect_dma semaphore(%arg14 : memref<!tpu.dma_semaphore, #tpu.memory_space<semaphore_mem>>) src(%arg12 : memref<26624xf32, #tpu.memory_space<vmem>>) dst(%dma_wait3A_200 : memref<524288xf32, #tpu.memory_space<hbm>>)
    return
  }
}

#map = affine_map<(d0, d1) -> (0)>
#map1 = affine_map<(d0, d1) -> (0, 0)>
module attributes {stable_mosaic.version = 14 : i64} {
  func.func @_phase_b(%arg0: i32, %arg1: i32, %arg2: memref<16384xi32, #tpu.memory_space<hbm>>, %arg3: memref<16384xi32, #tpu.memory_space<hbm>>, %arg4: memref<16384xf32, #tpu.memory_space<hbm>>, %arg5: memref<16384xf32, #tpu.memory_space<hbm>>, %arg6: memref<16xf32, #tpu.memory_space<hbm>>, %arg7: memref<16xf32, #tpu.memory_space<hbm>>, %arg8: memref<1000000xf32, #tpu.memory_space<hbm>>, %arg9: memref<1000000xf32, #tpu.memory_space<hbm>>, %arg10: memref<524288xf32, #tpu.memory_space<hbm>>, %arg11: memref<524288xf32, #tpu.memory_space<hbm>>, %arg12: memref<32x16xf32, #tpu.memory_space<hbm>>, %arg13: memref<512xi32, #tpu.memory_space<vmem>>, %arg14: memref<512xi32, #tpu.memory_space<vmem>>, %arg15: memref<512xf32, #tpu.memory_space<vmem>>, %arg16: memref<512xf32, #tpu.memory_space<vmem>>, %arg17: memref<16xf32, #tpu.memory_space<vmem>>, %arg18: memref<16xf32, #tpu.memory_space<vmem>>, %arg19: memref<512xf32, #tpu.memory_space<vmem>>, %arg20: memref<512xf32, #tpu.memory_space<vmem>>, %arg21: memref<16384xf32, #tpu.memory_space<vmem>>, %arg22: memref<16384xf32, #tpu.memory_space<vmem>>, %arg23: memref<256xf32, #tpu.memory_space<vmem>>, %arg24: memref<16xf32, #tpu.memory_space<vmem>>, %arg25: memref<!tpu.dma_semaphore, #tpu.memory_space<semaphore_mem>>) attributes {dimension_semantics = [#tpu.dimension_semantics<core_parallel>, #tpu.dimension_semantics<subcore_parallel>], iteration_bounds = array<i64: 2, 16>, scalar_prefetch = 0 : i64, scratch_operands = 13 : i64, tpu.core_type = #tpu.core_type<sc_vector_subcore>, window_params = [{transform_indices = #map}, {transform_indices = #map}, {transform_indices = #map}, {transform_indices = #map}, {transform_indices = #map}, {transform_indices = #map}, {transform_indices = #map}, {transform_indices = #map}, {transform_indices = #map}, {transform_indices = #map}, {transform_indices = #map1}]} {
    %mul3A = arith.constant 2 : i32
    %mul3A_0 = arith.muli %arg1, %mul3A : i32
    %add3A = arith.addi %mul3A_0, %arg0 : i32
    %mul3A_1 = arith.constant 512 : i32
    %mul3A_2 = arith.muli %add3A, %mul3A_1 : i32
    "tpu.region"() ({
      %run_scoped3A = tpu.sem_alloc : memref<!tpu.dma_semaphore, #tpu.memory_space<semaphore_mem>>
      %dma_start3A_26 = tpu.memref_slice %arg2[%mul3A_2] : memref<16384xi32, #tpu.memory_space<hbm>> -> memref<512xi32, #tpu.memory_space<hbm>>
      %dma_start3A_27 = tpu.memref_slice %arg2[%mul3A_2] : memref<16384xi32, #tpu.memory_space<hbm>> -> memref<512xi32, #tpu.memory_space<hbm>>
      tpu.enqueue_dma source(%dma_start3A_27 : memref<512xi32, #tpu.memory_space<hbm>>) target(%arg13 : memref<512xi32, #tpu.memory_space<vmem>>) target_semaphore(%run_scoped3A : memref<!tpu.dma_semaphore, #tpu.memory_space<semaphore_mem>>)
      %dma_wait3A_28 = tpu.memref_slice %arg2[%mul3A_2] : memref<16384xi32, #tpu.memory_space<hbm>> -> memref<512xi32, #tpu.memory_space<hbm>>
      %dma_wait3A_29 = tpu.memref_slice %arg2[%mul3A_2] : memref<16384xi32, #tpu.memory_space<hbm>> -> memref<512xi32, #tpu.memory_space<hbm>>
      tpu.wait_dma2 semaphore(%run_scoped3A : memref<!tpu.dma_semaphore, #tpu.memory_space<semaphore_mem>>) src(%dma_wait3A_29 : memref<512xi32, #tpu.memory_space<hbm>>) dst(%arg13 : memref<512xi32, #tpu.memory_space<vmem>>)
      tpu.yield
    }) : () -> ()
    "tpu.region"() ({
      %run_scoped3A = tpu.sem_alloc : memref<!tpu.dma_semaphore, #tpu.memory_space<semaphore_mem>>
      %dma_start3A_26 = tpu.memref_slice %arg3[%mul3A_2] : memref<16384xi32, #tpu.memory_space<hbm>> -> memref<512xi32, #tpu.memory_space<hbm>>
      %dma_start3A_27 = tpu.memref_slice %arg3[%mul3A_2] : memref<16384xi32, #tpu.memory_space<hbm>> -> memref<512xi32, #tpu.memory_space<hbm>>
      tpu.enqueue_dma source(%dma_start3A_27 : memref<512xi32, #tpu.memory_space<hbm>>) target(%arg14 : memref<512xi32, #tpu.memory_space<vmem>>) target_semaphore(%run_scoped3A : memref<!tpu.dma_semaphore, #tpu.memory_space<semaphore_mem>>)
      %dma_wait3A_28 = tpu.memref_slice %arg3[%mul3A_2] : memref<16384xi32, #tpu.memory_space<hbm>> -> memref<512xi32, #tpu.memory_space<hbm>>
      %dma_wait3A_29 = tpu.memref_slice %arg3[%mul3A_2] : memref<16384xi32, #tpu.memory_space<hbm>> -> memref<512xi32, #tpu.memory_space<hbm>>
      tpu.wait_dma2 semaphore(%run_scoped3A : memref<!tpu.dma_semaphore, #tpu.memory_space<semaphore_mem>>) src(%dma_wait3A_29 : memref<512xi32, #tpu.memory_space<hbm>>) dst(%arg14 : memref<512xi32, #tpu.memory_space<vmem>>)
      tpu.yield
    }) : () -> ()
    "tpu.region"() ({
      %run_scoped3A = tpu.sem_alloc : memref<!tpu.dma_semaphore, #tpu.memory_space<semaphore_mem>>
      %dma_start3A_26 = tpu.memref_slice %arg4[%mul3A_2] : memref<16384xf32, #tpu.memory_space<hbm>> -> memref<512xf32, #tpu.memory_space<hbm>>
      %dma_start3A_27 = tpu.memref_slice %arg4[%mul3A_2] : memref<16384xf32, #tpu.memory_space<hbm>> -> memref<512xf32, #tpu.memory_space<hbm>>
      tpu.enqueue_dma source(%dma_start3A_27 : memref<512xf32, #tpu.memory_space<hbm>>) target(%arg15 : memref<512xf32, #tpu.memory_space<vmem>>) target_semaphore(%run_scoped3A : memref<!tpu.dma_semaphore, #tpu.memory_space<semaphore_mem>>)
      %dma_wait3A_28 = tpu.memref_slice %arg4[%mul3A_2] : memref<16384xf32, #tpu.memory_space<hbm>> -> memref<512xf32, #tpu.memory_space<hbm>>
      %dma_wait3A_29 = tpu.memref_slice %arg4[%mul3A_2] : memref<16384xf32, #tpu.memory_space<hbm>> -> memref<512xf32, #tpu.memory_space<hbm>>
      tpu.wait_dma2 semaphore(%run_scoped3A : memref<!tpu.dma_semaphore, #tpu.memory_space<semaphore_mem>>) src(%dma_wait3A_29 : memref<512xf32, #tpu.memory_space<hbm>>) dst(%arg15 : memref<512xf32, #tpu.memory_space<vmem>>)
      tpu.yield
    }) : () -> ()
    "tpu.region"() ({
      %run_scoped3A = tpu.sem_alloc : memref<!tpu.dma_semaphore, #tpu.memory_space<semaphore_mem>>
      %dma_start3A_26 = tpu.memref_slice %arg5[%mul3A_2] : memref<16384xf32, #tpu.memory_space<hbm>> -> memref<512xf32, #tpu.memory_space<hbm>>
      %dma_start3A_27 = tpu.memref_slice %arg5[%mul3A_2] : memref<16384xf32, #tpu.memory_space<hbm>> -> memref<512xf32, #tpu.memory_space<hbm>>
      tpu.enqueue_dma source(%dma_start3A_27 : memref<512xf32, #tpu.memory_space<hbm>>) target(%arg16 : memref<512xf32, #tpu.memory_space<vmem>>) target_semaphore(%run_scoped3A : memref<!tpu.dma_semaphore, #tpu.memory_space<semaphore_mem>>)
      %dma_wait3A_28 = tpu.memref_slice %arg5[%mul3A_2] : memref<16384xf32, #tpu.memory_space<hbm>> -> memref<512xf32, #tpu.memory_space<hbm>>
      %dma_wait3A_29 = tpu.memref_slice %arg5[%mul3A_2] : memref<16384xf32, #tpu.memory_space<hbm>> -> memref<512xf32, #tpu.memory_space<hbm>>
      tpu.wait_dma2 semaphore(%run_scoped3A : memref<!tpu.dma_semaphore, #tpu.memory_space<semaphore_mem>>) src(%dma_wait3A_29 : memref<512xf32, #tpu.memory_space<hbm>>) dst(%arg16 : memref<512xf32, #tpu.memory_space<vmem>>)
      tpu.yield
    }) : () -> ()
    "tpu.region"() ({
      %run_scoped3A = tpu.sem_alloc : memref<!tpu.dma_semaphore, #tpu.memory_space<semaphore_mem>>
      tpu.enqueue_dma source(%arg6 : memref<16xf32, #tpu.memory_space<hbm>>) target(%arg17 : memref<16xf32, #tpu.memory_space<vmem>>) target_semaphore(%run_scoped3A : memref<!tpu.dma_semaphore, #tpu.memory_space<semaphore_mem>>)
      tpu.wait_dma2 semaphore(%run_scoped3A : memref<!tpu.dma_semaphore, #tpu.memory_space<semaphore_mem>>) src(%arg6 : memref<16xf32, #tpu.memory_space<hbm>>) dst(%arg17 : memref<16xf32, #tpu.memory_space<vmem>>)
      tpu.yield
    }) : () -> ()
    "tpu.region"() ({
      %run_scoped3A = tpu.sem_alloc : memref<!tpu.dma_semaphore, #tpu.memory_space<semaphore_mem>>
      tpu.enqueue_dma source(%arg7 : memref<16xf32, #tpu.memory_space<hbm>>) target(%arg18 : memref<16xf32, #tpu.memory_space<vmem>>) target_semaphore(%run_scoped3A : memref<!tpu.dma_semaphore, #tpu.memory_space<semaphore_mem>>)
      tpu.wait_dma2 semaphore(%run_scoped3A : memref<!tpu.dma_semaphore, #tpu.memory_space<semaphore_mem>>) src(%arg7 : memref<16xf32, #tpu.memory_space<hbm>>) dst(%arg18 : memref<16xf32, #tpu.memory_space<vmem>>)
      tpu.yield
    }) : () -> ()
    %mul3A_3 = arith.constant 32 : i32
    %mul3A_4 = arith.muli %mul3A_2, %mul3A_3 : i32
    "tpu.region"() ({
      %run_scoped3A = tpu.sem_alloc : memref<!tpu.dma_semaphore, #tpu.memory_space<semaphore_mem>>
      %dma_start3A_26 = tpu.memref_slice %arg10[%mul3A_4] : memref<524288xf32, #tpu.memory_space<hbm>> -> memref<16384xf32, #tpu.memory_space<hbm>>
      %dma_start3A_27 = tpu.memref_slice %arg10[%mul3A_4] : memref<524288xf32, #tpu.memory_space<hbm>> -> memref<16384xf32, #tpu.memory_space<hbm>>
      tpu.enqueue_dma source(%dma_start3A_27 : memref<16384xf32, #tpu.memory_space<hbm>>) target(%arg21 : memref<16384xf32, #tpu.memory_space<vmem>>) target_semaphore(%run_scoped3A : memref<!tpu.dma_semaphore, #tpu.memory_space<semaphore_mem>>)
      %dma_wait3A_28 = tpu.memref_slice %arg10[%mul3A_4] : memref<524288xf32, #tpu.memory_space<hbm>> -> memref<16384xf32, #tpu.memory_space<hbm>>
      %dma_wait3A_29 = tpu.memref_slice %arg10[%mul3A_4] : memref<524288xf32, #tpu.memory_space<hbm>> -> memref<16384xf32, #tpu.memory_space<hbm>>
      tpu.wait_dma2 semaphore(%run_scoped3A : memref<!tpu.dma_semaphore, #tpu.memory_space<semaphore_mem>>) src(%dma_wait3A_29 : memref<16384xf32, #tpu.memory_space<hbm>>) dst(%arg21 : memref<16384xf32, #tpu.memory_space<vmem>>)
      tpu.yield
    }) : () -> ()
    %mul3A_5 = arith.constant 32 : i32
    %mul3A_6 = arith.muli %mul3A_2, %mul3A_5 : i32
    "tpu.region"() ({
      %run_scoped3A = tpu.sem_alloc : memref<!tpu.dma_semaphore, #tpu.memory_space<semaphore_mem>>
      %dma_start3A_26 = tpu.memref_slice %arg11[%mul3A_6] : memref<524288xf32, #tpu.memory_space<hbm>> -> memref<16384xf32, #tpu.memory_space<hbm>>
      %dma_start3A_27 = tpu.memref_slice %arg11[%mul3A_6] : memref<524288xf32, #tpu.memory_space<hbm>> -> memref<16384xf32, #tpu.memory_space<hbm>>
      tpu.enqueue_dma source(%dma_start3A_27 : memref<16384xf32, #tpu.memory_space<hbm>>) target(%arg22 : memref<16384xf32, #tpu.memory_space<vmem>>) target_semaphore(%run_scoped3A : memref<!tpu.dma_semaphore, #tpu.memory_space<semaphore_mem>>)
      %dma_wait3A_28 = tpu.memref_slice %arg11[%mul3A_6] : memref<524288xf32, #tpu.memory_space<hbm>> -> memref<16384xf32, #tpu.memory_space<hbm>>
      %dma_wait3A_29 = tpu.memref_slice %arg11[%mul3A_6] : memref<524288xf32, #tpu.memory_space<hbm>> -> memref<16384xf32, #tpu.memory_space<hbm>>
      tpu.wait_dma2 semaphore(%run_scoped3A : memref<!tpu.dma_semaphore, #tpu.memory_space<semaphore_mem>>) src(%dma_wait3A_29 : memref<16384xf32, #tpu.memory_space<hbm>>) dst(%arg22 : memref<16384xf32, #tpu.memory_space<vmem>>)
      tpu.yield
    }) : () -> ()
    %dma_start3A = arith.constant 0 : i32
    %dma_start3A_7 = tpu.memref_slice %arg8[%dma_start3A] : memref<1000000xf32, #tpu.memory_space<hbm>> -> memref<1000000xf32, #tpu.memory_space<hbm>>
    tpu.enqueue_indirect_dma source(%dma_start3A_7 : memref<1000000xf32, #tpu.memory_space<hbm>>) target(%arg19 : memref<512xf32, #tpu.memory_space<vmem>>) offsets(%arg13 : memref<512xi32, #tpu.memory_space<vmem>>) semaphore(%arg25 : memref<!tpu.dma_semaphore, #tpu.memory_space<semaphore_mem>>)
    %dma_start3A_8 = arith.constant 0 : i32
    %dma_start3A_9 = tpu.memref_slice %arg9[%dma_start3A_8] : memref<1000000xf32, #tpu.memory_space<hbm>> -> memref<1000000xf32, #tpu.memory_space<hbm>>
    tpu.enqueue_indirect_dma source(%dma_start3A_9 : memref<1000000xf32, #tpu.memory_space<hbm>>) target(%arg20 : memref<512xf32, #tpu.memory_space<vmem>>) offsets(%arg14 : memref<512xi32, #tpu.memory_space<vmem>>) semaphore(%arg25 : memref<!tpu.dma_semaphore, #tpu.memory_space<semaphore_mem>>)
    %dma_wait3A = arith.constant 0 : i32
    %dma_wait3A_10 = tpu.memref_slice %arg8[%dma_wait3A] : memref<1000000xf32, #tpu.memory_space<hbm>> -> memref<1000000xf32, #tpu.memory_space<hbm>>
    tpu.wait_indirect_dma semaphore(%arg25 : memref<!tpu.dma_semaphore, #tpu.memory_space<semaphore_mem>>) src(%dma_wait3A_10 : memref<1000000xf32, #tpu.memory_space<hbm>>) dst(%arg19 : memref<512xf32, #tpu.memory_space<vmem>>)
    %dma_wait3A_11 = arith.constant 0 : i32
    %dma_wait3A_12 = tpu.memref_slice %arg9[%dma_wait3A_11] : memref<1000000xf32, #tpu.memory_space<hbm>> -> memref<1000000xf32, #tpu.memory_space<hbm>>
    tpu.wait_indirect_dma semaphore(%arg25 : memref<!tpu.dma_semaphore, #tpu.memory_space<semaphore_mem>>) src(%dma_wait3A_12 : memref<1000000xf32, #tpu.memory_space<hbm>>) dst(%arg20 : memref<512xf32, #tpu.memory_space<vmem>>)
    %get3A = arith.constant 0 : index
    %get3A_13 = tpu.vector_load %arg17[%get3A] {strides = array<i32>} : memref<16xf32, #tpu.memory_space<vmem>>, vector<16xf32>,
    %get3A_14 = arith.constant 0 : index
    %get3A_15 = tpu.vector_load %arg18[%get3A_14] {strides = array<i32>} : memref<16xf32, #tpu.memory_space<vmem>>, vector<16xf32>,
    %iota3A = tpu.iota {dimensions = array<i32: 0>} : vector<16xi32>
    %mul3A_16 = arith.constant 16 : i32
    %mul3A_17 = vector.broadcast %mul3A_16 : i32 to vector<16xi32>
    %mul3A_18 = arith.muli %iota3A, %mul3A_17 : vector<16xi32>
    %broadcast_in_dim3A = arith.constant 0.000000e+00 : f32
    %broadcast_in_dim3A_19 = vector.broadcast %broadcast_in_dim3A : f32 to vector<16xf32>
    %scan3A = arith.constant 0 : i32
    %scan3A_20 = arith.constant 32 : i32
    %scan3A_21 = arith.addi %scan3A, %scan3A_20 : i32
    %scan3A_22 = arith.constant 1 : i32
    %scan3A_23 = scf.for %scan3A_26 = %scan3A to %scan3A_21 step %scan3A_22 iter_args(%scan3A_27 = %broadcast_in_dim3A_19) -> (vector<16xf32>)  : i32 {
      %mul3A_28 = arith.constant 16 : i32
      %mul3A_29 = arith.muli %scan3A_26, %mul3A_28 : i32
      %add3A_30 = arith.constant 0 : i32
      %add3A_31 = arith.addi %mul3A_29, %add3A_30 : i32
      %mul3A_32 = arith.constant 32 : i32
      %mul3A_33 = arith.muli %add3A_31, %mul3A_32 : i32
      %get3A_34 = arith.index_cast %mul3A_33 : i32 to index
      %get3A_35 = tpu.vector_load %arg21[%get3A_34] {strides = array<i32>} : memref<16384xf32, #tpu.memory_space<vmem>>, vector<16xf32>,
      %get3A_36 = arith.index_cast %mul3A_33 : i32 to index
      %get3A_37 = tpu.vector_load %arg22[%get3A_36] {strides = array<i32>} : memref<16384xf32, #tpu.memory_space<vmem>>, vector<16xf32>,
      %mul3A_38 = arith.mulf %get3A_35, %get3A_37 : vector<16xf32>
      %add3A_39 = arith.constant 16 : i32
      %add3A_40 = arith.addi %mul3A_33, %add3A_39 : i32
      %get3A_41 = arith.index_cast %add3A_40 : i32 to index
      %get3A_42 = tpu.vector_load %arg21[%get3A_41] {strides = array<i32>} : memref<16384xf32, #tpu.memory_space<vmem>>, vector<16xf32>,
      %add3A_43 = arith.constant 16 : i32
      %add3A_44 = arith.addi %mul3A_33, %add3A_43 : i32
      %get3A_45 = arith.index_cast %add3A_44 : i32 to index
      %get3A_46 = tpu.vector_load %arg22[%get3A_45] {strides = array<i32>} : memref<16384xf32, #tpu.memory_space<vmem>>, vector<16xf32>,
      %mul3A_47 = arith.mulf %get3A_42, %get3A_46 : vector<16xf32>
      %add3A_48 = arith.addf %mul3A_38, %mul3A_47 : vector<16xf32>
      %add3A_49 = arith.constant 0 : i32
      %add3A_50 = vector.broadcast %add3A_49 : i32 to vector<16xi32>
      %add3A_51 = arith.addi %mul3A_18, %add3A_50 : vector<16xi32>
      tpu.vector_store_idx %arg23[%add3A_51], %add3A_48 : memref<256xf32, #tpu.memory_space<vmem>>[vector<16xi32>], vector<16xf32>,
      %add3A_52 = arith.constant 1 : i32
      %add3A_53 = arith.addi %mul3A_29, %add3A_52 : i32
      %mul3A_54 = arith.constant 32 : i32
      %mul3A_55 = arith.muli %add3A_53, %mul3A_54 : i32
      %get3A_56 = arith.index_cast %mul3A_55 : i32 to index
      %get3A_57 = tpu.vector_load %arg21[%get3A_56] {strides = array<i32>} : memref<16384xf32, #tpu.memory_space<vmem>>, vector<16xf32>,
      %get3A_58 = arith.index_cast %mul3A_55 : i32 to index
      %get3A_59 = tpu.vector_load %arg22[%get3A_58] {strides = array<i32>} : memref<16384xf32, #tpu.memory_space<vmem>>, vector<16xf32>,
      %mul3A_60 = arith.mulf %get3A_57, %get3A_59 : vector<16xf32>
      %add3A_61 = arith.constant 16 : i32
      %add3A_62 = arith.addi %mul3A_55, %add3A_61 : i32
      %get3A_63 = arith.index_cast %add3A_62 : i32 to index
      %get3A_64 = tpu.vector_load %arg21[%get3A_63] {strides = array<i32>} : memref<16384xf32, #tpu.memory_space<vmem>>, vector<16xf32>,
      %add3A_65 = arith.constant 16 : i32
      %add3A_66 = arith.addi %mul3A_55, %add3A_65 : i32
      %get3A_67 = arith.index_cast %add3A_66 : i32 to index
      %get3A_68 = tpu.vector_load %arg22[%get3A_67] {strides = array<i32>} : memref<16384xf32, #tpu.memory_space<vmem>>, vector<16xf32>,
      %mul3A_69 = arith.mulf %get3A_64, %get3A_68 : vector<16xf32>
      %add3A_70 = arith.addf %mul3A_60, %mul3A_69 : vector<16xf32>
      %add3A_71 = arith.constant 1 : i32
      %add3A_72 = vector.broadcast %add3A_71 : i32 to vector<16xi32>
      %add3A_73 = arith.addi %mul3A_18, %add3A_72 : vector<16xi32>
      tpu.vector_store_idx %arg23[%add3A_73], %add3A_70 : memref<256xf32, #tpu.memory_space<vmem>>[vector<16xi32>], vector<16xf32>,
      %add3A_74 = arith.constant 2 : i32
      %add3A_75 = arith.addi %mul3A_29, %add3A_74 : i32
      %mul3A_76 = arith.constant 32 : i32
      %mul3A_77 = arith.muli %add3A_75, %mul3A_76 : i32
      %get3A_78 = arith.index_cast %mul3A_77 : i32 to index
      %get3A_79 = tpu.vector_load %arg21[%get3A_78] {strides = array<i32>} : memref<16384xf32, #tpu.memory_space<vmem>>, vector<16xf32>,
      %get3A_80 = arith.index_cast %mul3A_77 : i32 to index
      %get3A_81 = tpu.vector_load %arg22[%get3A_80] {strides = array<i32>} : memref<16384xf32, #tpu.memory_space<vmem>>, vector<16xf32>,
      %mul3A_82 = arith.mulf %get3A_79, %get3A_81 : vector<16xf32>
      %add3A_83 = arith.constant 16 : i32
      %add3A_84 = arith.addi %mul3A_77, %add3A_83 : i32
      %get3A_85 = arith.index_cast %add3A_84 : i32 to index
      %get3A_86 = tpu.vector_load %arg21[%get3A_85] {strides = array<i32>} : memref<16384xf32, #tpu.memory_space<vmem>>, vector<16xf32>,
      %add3A_87 = arith.constant 16 : i32
      %add3A_88 = arith.addi %mul3A_77, %add3A_87 : i32
      %get3A_89 = arith.index_cast %add3A_88 : i32 to index
      %get3A_90 = tpu.vector_load %arg22[%get3A_89] {strides = array<i32>} : memref<16384xf32, #tpu.memory_space<vmem>>, vector<16xf32>,
      %mul3A_91 = arith.mulf %get3A_86, %get3A_90 : vector<16xf32>
      %add3A_92 = arith.addf %mul3A_82, %mul3A_91 : vector<16xf32>
      %add3A_93 = arith.constant 2 : i32
      %add3A_94 = vector.broadcast %add3A_93 : i32 to vector<16xi32>
      %add3A_95 = arith.addi %mul3A_18, %add3A_94 : vector<16xi32>
      tpu.vector_store_idx %arg23[%add3A_95], %add3A_92 : memref<256xf32, #tpu.memory_space<vmem>>[vector<16xi32>], vector<16xf32>,
      %add3A_96 = arith.constant 3 : i32
      %add3A_97 = arith.addi %mul3A_29, %add3A_96 : i32
      %mul3A_98 = arith.constant 32 : i32
      %mul3A_99 = arith.muli %add3A_97, %mul3A_98 : i32
      %get3A_100 = arith.index_cast %mul3A_99 : i32 to index
      %get3A_101 = tpu.vector_load %arg21[%get3A_100] {strides = array<i32>} : memref<16384xf32, #tpu.memory_space<vmem>>, vector<16xf32>,
      %get3A_102 = arith.index_cast %mul3A_99 : i32 to index
      %get3A_103 = tpu.vector_load %arg22[%get3A_102] {strides = array<i32>} : memref<16384xf32, #tpu.memory_space<vmem>>, vector<16xf32>,
      %mul3A_104 = arith.mulf %get3A_101, %get3A_103 : vector<16xf32>
      %add3A_105 = arith.constant 16 : i32
      %add3A_106 = arith.addi %mul3A_99, %add3A_105 : i32
      %get3A_107 = arith.index_cast %add3A_106 : i32 to index
      %get3A_108 = tpu.vector_load %arg21[%get3A_107] {strides = array<i32>} : memref<16384xf32, #tpu.memory_space<vmem>>, vector<16xf32>,
      %add3A_109 = arith.constant 16 : i32
      %add3A_110 = arith.addi %mul3A_99, %add3A_109 : i32
      %get3A_111 = arith.index_cast %add3A_110 : i32 to index
      %get3A_112 = tpu.vector_load %arg22[%get3A_111] {strides = array<i32>} : memref<16384xf32, #tpu.memory_space<vmem>>, vector<16xf32>,
      %mul3A_113 = arith.mulf %get3A_108, %get3A_112 : vector<16xf32>
      %add3A_114 = arith.addf %mul3A_104, %mul3A_113 : vector<16xf32>
      %add3A_115 = arith.constant 3 : i32
      %add3A_116 = vector.broadcast %add3A_115 : i32 to vector<16xi32>
      %add3A_117 = arith.addi %mul3A_18, %add3A_116 : vector<16xi32>
      tpu.vector_store_idx %arg23[%add3A_117], %add3A_114 : memref<256xf32, #tpu.memory_space<vmem>>[vector<16xi32>], vector<16xf32>,
      %add3A_118 = arith.constant 4 : i32
      %add3A_119 = arith.addi %mul3A_29, %add3A_118 : i32
      %mul3A_120 = arith.constant 32 : i32
      %mul3A_121 = arith.muli %add3A_119, %mul3A_120 : i32
      %get3A_122 = arith.index_cast %mul3A_121 : i32 to index
      %get3A_123 = tpu.vector_load %arg21[%get3A_122] {strides = array<i32>} : memref<16384xf32, #tpu.memory_space<vmem>>, vector<16xf32>,
      %get3A_124 = arith.index_cast %mul3A_121 : i32 to index
      %get3A_125 = tpu.vector_load %arg22[%get3A_124] {strides = array<i32>} : memref<16384xf32, #tpu.memory_space<vmem>>, vector<16xf32>,
      %mul3A_126 = arith.mulf %get3A_123, %get3A_125 : vector<16xf32>
      %add3A_127 = arith.constant 16 : i32
      %add3A_128 = arith.addi %mul3A_121, %add3A_127 : i32
      %get3A_129 = arith.index_cast %add3A_128 : i32 to index
      %get3A_130 = tpu.vector_load %arg21[%get3A_129] {strides = array<i32>} : memref<16384xf32, #tpu.memory_space<vmem>>, vector<16xf32>,
      %add3A_131 = arith.constant 16 : i32
      %add3A_132 = arith.addi %mul3A_121, %add3A_131 : i32
      %get3A_133 = arith.index_cast %add3A_132 : i32 to index
      %get3A_134 = tpu.vector_load %arg22[%get3A_133] {strides = array<i32>} : memref<16384xf32, #tpu.memory_space<vmem>>, vector<16xf32>,
      %mul3A_135 = arith.mulf %get3A_130, %get3A_134 : vector<16xf32>
      %add3A_136 = arith.addf %mul3A_126, %mul3A_135 : vector<16xf32>
      %add3A_137 = arith.constant 4 : i32
      %add3A_138 = vector.broadcast %add3A_137 : i32 to vector<16xi32>
      %add3A_139 = arith.addi %mul3A_18, %add3A_138 : vector<16xi32>
      tpu.vector_store_idx %arg23[%add3A_139], %add3A_136 : memref<256xf32, #tpu.memory_space<vmem>>[vector<16xi32>], vector<16xf32>,
      %add3A_140 = arith.constant 5 : i32
      %add3A_141 = arith.addi %mul3A_29, %add3A_140 : i32
      %mul3A_142 = arith.constant 32 : i32
      %mul3A_143 = arith.muli %add3A_141, %mul3A_142 : i32
      %get3A_144 = arith.index_cast %mul3A_143 : i32 to index
      %get3A_145 = tpu.vector_load %arg21[%get3A_144] {strides = array<i32>} : memref<16384xf32, #tpu.memory_space<vmem>>, vector<16xf32>,
      %get3A_146 = arith.index_cast %mul3A_143 : i32 to index
      %get3A_147 = tpu.vector_load %arg22[%get3A_146] {strides = array<i32>} : memref<16384xf32, #tpu.memory_space<vmem>>, vector<16xf32>,
      %mul3A_148 = arith.mulf %get3A_145, %get3A_147 : vector<16xf32>
      %add3A_149 = arith.constant 16 : i32
      %add3A_150 = arith.addi %mul3A_143, %add3A_149 : i32
      %get3A_151 = arith.index_cast %add3A_150 : i32 to index
      %get3A_152 = tpu.vector_load %arg21[%get3A_151] {strides = array<i32>} : memref<16384xf32, #tpu.memory_space<vmem>>, vector<16xf32>,
      %add3A_153 = arith.constant 16 : i32
      %add3A_154 = arith.addi %mul3A_143, %add3A_153 : i32
      %get3A_155 = arith.index_cast %add3A_154 : i32 to index
      %get3A_156 = tpu.vector_load %arg22[%get3A_155] {strides = array<i32>} : memref<16384xf32, #tpu.memory_space<vmem>>, vector<16xf32>,
      %mul3A_157 = arith.mulf %get3A_152, %get3A_156 : vector<16xf32>
      %add3A_158 = arith.addf %mul3A_148, %mul3A_157 : vector<16xf32>
      %add3A_159 = arith.constant 5 : i32
      %add3A_160 = vector.broadcast %add3A_159 : i32 to vector<16xi32>
      %add3A_161 = arith.addi %mul3A_18, %add3A_160 : vector<16xi32>
      tpu.vector_store_idx %arg23[%add3A_161], %add3A_158 : memref<256xf32, #tpu.memory_space<vmem>>[vector<16xi32>], vector<16xf32>,
      %add3A_162 = arith.constant 6 : i32
      %add3A_163 = arith.addi %mul3A_29, %add3A_162 : i32
      %mul3A_164 = arith.constant 32 : i32
      %mul3A_165 = arith.muli %add3A_163, %mul3A_164 : i32
      %get3A_166 = arith.index_cast %mul3A_165 : i32 to index
      %get3A_167 = tpu.vector_load %arg21[%get3A_166] {strides = array<i32>} : memref<16384xf32, #tpu.memory_space<vmem>>, vector<16xf32>,
      %get3A_168 = arith.index_cast %mul3A_165 : i32 to index
      %get3A_169 = tpu.vector_load %arg22[%get3A_168] {strides = array<i32>} : memref<16384xf32, #tpu.memory_space<vmem>>, vector<16xf32>,
      %mul3A_170 = arith.mulf %get3A_167, %get3A_169 : vector<16xf32>
      %add3A_171 = arith.constant 16 : i32
      %add3A_172 = arith.addi %mul3A_165, %add3A_171 : i32
      %get3A_173 = arith.index_cast %add3A_172 : i32 to index
      %get3A_174 = tpu.vector_load %arg21[%get3A_173] {strides = array<i32>} : memref<16384xf32, #tpu.memory_space<vmem>>, vector<16xf32>,
      %add3A_175 = arith.constant 16 : i32
      %add3A_176 = arith.addi %mul3A_165, %add3A_175 : i32
      %get3A_177 = arith.index_cast %add3A_176 : i32 to index
      %get3A_178 = tpu.vector_load %arg22[%get3A_177] {strides = array<i32>} : memref<16384xf32, #tpu.memory_space<vmem>>, vector<16xf32>,
      %mul3A_179 = arith.mulf %get3A_174, %get3A_178 : vector<16xf32>
      %add3A_180 = arith.addf %mul3A_170, %mul3A_179 : vector<16xf32>
      %add3A_181 = arith.constant 6 : i32
      %add3A_182 = vector.broadcast %add3A_181 : i32 to vector<16xi32>
      %add3A_183 = arith.addi %mul3A_18, %add3A_182 : vector<16xi32>
      tpu.vector_store_idx %arg23[%add3A_183], %add3A_180 : memref<256xf32, #tpu.memory_space<vmem>>[vector<16xi32>], vector<16xf32>,
      %add3A_184 = arith.constant 7 : i32
      %add3A_185 = arith.addi %mul3A_29, %add3A_184 : i32
      %mul3A_186 = arith.constant 32 : i32
      %mul3A_187 = arith.muli %add3A_185, %mul3A_186 : i32
      %get3A_188 = arith.index_cast %mul3A_187 : i32 to index
      %get3A_189 = tpu.vector_load %arg21[%get3A_188] {strides = array<i32>} : memref<16384xf32, #tpu.memory_space<vmem>>, vector<16xf32>,
      %get3A_190 = arith.index_cast %mul3A_187 : i32 to index
      %get3A_191 = tpu.vector_load %arg22[%get3A_190] {strides = array<i32>} : memref<16384xf32, #tpu.memory_space<vmem>>, vector<16xf32>,
      %mul3A_192 = arith.mulf %get3A_189, %get3A_191 : vector<16xf32>
      %add3A_193 = arith.constant 16 : i32
      %add3A_194 = arith.addi %mul3A_187, %add3A_193 : i32
      %get3A_195 = arith.index_cast %add3A_194 : i32 to index
      %get3A_196 = tpu.vector_load %arg21[%get3A_195] {strides = array<i32>} : memref<16384xf32, #tpu.memory_space<vmem>>, vector<16xf32>,
      %add3A_197 = arith.constant 16 : i32
      %add3A_198 = arith.addi %mul3A_187, %add3A_197 : i32
      %get3A_199 = arith.index_cast %add3A_198 : i32 to index
      %get3A_200 = tpu.vector_load %arg22[%get3A_199] {strides = array<i32>} : memref<16384xf32, #tpu.memory_space<vmem>>, vector<16xf32>,
      %mul3A_201 = arith.mulf %get3A_196, %get3A_200 : vector<16xf32>
      %add3A_202 = arith.addf %mul3A_192, %mul3A_201 : vector<16xf32>
      %add3A_203 = arith.constant 7 : i32
      %add3A_204 = vector.broadcast %add3A_203 : i32 to vector<16xi32>
      %add3A_205 = arith.addi %mul3A_18, %add3A_204 : vector<16xi32>
      tpu.vector_store_idx %arg23[%add3A_205], %add3A_202 : memref<256xf32, #tpu.memory_space<vmem>>[vector<16xi32>], vector<16xf32>,
      %add3A_206 = arith.constant 8 : i32
      %add3A_207 = arith.addi %mul3A_29, %add3A_206 : i32
      %mul3A_208 = arith.constant 32 : i32
      %mul3A_209 = arith.muli %add3A_207, %mul3A_208 : i32
      %get3A_210 = arith.index_cast %mul3A_209 : i32 to index
      %get3A_211 = tpu.vector_load %arg21[%get3A_210] {strides = array<i32>} : memref<16384xf32, #tpu.memory_space<vmem>>, vector<16xf32>,
      %get3A_212 = arith.index_cast %mul3A_209 : i32 to index
      %get3A_213 = tpu.vector_load %arg22[%get3A_212] {strides = array<i32>} : memref<16384xf32, #tpu.memory_space<vmem>>, vector<16xf32>,
      %mul3A_214 = arith.mulf %get3A_211, %get3A_213 : vector<16xf32>
      %add3A_215 = arith.constant 16 : i32
      %add3A_216 = arith.addi %mul3A_209, %add3A_215 : i32
      %get3A_217 = arith.index_cast %add3A_216 : i32 to index
      %get3A_218 = tpu.vector_load %arg21[%get3A_217] {strides = array<i32>} : memref<16384xf32, #tpu.memory_space<vmem>>, vector<16xf32>,
      %add3A_219 = arith.constant 16 : i32
      %add3A_220 = arith.addi %mul3A_209, %add3A_219 : i32
      %get3A_221 = arith.index_cast %add3A_220 : i32 to index
      %get3A_222 = tpu.vector_load %arg22[%get3A_221] {strides = array<i32>} : memref<16384xf32, #tpu.memory_space<vmem>>, vector<16xf32>,
      %mul3A_223 = arith.mulf %get3A_218, %get3A_222 : vector<16xf32>
      %add3A_224 = arith.addf %mul3A_214, %mul3A_223 : vector<16xf32>
      %add3A_225 = arith.constant 8 : i32
      %add3A_226 = vector.broadcast %add3A_225 : i32 to vector<16xi32>
      %add3A_227 = arith.addi %mul3A_18, %add3A_226 : vector<16xi32>
      tpu.vector_store_idx %arg23[%add3A_227], %add3A_224 : memref<256xf32, #tpu.memory_space<vmem>>[vector<16xi32>], vector<16xf32>,
      %add3A_228 = arith.constant 9 : i32
      %add3A_229 = arith.addi %mul3A_29, %add3A_228 : i32
      %mul3A_230 = arith.constant 32 : i32
      %mul3A_231 = arith.muli %add3A_229, %mul3A_230 : i32
      %get3A_232 = arith.index_cast %mul3A_231 : i32 to index
      %get3A_233 = tpu.vector_load %arg21[%get3A_232] {strides = array<i32>} : memref<16384xf32, #tpu.memory_space<vmem>>, vector<16xf32>,
      %get3A_234 = arith.index_cast %mul3A_231 : i32 to index
      %get3A_235 = tpu.vector_load %arg22[%get3A_234] {strides = array<i32>} : memref<16384xf32, #tpu.memory_space<vmem>>, vector<16xf32>,
      %mul3A_236 = arith.mulf %get3A_233, %get3A_235 : vector<16xf32>
      %add3A_237 = arith.constant 16 : i32
      %add3A_238 = arith.addi %mul3A_231, %add3A_237 : i32
      %get3A_239 = arith.index_cast %add3A_238 : i32 to index
      %get3A_240 = tpu.vector_load %arg21[%get3A_239] {strides = array<i32>} : memref<16384xf32, #tpu.memory_space<vmem>>, vector<16xf32>,
      %add3A_241 = arith.constant 16 : i32
      %add3A_242 = arith.addi %mul3A_231, %add3A_241 : i32
      %get3A_243 = arith.index_cast %add3A_242 : i32 to index
      %get3A_244 = tpu.vector_load %arg22[%get3A_243] {strides = array<i32>} : memref<16384xf32, #tpu.memory_space<vmem>>, vector<16xf32>,
      %mul3A_245 = arith.mulf %get3A_240, %get3A_244 : vector<16xf32>
      %add3A_246 = arith.addf %mul3A_236, %mul3A_245 : vector<16xf32>
      %add3A_247 = arith.constant 9 : i32
      %add3A_248 = vector.broadcast %add3A_247 : i32 to vector<16xi32>
      %add3A_249 = arith.addi %mul3A_18, %add3A_248 : vector<16xi32>
      tpu.vector_store_idx %arg23[%add3A_249], %add3A_246 : memref<256xf32, #tpu.memory_space<vmem>>[vector<16xi32>], vector<16xf32>,
      %add3A_250 = arith.constant 10 : i32
      %add3A_251 = arith.addi %mul3A_29, %add3A_250 : i32
      %mul3A_252 = arith.constant 32 : i32
      %mul3A_253 = arith.muli %add3A_251, %mul3A_252 : i32
      %get3A_254 = arith.index_cast %mul3A_253 : i32 to index
      %get3A_255 = tpu.vector_load %arg21[%get3A_254] {strides = array<i32>} : memref<16384xf32, #tpu.memory_space<vmem>>, vector<16xf32>,
      %get3A_256 = arith.index_cast %mul3A_253 : i32 to index
      %get3A_257 = tpu.vector_load %arg22[%get3A_256] {strides = array<i32>} : memref<16384xf32, #tpu.memory_space<vmem>>, vector<16xf32>,
      %mul3A_258 = arith.mulf %get3A_255, %get3A_257 : vector<16xf32>
      %add3A_259 = arith.constant 16 : i32
      %add3A_260 = arith.addi %mul3A_253, %add3A_259 : i32
      %get3A_261 = arith.index_cast %add3A_260 : i32 to index
      %get3A_262 = tpu.vector_load %arg21[%get3A_261] {strides = array<i32>} : memref<16384xf32, #tpu.memory_space<vmem>>, vector<16xf32>,
      %add3A_263 = arith.constant 16 : i32
      %add3A_264 = arith.addi %mul3A_253, %add3A_263 : i32
      %get3A_265 = arith.index_cast %add3A_264 : i32 to index
      %get3A_266 = tpu.vector_load %arg22[%get3A_265] {strides = array<i32>} : memref<16384xf32, #tpu.memory_space<vmem>>, vector<16xf32>,
      %mul3A_267 = arith.mulf %get3A_262, %get3A_266 : vector<16xf32>
      %add3A_268 = arith.addf %mul3A_258, %mul3A_267 : vector<16xf32>
      %add3A_269 = arith.constant 10 : i32
      %add3A_270 = vector.broadcast %add3A_269 : i32 to vector<16xi32>
      %add3A_271 = arith.addi %mul3A_18, %add3A_270 : vector<16xi32>
      tpu.vector_store_idx %arg23[%add3A_271], %add3A_268 : memref<256xf32, #tpu.memory_space<vmem>>[vector<16xi32>], vector<16xf32>,
      %add3A_272 = arith.constant 11 : i32
      %add3A_273 = arith.addi %mul3A_29, %add3A_272 : i32
      %mul3A_274 = arith.constant 32 : i32
      %mul3A_275 = arith.muli %add3A_273, %mul3A_274 : i32
      %get3A_276 = arith.index_cast %mul3A_275 : i32 to index
      %get3A_277 = tpu.vector_load %arg21[%get3A_276] {strides = array<i32>} : memref<16384xf32, #tpu.memory_space<vmem>>, vector<16xf32>,
      %get3A_278 = arith.index_cast %mul3A_275 : i32 to index
      %get3A_279 = tpu.vector_load %arg22[%get3A_278] {strides = array<i32>} : memref<16384xf32, #tpu.memory_space<vmem>>, vector<16xf32>,
      %mul3A_280 = arith.mulf %get3A_277, %get3A_279 : vector<16xf32>
      %add3A_281 = arith.constant 16 : i32
      %add3A_282 = arith.addi %mul3A_275, %add3A_281 : i32
      %get3A_283 = arith.index_cast %add3A_282 : i32 to index
      %get3A_284 = tpu.vector_load %arg21[%get3A_283] {strides = array<i32>} : memref<16384xf32, #tpu.memory_space<vmem>>, vector<16xf32>,
      %add3A_285 = arith.constant 16 : i32
      %add3A_286 = arith.addi %mul3A_275, %add3A_285 : i32
      %get3A_287 = arith.index_cast %add3A_286 : i32 to index
      %get3A_288 = tpu.vector_load %arg22[%get3A_287] {strides = array<i32>} : memref<16384xf32, #tpu.memory_space<vmem>>, vector<16xf32>,
      %mul3A_289 = arith.mulf %get3A_284, %get3A_288 : vector<16xf32>
      %add3A_290 = arith.addf %mul3A_280, %mul3A_289 : vector<16xf32>
      %add3A_291 = arith.constant 11 : i32
      %add3A_292 = vector.broadcast %add3A_291 : i32 to vector<16xi32>
      %add3A_293 = arith.addi %mul3A_18, %add3A_292 : vector<16xi32>
      tpu.vector_store_idx %arg23[%add3A_293], %add3A_290 : memref<256xf32, #tpu.memory_space<vmem>>[vector<16xi32>], vector<16xf32>,
      %add3A_294 = arith.constant 12 : i32
      %add3A_295 = arith.addi %mul3A_29, %add3A_294 : i32
      %mul3A_296 = arith.constant 32 : i32
      %mul3A_297 = arith.muli %add3A_295, %mul3A_296 : i32
      %get3A_298 = arith.index_cast %mul3A_297 : i32 to index
      %get3A_299 = tpu.vector_load %arg21[%get3A_298] {strides = array<i32>} : memref<16384xf32, #tpu.memory_space<vmem>>, vector<16xf32>,
      %get3A_300 = arith.index_cast %mul3A_297 : i32 to index
      %get3A_301 = tpu.vector_load %arg22[%get3A_300] {strides = array<i32>} : memref<16384xf32, #tpu.memory_space<vmem>>, vector<16xf32>,
      %mul3A_302 = arith.mulf %get3A_299, %get3A_301 : vector<16xf32>
      %add3A_303 = arith.constant 16 : i32
      %add3A_304 = arith.addi %mul3A_297, %add3A_303 : i32
      %get3A_305 = arith.index_cast %add3A_304 : i32 to index
      %get3A_306 = tpu.vector_load %arg21[%get3A_305] {strides = array<i32>} : memref<16384xf32, #tpu.memory_space<vmem>>, vector<16xf32>,
      %add3A_307 = arith.constant 16 : i32
      %add3A_308 = arith.addi %mul3A_297, %add3A_307 : i32
      %get3A_309 = arith.index_cast %add3A_308 : i32 to index
      %get3A_310 = tpu.vector_load %arg22[%get3A_309] {strides = array<i32>} : memref<16384xf32, #tpu.memory_space<vmem>>, vector<16xf32>,
      %mul3A_311 = arith.mulf %get3A_306, %get3A_310 : vector<16xf32>
      %add3A_312 = arith.addf %mul3A_302, %mul3A_311 : vector<16xf32>
      %add3A_313 = arith.constant 12 : i32
      %add3A_314 = vector.broadcast %add3A_313 : i32 to vector<16xi32>
      %add3A_315 = arith.addi %mul3A_18, %add3A_314 : vector<16xi32>
      tpu.vector_store_idx %arg23[%add3A_315], %add3A_312 : memref<256xf32, #tpu.memory_space<vmem>>[vector<16xi32>], vector<16xf32>,
      %add3A_316 = arith.constant 13 : i32
      %add3A_317 = arith.addi %mul3A_29, %add3A_316 : i32
      %mul3A_318 = arith.constant 32 : i32
      %mul3A_319 = arith.muli %add3A_317, %mul3A_318 : i32
      %get3A_320 = arith.index_cast %mul3A_319 : i32 to index
      %get3A_321 = tpu.vector_load %arg21[%get3A_320] {strides = array<i32>} : memref<16384xf32, #tpu.memory_space<vmem>>, vector<16xf32>,
      %get3A_322 = arith.index_cast %mul3A_319 : i32 to index
      %get3A_323 = tpu.vector_load %arg22[%get3A_322] {strides = array<i32>} : memref<16384xf32, #tpu.memory_space<vmem>>, vector<16xf32>,
      %mul3A_324 = arith.mulf %get3A_321, %get3A_323 : vector<16xf32>
      %add3A_325 = arith.constant 16 : i32
      %add3A_326 = arith.addi %mul3A_319, %add3A_325 : i32
      %get3A_327 = arith.index_cast %add3A_326 : i32 to index
      %get3A_328 = tpu.vector_load %arg21[%get3A_327] {strides = array<i32>} : memref<16384xf32, #tpu.memory_space<vmem>>, vector<16xf32>,
      %add3A_329 = arith.constant 16 : i32
      %add3A_330 = arith.addi %mul3A_319, %add3A_329 : i32
      %get3A_331 = arith.index_cast %add3A_330 : i32 to index
      %get3A_332 = tpu.vector_load %arg22[%get3A_331] {strides = array<i32>} : memref<16384xf32, #tpu.memory_space<vmem>>, vector<16xf32>,
      %mul3A_333 = arith.mulf %get3A_328, %get3A_332 : vector<16xf32>
      %add3A_334 = arith.addf %mul3A_324, %mul3A_333 : vector<16xf32>
      %add3A_335 = arith.constant 13 : i32
      %add3A_336 = vector.broadcast %add3A_335 : i32 to vector<16xi32>
      %add3A_337 = arith.addi %mul3A_18, %add3A_336 : vector<16xi32>
      tpu.vector_store_idx %arg23[%add3A_337], %add3A_334 : memref<256xf32, #tpu.memory_space<vmem>>[vector<16xi32>], vector<16xf32>,
      %add3A_338 = arith.constant 14 : i32
      %add3A_339 = arith.addi %mul3A_29, %add3A_338 : i32
      %mul3A_340 = arith.constant 32 : i32
      %mul3A_341 = arith.muli %add3A_339, %mul3A_340 : i32
      %get3A_342 = arith.index_cast %mul3A_341 : i32 to index
      %get3A_343 = tpu.vector_load %arg21[%get3A_342] {strides = array<i32>} : memref<16384xf32, #tpu.memory_space<vmem>>, vector<16xf32>,
      %get3A_344 = arith.index_cast %mul3A_341 : i32 to index
      %get3A_345 = tpu.vector_load %arg22[%get3A_344] {strides = array<i32>} : memref<16384xf32, #tpu.memory_space<vmem>>, vector<16xf32>,
      %mul3A_346 = arith.mulf %get3A_343, %get3A_345 : vector<16xf32>
      %add3A_347 = arith.constant 16 : i32
      %add3A_348 = arith.addi %mul3A_341, %add3A_347 : i32
      %get3A_349 = arith.index_cast %add3A_348 : i32 to index
      %get3A_350 = tpu.vector_load %arg21[%get3A_349] {strides = array<i32>} : memref<16384xf32, #tpu.memory_space<vmem>>, vector<16xf32>,
      %add3A_351 = arith.constant 16 : i32
      %add3A_352 = arith.addi %mul3A_341, %add3A_351 : i32
      %get3A_353 = arith.index_cast %add3A_352 : i32 to index
      %get3A_354 = tpu.vector_load %arg22[%get3A_353] {strides = array<i32>} : memref<16384xf32, #tpu.memory_space<vmem>>, vector<16xf32>,
      %mul3A_355 = arith.mulf %get3A_350, %get3A_354 : vector<16xf32>
      %add3A_356 = arith.addf %mul3A_346, %mul3A_355 : vector<16xf32>
      %add3A_357 = arith.constant 14 : i32
      %add3A_358 = vector.broadcast %add3A_357 : i32 to vector<16xi32>
      %add3A_359 = arith.addi %mul3A_18, %add3A_358 : vector<16xi32>
      tpu.vector_store_idx %arg23[%add3A_359], %add3A_356 : memref<256xf32, #tpu.memory_space<vmem>>[vector<16xi32>], vector<16xf32>,
      %add3A_360 = arith.constant 15 : i32
      %add3A_361 = arith.addi %mul3A_29, %add3A_360 : i32
      %mul3A_362 = arith.constant 32 : i32
      %mul3A_363 = arith.muli %add3A_361, %mul3A_362 : i32
      %get3A_364 = arith.index_cast %mul3A_363 : i32 to index
      %get3A_365 = tpu.vector_load %arg21[%get3A_364] {strides = array<i32>} : memref<16384xf32, #tpu.memory_space<vmem>>, vector<16xf32>,
      %get3A_366 = arith.index_cast %mul3A_363 : i32 to index
      %get3A_367 = tpu.vector_load %arg22[%get3A_366] {strides = array<i32>} : memref<16384xf32, #tpu.memory_space<vmem>>, vector<16xf32>,
      %mul3A_368 = arith.mulf %get3A_365, %get3A_367 : vector<16xf32>
      %add3A_369 = arith.constant 16 : i32
      %add3A_370 = arith.addi %mul3A_363, %add3A_369 : i32
      %get3A_371 = arith.index_cast %add3A_370 : i32 to index
      %get3A_372 = tpu.vector_load %arg21[%get3A_371] {strides = array<i32>} : memref<16384xf32, #tpu.memory_space<vmem>>, vector<16xf32>,
      %add3A_373 = arith.constant 16 : i32
      %add3A_374 = arith.addi %mul3A_363, %add3A_373 : i32
      %get3A_375 = arith.index_cast %add3A_374 : i32 to index
      %get3A_376 = tpu.vector_load %arg22[%get3A_375] {strides = array<i32>} : memref<16384xf32, #tpu.memory_space<vmem>>, vector<16xf32>,
      %mul3A_377 = arith.mulf %get3A_372, %get3A_376 : vector<16xf32>
      %add3A_378 = arith.addf %mul3A_368, %mul3A_377 : vector<16xf32>
      %add3A_379 = arith.constant 15 : i32
      %add3A_380 = vector.broadcast %add3A_379 : i32 to vector<16xi32>
      %add3A_381 = arith.addi %mul3A_18, %add3A_380 : vector<16xi32>
      tpu.vector_store_idx %arg23[%add3A_381], %add3A_378 : memref<256xf32, #tpu.memory_space<vmem>>[vector<16xi32>], vector<16xf32>,
      %get3A_382 = arith.constant 0 : index
      %get3A_383 = tpu.vector_load %arg23[%get3A_382] {strides = array<i32>} : memref<256xf32, #tpu.memory_space<vmem>>, vector<16xf32>,
      %get3A_384 = arith.constant 16 : index
      %get3A_385 = tpu.vector_load %arg23[%get3A_384] {strides = array<i32>} : memref<256xf32, #tpu.memory_space<vmem>>, vector<16xf32>,
      %add3A_386 = arith.addf %get3A_383, %get3A_385 : vector<16xf32>
      %get3A_387 = arith.constant 32 : index
      %get3A_388 = tpu.vector_load %arg23[%get3A_387] {strides = array<i32>} : memref<256xf32, #tpu.memory_space<vmem>>, vector<16xf32>,
      %add3A_389 = arith.addf %add3A_386, %get3A_388 : vector<16xf32>
      %get3A_390 = arith.constant 48 : index
      %get3A_391 = tpu.vector_load %arg23[%get3A_390] {strides = array<i32>} : memref<256xf32, #tpu.memory_space<vmem>>, vector<16xf32>,
      %add3A_392 = arith.addf %add3A_389, %get3A_391 : vector<16xf32>
      %get3A_393 = arith.constant 64 : index
      %get3A_394 = tpu.vector_load %arg23[%get3A_393] {strides = array<i32>} : memref<256xf32, #tpu.memory_space<vmem>>, vector<16xf32>,
      %add3A_395 = arith.addf %add3A_392, %get3A_394 : vector<16xf32>
      %get3A_396 = arith.constant 80 : index
      %get3A_397 = tpu.vector_load %arg23[%get3A_396] {strides = array<i32>} : memref<256xf32, #tpu.memory_space<vmem>>, vector<16xf32>,
      %add3A_398 = arith.addf %add3A_395, %get3A_397 : vector<16xf32>
      %get3A_399 = arith.constant 96 : index
      %get3A_400 = tpu.vector_load %arg23[%get3A_399] {strides = array<i32>} : memref<256xf32, #tpu.memory_space<vmem>>, vector<16xf32>,
      %add3A_401 = arith.addf %add3A_398, %get3A_400 : vector<16xf32>
      %get3A_402 = arith.constant 112 : index
      %get3A_403 = tpu.vector_load %arg23[%get3A_402] {strides = array<i32>} : memref<256xf32, #tpu.memory_space<vmem>>, vector<16xf32>,
      %add3A_404 = arith.addf %add3A_401, %get3A_403 : vector<16xf32>
      %get3A_405 = arith.constant 128 : index
      %get3A_406 = tpu.vector_load %arg23[%get3A_405] {strides = array<i32>} : memref<256xf32, #tpu.memory_space<vmem>>, vector<16xf32>,
      %add3A_407 = arith.addf %add3A_404, %get3A_406 : vector<16xf32>
      %get3A_408 = arith.constant 144 : index
      %get3A_409 = tpu.vector_load %arg23[%get3A_408] {strides = array<i32>} : memref<256xf32, #tpu.memory_space<vmem>>, vector<16xf32>,
      %add3A_410 = arith.addf %add3A_407, %get3A_409 : vector<16xf32>
      %get3A_411 = arith.constant 160 : index
      %get3A_412 = tpu.vector_load %arg23[%get3A_411] {strides = array<i32>} : memref<256xf32, #tpu.memory_space<vmem>>, vector<16xf32>,
      %add3A_413 = arith.addf %add3A_410, %get3A_412 : vector<16xf32>
      %get3A_414 = arith.constant 176 : index
      %get3A_415 = tpu.vector_load %arg23[%get3A_414] {strides = array<i32>} : memref<256xf32, #tpu.memory_space<vmem>>, vector<16xf32>,
      %add3A_416 = arith.addf %add3A_413, %get3A_415 : vector<16xf32>
      %get3A_417 = arith.constant 192 : index
      %get3A_418 = tpu.vector_load %arg23[%get3A_417] {strides = array<i32>} : memref<256xf32, #tpu.memory_space<vmem>>, vector<16xf32>,
      %add3A_419 = arith.addf %add3A_416, %get3A_418 : vector<16xf32>
      %get3A_420 = arith.constant 208 : index
      %get3A_421 = tpu.vector_load %arg23[%get3A_420] {strides = array<i32>} : memref<256xf32, #tpu.memory_space<vmem>>, vector<16xf32>,
      %add3A_422 = arith.addf %add3A_419, %get3A_421 : vector<16xf32>
      %get3A_423 = arith.constant 224 : index
      %get3A_424 = tpu.vector_load %arg23[%get3A_423] {strides = array<i32>} : memref<256xf32, #tpu.memory_space<vmem>>, vector<16xf32>,
      %add3A_425 = arith.addf %add3A_422, %get3A_424 : vector<16xf32>
      %get3A_426 = arith.constant 240 : index
      %get3A_427 = tpu.vector_load %arg23[%get3A_426] {strides = array<i32>} : memref<256xf32, #tpu.memory_space<vmem>>, vector<16xf32>,
      %add3A_428 = arith.addf %add3A_425, %get3A_427 : vector<16xf32>
      %get3A_429 = arith.index_cast %mul3A_29 : i32 to index
      %get3A_430 = tpu.vector_load %arg19[%get3A_429] {strides = array<i32>} : memref<512xf32, #tpu.memory_space<vmem>>, vector<16xf32>,
      %add3A_431 = arith.addf %get3A_13, %get3A_430 : vector<16xf32>
      %get3A_432 = arith.index_cast %mul3A_29 : i32 to index
      %get3A_433 = tpu.vector_load %arg20[%get3A_432] {strides = array<i32>} : memref<512xf32, #tpu.memory_space<vmem>>, vector<16xf32>,
      %add3A_434 = arith.addf %add3A_431, %get3A_433 : vector<16xf32>
      %add3A_435 = arith.addf %add3A_434, %add3A_428 : vector<16xf32>
      %get3A_436 = arith.index_cast %mul3A_29 : i32 to index
      %get3A_437 = tpu.vector_load %arg16[%get3A_436] {strides = array<i32>} : memref<512xf32, #tpu.memory_space<vmem>>, vector<16xf32>,
      %mul3A_438 = arith.mulf %get3A_437, %get3A_15 : vector<16xf32>
      %add3A_439 = arith.addf %add3A_435, %mul3A_438 : vector<16xf32>
      %get3A_440 = arith.index_cast %mul3A_29 : i32 to index
      %get3A_441 = tpu.vector_load %arg15[%get3A_440] {strides = array<i32>} : memref<512xf32, #tpu.memory_space<vmem>>, vector<16xf32>,
      %sub3A = arith.subf %add3A_439, %get3A_441 : vector<16xf32>
      %mul3A_442 = arith.mulf %sub3A, %sub3A : vector<16xf32>
      %add3A_443 = arith.addf %scan3A_27, %mul3A_442 : vector<16xf32>
      scf.yield %add3A_443 : vector<16xf32>
    }
    %scan3A_24 = arith.constant 32 : i32
    %swap3A = arith.constant 0 : index
    %swap3A_25 = tpu.vector_load %arg24[%swap3A] {strides = array<i32>} : memref<16xf32, #tpu.memory_space<vmem>>, vector<16xf32>,
    tpu.vector_store %arg24[%swap3A], %scan3A_23 {strides = array<i32>} : memref<16xf32, #tpu.memory_space<vmem>>, vector<16xf32>,
    "tpu.region"() ({
      %run_scoped3A = tpu.sem_alloc : memref<!tpu.dma_semaphore, #tpu.memory_space<semaphore_mem>>
      %dma_start3A_26 = arith.constant 0 : i32
      %dma_start3A_27 = tpu.memref_slice %arg12[%add3A, %dma_start3A_26] : memref<32x16xf32, #tpu.memory_space<hbm>> -> memref<1x16xf32, #tpu.memory_space<hbm>>
      %dma_start3A_28 = tpu.memref_squeeze %dma_start3A_27 : memref<1x16xf32, #tpu.memory_space<hbm>> -> memref<16xf32, #tpu.memory_space<hbm>>
      %dma_start3A_29 = arith.constant 0 : i32
      %dma_start3A_30 = tpu.memref_slice %arg12[%add3A, %dma_start3A_29] : memref<32x16xf32, #tpu.memory_space<hbm>> -> memref<1x16xf32, #tpu.memory_space<hbm>>
      %dma_start3A_31 = tpu.memref_squeeze %dma_start3A_30 : memref<1x16xf32, #tpu.memory_space<hbm>> -> memref<16xf32, #tpu.memory_space<hbm>>
      tpu.enqueue_dma source(%arg24 : memref<16xf32, #tpu.memory_space<vmem>>) target(%dma_start3A_31 : memref<16xf32, #tpu.memory_space<hbm>>) target_semaphore(%run_scoped3A : memref<!tpu.dma_semaphore, #tpu.memory_space<semaphore_mem>>)
      %dma_wait3A_32 = arith.constant 0 : i32
      %dma_wait3A_33 = tpu.memref_slice %arg12[%add3A, %dma_wait3A_32] : memref<32x16xf32, #tpu.memory_space<hbm>> -> memref<1x16xf32, #tpu.memory_space<hbm>>
      %dma_wait3A_34 = tpu.memref_squeeze %dma_wait3A_33 : memref<1x16xf32, #tpu.memory_space<hbm>> -> memref<16xf32, #tpu.memory_space<hbm>>
      %dma_wait3A_35 = arith.constant 0 : i32
      %dma_wait3A_36 = tpu.memref_slice %arg12[%add3A, %dma_wait3A_35] : memref<32x16xf32, #tpu.memory_space<hbm>> -> memref<1x16xf32, #tpu.memory_space<hbm>>
      %dma_wait3A_37 = tpu.memref_squeeze %dma_wait3A_36 : memref<1x16xf32, #tpu.memory_space<hbm>> -> memref<16xf32, #tpu.memory_space<hbm>>
      tpu.wait_dma2 semaphore(%run_scoped3A : memref<!tpu.dma_semaphore, #tpu.memory_space<semaphore_mem>>) src(%arg24 : memref<16xf32, #tpu.memory_space<vmem>>) dst(%dma_wait3A_37 : memref<16xf32, #tpu.memory_space<hbm>>)
      tpu.yield
    }) : () -> ()
    return
  }
}

</mosaic_0001>

<sc_bundles>
// kernel: _lfm_sc.4.cloned.1.call-start
scs
__scs_entry_jumppad:
0x0: {  	(pc) =	sbr.rel $0x88, $3  }
0x1: {  	(tag) =	ssettag $0x0;
	lr =	simm.s32 $0x1  }
0x2: {  	[smem:$0x3F97] =	sst lr;
	_ =	strace $0xD0000000  }
0x3: {  	_ = 	snop  }
0x4: {  	_ = 	snop  }
0x5: {  	_ = 	snop  }
0x6: {  	_ = 	snop  }
0x7: {  	_ = 	snop  }
__scs_overlays_trampoline_lowered:
0x8: {  	[smem:$0x3FA6] =	sst s0  }
0x9: {  	[smem:$0x3FA7] =	sst s1  }
0xa: {  	[smem:$0x3FA8] =	sst s2  }
0xb: {  	[smem:$0x3FA9] =	sst s3  }
0xc: {  	[smem:$0x3FAA] =	sst s4  }
0xd: {  	[smem:$0x3FAB] =	sst s5  }
0xe: {  	[smem:$0x3FAC] =	sst s6  }
0xf: {  	[smem:$0x3FAD] =	sst s7  }
0x10: {  	[smem:$0x3FAE] =	sst s8  }
0x11: {  	[smem:$0x3FAF] =	sst s9;
	s0 =	simm.s32 @!p0 $0x0  }
0x12: {  	s1 =	sld [smem:$0x3F95];
	s0 =	simm.s32 @p0 $0x1  }
0x13: {  	[smem:$0x3FB0] =	sst s0;
	s0 =	simm.s32 @!p1 $0x0  }
0x14: {  	s2 =	sld [smem:$0x3F94];
	s0 =	simm.s32 @p1 $0x1  }
0x15: {  	[smem:$0x3FB1] =	sst s0;
	s0 =	simm.s32 @!p2 $0x0  }
0x16: {  	s3 =	sld [smem:$0x3FDB];
	s0 =	simm.s32 @p2 $0x1  }
0x17: {  	s4 =	simm.s32 $0x1BF5;
	[smem:$0x3FB3] =	sst s0  }
0x18: {  	s0 =	sld [smem:$0x3F96];
	_ =	swait.ge [sflag:s4], $0x0  }
0x19: {  	s7 =	sld [smem:$0x3F97]  }
0x1a: {  	s8 =	sadd.s32 $0xFFFFE003, lr  }
0x1b: {  	s9 =	sadd.s32 $0xFFFFFEF7, lr;
	s5 =	simm.s32 $0xFFFFFFFF;
	p2 =	slt.u32 s8, $0xFFFFF086  }
0x1c: {  	p1 =	slt.u32 s9, $0xF7A;
	s5 =	simm.s32 @!p2 $0x0  }
0x1d: {  	s5 =	simm.s32 @p1 $0x1;
	p0 =	seq.s32 s7, s2  }
0x1e: {  	s7 =	smul.u32 @!p0 $0xF7A, s2;
	p2 =	seq.s32 @!p0 s5, $0x0  }
0x1f: {  	s9 =	smul.u32 $0xF7A, s1;
	s8 =	simm.s32 @!p0 $0x1BF5;
	p2 =	por !p2, p0  }
0x20: {  	[sflag:s8] =	ssyncset.s32 @!p0 $0xFFFFF086;
	s6 =	sadd.s32 @!p0 s3, s7;
	s7 =	simm.s32 @!p0 $0x108  }
0x21: {  	s3 =	sadd.s32 s3, s9;
	s6 =	sadd.s32 @!p0 $0x88, s6;
	s7 =	simm.s32 @p2 $0x1082  }
0x22: {  	[simem:s7], [sflag:s8] =	dma.local @!p0 [hbm:s6], $0xF7A  }
0x23: {  	s9 =	sor.u32 $0xD0000000, s2;
	s6 =	simm.s32 $0x108;
	_ =	swait.ge @!p0 [sflag:s8], $0x0  }
0x24: {  	s3 =	sadd.s32 $0x88, s3;
	s6 =	simm.s32 @!p1 $0x1082;
	[sflag:s4] =	ssyncset.s32 $0xFFFFF086  }
0x25: {  	[simem:s6], [sflag:s4] =	dma.local [hbm:s3], $0xF7A  }
0x26: {  	[smem:$0x3F97] =	sst s1;
	(tag) =	ssettag s2;
	_ =	strace s9  }
0x27: {  	s1 =	sld [smem:$0x3FA7]  }
0x28: {  	s2 =	sld [smem:$0x3FA8]  }
0x29: {  	s4 =	sld [smem:$0x3FAA]  }
0x2a: {  	p0 =	seq.s32 s5, $0x0;
	s5 =	sld [smem:$0x3FAB]  }
0x2b: {  	s6 =	sld [smem:$0x3FAC]  }
0x2c: {  	s7 =	sld [smem:$0x3FAD]  }
0x2d: {  	s3 =	simm.s32 $0x108;
	s8 =	sld [smem:$0x3FAE]  }
0x2e: {  	s3 =	simm.s32 @!p0 $0x1082;
	s9 =	sld [smem:$0x3FAF]  }
0x2f: {  	lr =	sadd.s32 s0, s3;
	s0 =	sld [smem:$0x3FA6]  }
0x30: {  	s3 =	sld [smem:$0x3FA9]  }
0x31: {  	[smem:$0x3FB2] =	sst s10  }
0x32: {  	s10 =	sld [smem:$0x3FB0];
	_ =	sdelay $0x3  }
0x33: {  	p0 =	seq.s32 s10, $0x1;
	s10 =	sld [smem:$0x3FB2];
	_ =	sdelay $0x3  }
0x34: {  	[smem:$0x3FB2] =	sst s10  }
0x35: {  	s10 =	sld [smem:$0x3FB1];
	_ =	sdelay $0x3  }
0x36: {  	p1 =	seq.s32 s10, $0x1;
	s10 =	sld [smem:$0x3FB2];
	_ =	sdelay $0x3  }
0x37: {  	[smem:$0x3FB2] =	sst s10  }
0x38: {  	s10 =	sld [smem:$0x3FB3]  }
0x39: {  	_ = 	snop;
	(pc) =	sbr.ind lr, $3  }
0x3a: {  	_ = 	snop  }
0x3b: {  	_ = 	snop  }
0x3c: {  	p2 =	seq.s32 s10, $0x1;
	s10 =	sld [smem:$0x3FB2]  }
0x3d: {  	_ =	shalt  }
0x3e: {  	_ =	shalt  }
0x3f: {  	_ =	shalt  }
0x40: {  	_ =	shalt  }
0x41: {  	_ =	shalt  }
0x42: {  	_ =	shalt  }
0x43: {  	_ =	shalt  }
0x44: {  	_ =	shalt  }
0x45: {  	_ =	shalt  }
0x46: {  	_ =	shalt  }
0x47: {  	_ =	shalt  }
0x48: {  	_ =	shalt  }
0x49: {  	_ =	shalt  }
0x4a: {  	_ =	shalt  }
0x4b: {  	_ =	shalt  }
0x4c: {  	_ =	shalt  }
0x4d: {  	_ =	shalt  }
0x4e: {  	_ =	shalt  }
0x4f: {  	_ =	shalt  }
0x50: {  	_ =	shalt  }
0x51: {  	_ =	shalt  }
0x52: {  	_ =	shalt  }
0x53: {  	_ =	shalt  }
0x54: {  	_ =	shalt  }
0x55: {  	_ =	shalt  }
0x56: {  	_ =	shalt  }
0x57: {  	_ =	shalt  }
0x58: {  	_ =	shalt  }
0x59: {  	_ =	shalt  }
0x5a: {  	_ =	shalt  }
0x5b: {  	_ =	shalt  }
0x5c: {  	_ =	shalt  }
0x5d: {  	_ =	shalt  }
0x5e: {  	_ =	shalt  }
0x5f: {  	_ =	shalt  }
0x60: {  	_ =	shalt  }
0x61: {  	_ =	shalt  }
0x62: {  	_ =	shalt  }
0x63: {  	_ =	shalt  }
0x64: {  	_ =	shalt  }
0x65: {  	_ =	shalt  }
0x66: {  	_ =	shalt  }
0x67: {  	_ =	shalt  }
0x68: {  	_ =	shalt  }
0x69: {  	_ =	shalt  }
0x6a: {  	_ =	shalt  }
0x6b: {  	_ =	shalt  }
0x6c: {  	_ =	shalt  }
0x6d: {  	_ =	shalt  }
0x6e: {  	_ =	shalt  }
0x6f: {  	_ =	shalt  }
0x70: {  	_ =	shalt  }
0x71: {  	_ =	shalt  }
0x72: {  	_ =	shalt  }
0x73: {  	_ =	shalt  }
0x74: {  	_ =	shalt  }
0x75: {  	_ =	shalt  }
0x76: {  	_ =	shalt  }
0x77: {  	_ =	shalt  }
0x78: {  	_ =	shalt  }
0x79: {  	_ =	shalt  }
0x7a: {  	_ =	shalt  }
0x7b: {  	_ =	shalt  }
0x7c: {  	_ =	shalt  }
0x7d: {  	_ =	shalt  }
0x7e: {  	_ =	shalt  }
0x7f: {  	_ =	shalt  }
0x80: {  	_ =	shalt  }
0x81: {  	_ =	shalt  }
0x82: {  	_ =	shalt  }
0x83: {  	_ =	shalt  }
0x84: {  	_ =	shalt  }
0x85: {  	_ =	shalt  }
0x86: {  	_ =	shalt  }
0x87: {  	_ =	shalt  }
.Lfunc_end0:
.L_simem_size_0:
called_computation_lowered:
.L_overlay_start_0:
0x88: {  	s2 =	sld [smem:$0x3FD9]  }
0x89: {  	s3 =	sld [smem:$0x3FFE];
	_ =	sdelay $0x1  }
0x8a: {  	s1 =	srdreg.scid  }
0x8b: {  	s0 =	sand.u32 $0x1, s1  }
0x8c: {  	s17 =	sshll.u32 s0, $0xA;
	s2 =	sadd.s32 s3, s2  }
0x8d: {  	s2 =	sadd.s32 s2, s17  }
0x8e: {  	[smem:$0x3FBE] =	sst s2  }
0x8f: {  	_ = 	snop  }
0x90: {  	s2 =	sld [smem:$0x3FC9]  }
0x91: {  	s18 =	sld [smem:$0x3FC8]  }
0x92: {  	s4 =	sld [smem:$0x3FC1]  }
0x93: {  	s5 =	sld [smem:$0x3FC0];
	(tm) =	ssettm $0x1  }
0x94: {  	s6 =	sld [smem:$0x3FFB];
	_ =	sdelay $0x3  }
0x95: {  	_ =	strace s6  }
0x96: {  	s6 =	sld [smem:$0x3FFC];
	_ =	sdelay $0x3  }
0x97: {  	_ =	strace s6  }
0x98: {  	s6 =	sld [smem:$0x3FFD];
	_ =	sdelay $0x3  }
0x99: {  	_ =	strace s6  }
0x9a: {  	_ =	strace $0x8FFFFFFF  }
0x9b: {  	s19 =	sld [smem:$0x3FDB];
	_ =	sdelay $0x1  }
0x9c: {  	s7 =	simm.s32 $_scs_section_size  }
0x9d: {  	s8 =	simm.s32 $_size__tile_overlayer_lowered;
	s9 =	simm.s32 $_tile_overlayer_lowered  }
0x9e: {  	s22 =	simm.s32 $0x1BFF;
	s21 =	sshll.u32 s9, $0x1;
	s6 =	sadd.s32 s7, s19  }
0x9f: {  	s10 =	simm.s32 $0x0;
	s20 =	sshll.u32 s8, $0x1;
	s8 =	sadd.s32 s21, s6  }
0xa0: {  	[timem:s10], [sflag:s22] =	dma.local [hbm:s8], s20  }
0xa1: {  	_ =	swait.ge [sflag:s22], s20  }
0xa2: {  	s7 =	ssub.s32 $0x0, s20;
	[sflag:s22] =	ssyncset.done $0x0  }
0xa3: {  	[sflag:s22] =	ssyncadd.s32 s7;
	_ =	sdelay $0x1  }
0xa4: {  	s23 =	simm.s32 $0x1B8B  }
0xa5: {  	_ =	swait.ge [sflag:s23], $0x1  }
0xa6: {  	[sflag:s23] =	ssyncset.done $0x0  }
0xa7: {  	s25 =	simm.s32 $0x1B8E;
	s24 =	sld [smem:$0x3FFE];
	[sflag:s23] =	ssyncadd.s32 $0xFFFFFFFF  }
0xa8: {  	s26 =	simm.s32 $execute0_lowered;
	[smem:$0x3FD2] =	sst s25  }
0xa9: {  	s8 =	sshll.u32 s26, $0x1;
	_ =	strace $0x80000046;
	[dreg:$0x1] =	wrdreg $0xFFFFFFFF  }
0xaa: {  	s28 =	simm.s32 $_size_execute0_lowered;
	s6 =	sadd.s32 s6, s8;
	[dreg:$0x0] =	wrdreg $0x0  }
0xab: {  	s8 =	sshll.u32 s28, $0x1;
	[dreg:$0x2] =	wrdreg s6  }
0xac: {  	[dreg:$0x3] =	wrdreg s8  }
0xad: {  	[dreg:$0x4] =	wrdreg $0xC0  }
0xae: {  	_ =	task [dreg:s10], $0x5FFFF  }
0xaf: {  	[dreg:$0x1] =	wrdreg $0xFFFFFFFF  }
0xb0: {  	[dreg:$0x0] =	wrdreg $0x60  }
0xb1: {  	[dreg:$0x2] =	wrdreg s2  }
0xb2: {  	[dreg:$0x3] =	wrdreg s18  }
0xb3: {  	[dreg:$0x4] =	wrdreg s4  }
0xb4: {  	[dreg:$0x5] =	wrdreg s5  }
0xb5: {  	[dreg:$0x6] =	wrdreg s24  }
0xb6: {  	[dreg:$0x7] =	wrdreg $0x9  }
0xb7: {  	_ =	task.clear_ibuf [dreg:s10], $0x8FFFF;
	_ =	strace $0x90000046  }
0xb8: {  	s29 =	simm.s32 $0x9;
	_ =	strace $0x80000048  }
0xb9: {  	_ =	swait.ge [sflag:s29], $0x1  }
0xba: {  	[sflag:s29] =	ssyncadd.s32 $0xFFFFFFFF  }
0xbb: {  	_ =	strace $0x90000048  }
0xbc: {  	_ =	sfence  }
0xbd: {  	s30 =	sld [smem:$0x0];
	_ =	sdelay $0x2  }
0xbe: {  	s31 =	sshll.u32 s1, $0xD;
	s1 =	sshrl.u32 s1, $0x2  }
0xbf: {  	s3 =	sand.u32 $0x4000, s31;
	s1 =	sadd.s32 s1, s30  }
0xc0: {  	s0 =	sor.u32 s3, s0;
	s1 =	sshll.u32 s1, $0x11  }
0xc1: {  	s0 =	sor.u32 s1, s0  }
0xc2: {  	s0 =	sadd.s32 $0x8F2B, s0  }
0xc3: {  	[sflag:s0] =	ssyncadd.remote.s32 $0x1  }
0xc4: {  	_ =	sfence.sel $0xFFFF  }
0xc5: {  	[dreg:$0x0] =	wrdreg $0xFFFFFFFF;
	(pc) =	sbr.abs _section_cstart, $3  }
0xc6: {  	[dreg:$0x1] =	wrdreg $0xFFFFFFFF  }
0xc7: {  	_ =	task.clear_ibuf [dreg:s10], $0x2FFFF;
	_ =	strace $0x9FFFFFFF  }
0xc8: {  	(tm) =	ssettm $0x7FFFFFFF  }
0xc9: {  	_ =	shalt  }
tec
execute0_lowered:
.L_overlay_start_1:
0x0: {  	(tag) =	ssettag $0x1  }
0x1: {  	s0 =	srdreg.scid;
	s6 =	rddreg [dreg:$0x2]  }
0x2: {  	s1 =	stileid.u32;
	s7 =	rddreg [dreg:$0x3]  }
0x3: {  	s3 =	simm.s32 $0xF5;
	v2 =	vimm.s32 $0xFFFFFFFF;
	v3 =	vimm.s32 $0x1380;
	vm0 =	vcmask $0x300;
	s5 =	rddreg [dreg:$0x4];
	s8 =	simm.s32 $0x0  }
0x4: {  	v4 =	vimm.s32 $0x3380;
	vm1 =	vcmask $0x704;
	vm15 =	vcmask $0xB08;
	s19 =	simm.s32 $0x3;
	s20 =	simm.s32 $0x1000;
	s21 =	simm.s32 $0x1  }
0x5: {  	vm4 =	vcmask $0xF0C;
	s28 =	simm.s32 $0x13600;
	s0 =	sand.u32 $0x1, s0;
	s1 =	sshll.u32 s1, $0x1;
	v3 =	vsel vm0, $0x0, v3;
	v4 =	vsel vm0, $0x2000, v4  }
0x6: {  	vm5 =	vcmask $0x1310;
	s29 =	simm.s32 $0xCE00;
	[smem:$0x7FF] =	sst s8;
	s1 =	sor.u32 s0, s1;
	v3 =	vsel vm1, $0x80, v3;
	v4 =	vsel vm1, $0x2080, v4  }
0x7: {  	vm6 =	vcmask $0x1714;
	s22 =	sadd.s32 $0xC00, s5;
	s5 =	sadd.s32 $0x10C00, s5;
	s2 =	smul.u32 $0xF4, s1;
	v3 =	vsel vm15, $0x100, v3;
	v4 =	vsel vm15, $0x2100, v4  }
0x8: {  	vm7 =	vcmask $0x1B18;
	_ =	strace $0x80000047;
	p0 =	slt.u32 s1, $0x5;
	s1 =	smin.u32 s1, $0x5;
	v3 =	vsel vm4, $0x180, v3;
	v4 =	vsel vm4, $0x2180, v4  }
0x9: {  	vm8 =	vcmask $0x1F1C;
	[dreg:$0x6] =	wrdreg s22;
	s3 =	simm.s32 @!p0 $0xF4;
	s1 =	sadd.s32 s1, s2;
	v3 =	vsel vm5, $0x200, v3;
	v4 =	vsel vm5, $0x2200, v4  }
0xa: {  	vm9 =	vcmask $0x2320;
	s30 =	simm.s32 $0x0;
	[dreg:$0x7] =	wrdreg s5;
	s2 =	sadd.s32 s3, s1;
	v3 =	vsel vm6, $0x280, v3;
	v4 =	vsel vm6, $0x2280, v4  }
0xb: {  	vm10 =	vcmask $0x2724;
	s0 =	ssub.s32 $0x2, s0;
	s22 =	simm.s32 $0x7A1400;
	s11 =	sadd.s32 $0xFFFFFFFC, s2;
	v3 =	vsel vm7, $0x300, v3;
	v4 =	vsel vm7, $0x2300, v4  }
0xc: {  	vm11 =	vcmask $0x2B28;
	s25 =	sshrl.u32 s0, $0x1;
	s23 =	sadd.s32 $0x4, s1;
	s24 =	smin.u32 s1, s11;
	v3 =	vsel vm8, $0x380, v3;
	v4 =	vsel vm8, $0x2380, v4  }
0xd: {  	vm12 =	vcmask $0x2F2C;
	s4 =	sshll.u32 s2, $0x7;
	s2 =	smin.u32 s23, s11;
	s5 =	sshll.u32 s24, $0x7;
	v3 =	vsel vm9, $0x1000, v3;
	v4 =	vsel vm9, $0x3000, v4  }
0xe: {  	vm13 =	vcmask $0x3330;
	s0 =	ssub.s32 s0, s25;
	s2 =	sshll.u32 s2, $0x7;
	s5 =	sand.u32 $0x1FFFFF80, s5;
	v3 =	vsel vm10, $0x1080, v3;
	v4 =	vsel vm10, $0x3080, v4  }
.Ltmp0:
0xf: {  	vm14 =	vcmask $0x3734;
	s2 =	sand.u32 $0x1FFFFF80, s2;
	s26 =	sadd.s32 s6, s5;
	v3 =	vsel vm11, $0x1100, v3;
	v4 =	vsel vm11, $0x3100, v4;
	(pc) =	sbr.rel .LBB2_1-.Ltmp0, $4  }
0x10: {  	vm15 =	vcmask $0x3B38;
	s3 =	sshll.u32 s1, $0x7;
	s31 =	sadd.s32 s6, s2;
	[dreg:$0x8] =	wrdreg s26;
	v3 =	vsel vm12, $0x1180, v3;
	v4 =	vsel vm12, $0x3180, v4  }
0x11: {  	s25 =	simm.s32 $0x2;
	v0 =	vmov s3;
	s5 =	sadd.s32 s7, s5;
	[dreg:$0x9] =	wrdreg s31;
	v3 =	vsel vm13, $0x1200, v3;
	v4 =	vsel vm13, $0x3200, v4  }
0x12: {  	s18 =	smax.u32 s0, $0x1;
	v1 =	vmov s4;
	s2 =	sadd.s32 s7, s2;
	[dreg:$0xa] =	wrdreg s5;
	v5 =	vsel vm14, $0x1280, v3;
	v6 =	vsel vm14, $0x3280, v4  }
0x13: {  	s15 =	sadd.s32 $0x8, s1;
	[dreg:$0xb] =	wrdreg s2;
	s26 =	simm.s32 $0x6800;
	v3 =	vlaneseq.u32;
	v4 =	vsel vm15, $0x1300, v5;
	v5 =	vsel vm15, $0x3300, v6  }
.LBB2_31:
0x14: {  	(ifvalue) =	ssetifvalue $0xFFFFFFFF;
	s30 =	sadd.s32 $0x1, s30  }
0x15: {  	(ifvalue) =	ssetifvalue $0xFFFFFFFF;
	p0 =	sne.s32 s30, s18  }
.Ltmp1:
0x16: {  	s0 =	rddreg [dreg:$0x7];
	(pc) =	sbr.rel @!p0 .LBB2_32-.Ltmp1, $4  }
0x17: {  	[hbm4b:s0+s26] =	stream.indirect.scatter [tilespmem:s29], [sflag:$0x1], $0x1, s28, s26, $0x40b8;
	[tilespmem:$0x19E00] =	vst v63  }
0x18: {  	_ =	swait.ge [sflag:s21], $0x6800  }
0x19: {  	[sflag:s21] =	ssyncset.done $0x0  }
0x1a: {  	[sflag:s21] =	ssyncadd.s32 $0xFFFF9800  }
.LBB2_1:
0x1b: {  	s0 =	rddreg [dreg:$0x0];
	s2 =	simm.s32 $0x0  }
0x1c: {  	[tilespmem:s2], [sflag:$0x3] =	stream.linear.gather [hbm4b:s0+s2], $0x4000, $0x38;
	[tilespmem:$0x19E00] =	vst v63  }
0x1d: {  	_ =	swait.ge [sflag:s19], $0x4000  }
0x1e: {  	[sflag:s19] =	ssyncset.done $0x0  }
0x1f: {  	s0 =	simm.s32 $0x0;
	[sflag:s19] =	ssyncadd.s32 $0xFFFFC000  }
.LBB2_2:
0x20: {  	p0 =	sne.s32 s0, $0x19FC0  }
.Ltmp2:
0x21: {  	_ = 	snop;
	(pc) =	sbr.rel @p0 .LBB2_2-.Ltmp2, $3  }
0x22: {  	_ =	sdelay $0x1  }
0x23: {  	s2 =	sshra.s32 s0, $0x2  }
0x24: {  	s0 =	sadd.s32 $0x40, s0;
	[tilespmem:s2+$0x13600] =	vst v2  }
0x25: {  	s0 =	simm.s32 $0x0  }
0x26: {  	v6 =	vld [tilespmem:s0+$0x0];
	_ =	sdelay $0x4  }
0x27: {  	vm0 =	vge.s32 v6, v0;
	vm1 =	vlt.s32 v6, v1  }
0x28: {  	vm0 =	vmand vm0, vm1  }
0x29: {  	v7 =	vmpcnt.ones.xlane vm0;
	_ =	sdelay $0x1  }
0x2a: {  	(v2sf) =	vpush v7, $0x0;
	_ =	sdelay $0x4  }
0x2b: {  	[tilespmem:s0+$0x4000] =	vst.msk vm0, v6;
	v6 =	vor.u32 s0, v3  }
0x2c: {  	s2 =	simm.s32 $0x10;
	[tilespmem:s0+$0x4700] =	vst.msk vm0, v6  }
0x2d: {  	s5 =	simm.s32 $0x20;
	s8 =	simm.s32 $0x10;
	v6 =	vld [tilespmem:s2+$0x0]  }
.LBB2_4:
0x2e: {  	p0 =	sne.s32 s5, $0x3FF0;
	_ =	sdelay $0x3  }
0x2f: {  	vm0 =	vge.s32 v6, v0;
	vm1 =	vlt.s32 v6, v1  }
0x30: {  	vm0 =	vmand vm0, vm1  }
0x31: {  	v7 =	vmpcnt.ones.xlane vm0  }
0x32: {  	s9 =	spop (v2sf)  }
0x33: {  	(v2sf) =	vpush v7, $0x0;
	s0 =	sadd.s32 s0, s9  }
0x34: {  	[tilespmem:s0+$0x4000] =	vst.msk vm0, v6;
	v6 =	vor.u32 s2, v3;
	s2 =	smov.u32 s5  }
0x35: {  	[tilespmem:s0+$0x4700] =	vst.msk vm0, v6  }
.Ltmp3:
0x36: {  	(pc) =	sbr.rel @p0 .LBB2_4-.Ltmp3, $3  }
0x37: {  	_ =	sdelay $0x1  }
0x38: {  	s8 =	sadd.s32 $0x10, s8  }
0x39: {  	s5 =	sadd.s32 $0x10, s5;
	v6 =	vld [tilespmem:s8+$0x0]  }
0x3a: {  	_ =	sdelay $0x3  }
0x3b: {  	vm0 =	vge.s32 v6, v0;
	vm1 =	vlt.s32 v6, v1  }
0x3c: {  	vm0 =	vmand vm0, vm1  }
0x3d: {  	v7 =	vmpcnt.ones.xlane vm0;
	_ =	sdelay $0x1  }
0x3e: {  	(v2sf) =	vpush v7, $0x0;
	_ =	sdelay $0x7  }
0x3f: {  	s5 =	spop (v2sf)  }
0x40: {  	s0 =	sadd.s32 s0, s5  }
0x41: {  	v7 =	vor.u32 s2, v3;
	[tilespmem:s0+$0x4000] =	vst.msk vm0, v6  }
0x42: {  	s16 =	rddreg [dreg:$0x8];
	s17 =	simm.s32 $0x4E00;
	[tilespmem:s0+$0x4700] =	vst.msk vm0, v7  }
0x43: {  	[tilespmem:s17], [sflag:$0x2] =	stream.strided.gather [hbm4b:s16+s20], $0x4000, s22, s20, $0x38;
	[tilespmem:$0x19E00] =	vst v63  }
0x44: {  	s23 =	rddreg [dreg:$0x9];
	s24 =	simm.s32 $0x8E00  }
0x45: {  	[tilespmem:s24], [sflag:$0x2] =	stream.strided.gather [hbm4b:s23+s20], $0x4000, s22, s20, $0x38;
	[tilespmem:$0x19E00] =	vst v63  }
0x46: {  	s10 =	spop (v2sf)  }
0x47: {  	s5 =	sadd.s32 s0, s10  }
0x48: {  	s8 =	sadd.s32 $0xF, s5  }
0x49: {  	s9 =	sand.u32 $0xF, s8  }
0x4a: {  	s12 =	sshra.s32 s8, $0x1F;
	p1 =	slt.s32 s8, $0x1;
	p0 =	sne.s32 s9, $0x0  }
.Ltmp4:
0x4b: {  	s13 =	sshrl.u32 s12, $0x1C;
	p0 =	por !p1, !p0;
	(pc) =	sbr.rel .LBB2_6-.Ltmp4, $4  }
0x4c: {  	s2 =	simm.s32 $0x1;
	s14 =	sadd.s32 s13, s8;
	p0 =	por !p0, !p0  }
0x4d: {  	s0 =	sshra.s32 s14, $0x4;
	s2 =	simm.s32 @!p0 $0x0  }
0x4e: {  	s31 =	ssub.s32 s0, s2  }
0x4f: {  	v6 =	vmov s5;
	s8 =	simm.s32 $0x0;
	s0 =	simm.s32 $0x0;
	p0 =	slt.s32 s31, $0x1  }
.LBB2_12:
0x50: {  	[tilespmem:s12+$0xFFFFFFF0] =	vst v7;
	s8 =	sadd.s32 s14, s8  }
.LBB2_13:
0x51: {  	p1 =	sgt.u32 s0, $0x3B  }
0x52: {  	s5 =	sadd.s32 @!p1 s5, s15  }
0x53: {  	p2 =	slt.s32 @!p1 s5, s11  }
0x54: {  	p2 =	por !p2, p1  }
0x55: {  	s5 =	smov.u32 @p2 s11  }
0x56: {  	s5 =	sshll.u32 @!p1 s5, $0x7  }
0x57: {  	s0 =	sadd.s32 $0x1, s0;
	s5 =	sand.u32 @!p1 $0x1FFFFF80, s5  }
0x58: {  	s9 =	simm.s32 @!p1 $0x1000;
	s10 =	simm.s32 @!p1 $0x7A1400;
	s5 =	sadd.s32 @!p1 s6, s5  }
0x59: {  	[tilespmem:s2], [sflag:$0x2] =	stream.strided.gather @!p1 [hbm4b:s5+s9], $0x4000, s10, s9, $0x38;
	[tilespmem:$0x19E00] =	vst v63  }
0x5a: {  	p1 =	sne.s32 s0, $0x3E  }
.Ltmp5:
0x5b: {  	_ = 	snop;
	(pc) =	sbr.rel @!p1 .LBB2_14-.Ltmp5, $1  }
0x5c: {  	_ =	sdelay $0x3  }
.LBB2_6:
.Ltmp6:
0x5d: {  	(pc) =	sbr.rel @p0 .LBB2_13-.Ltmp6, $4  }
0x5e: {  	_ = 	snop  }
0x5f: {  	s2 =	sshll.u32 s0, $0xE;
	_ =	swait.ge [sflag:s25], $0x4000  }
0x60: {  	s2 =	sand.u32 $0x4000, s2;
	[sflag:s25] =	ssyncset.done $0x0  }
0x61: {  	s5 =	sshll.u32 s0, $0x2;
	s2 =	sadd.s32 $0x4E00, s2;
	[sflag:s25] =	ssyncadd.s32 $0xFFFFC000  }
0x62: {  	p2 =	seq.s32 s31, $0x1  }
.Ltmp7:
0x63: {  	s9 =	sadd.s32 s1, s5;
	s10 =	sshll.u32 s0, $0x9;
	(pc) =	sbr.rel @p2 .LBB2_8-.Ltmp7, $4  }
0x64: {  	s12 =	smov.u32 s11;
	p1 =	slt.s32 s9, s11;
	s10 =	sadd.s32 s3, s10  }
0x65: {  	s24 =	simm.s32 $0x4000;
	s12 =	smov.u32 @p1 s9;
	s13 =	sadd.s32 $0x200, s10  }
0x66: {  	v7 =	vmov s10;
	s10 =	simm.s32 $0x0;
	p1 =	por $0x0, $0x0;
	s23 =	smin.u32 s13, s4  }
0x67: {  	v9 =	vld [tilespmem:s24+$0x0];
	s9 =	sshll.u32 s12, $0x7;
	s12 =	simm.s32 $0x4700;
	s13 =	sadd.s32 $0xFFFFFFFF, s31;
	v8 =	vmov s23  }
0x68: {  	_ =	sdelay $0x2  }
0x69: {  	v10 =	vor.u32 s10, v3  }
0x6a: {  	vm1 =	vlt.s32 v10, v6;
	vm0 =	vlt.s32 v9, v8  }
0x6b: {  	vm15 =	vge.s32 v9, v7;
	vm0 =	vmand vm0, vm1  }
0x6c: {  	vm0 =	vmand vm0, vm15  }
0x6d: {  	v10 =	vmpcnt.ones.xlane vm0;
	_ =	sdelay $0x1  }
0x6e: {  	v11 =	vld [tilespmem:s12+$0x0];
	(v2sf) =	vpush v10, $0x0  }
0x6f: {  	p2 =	seq.s32 s13, $0x1  }
.Ltmp8:
0x70: {  	_ = 	snop;
	(pc) =	sbr.rel @p2 .LBB2_23-.Ltmp8, $4  }
0x71: {  	_ = 	snop  }
0x72: {  	[tilespmem:s10+$0x4340] =	vst.msk vm0, v9  }
0x73: {  	s23 =	simm.s32 $0x4010;
	s17 =	sadd.s32 $0xFFFFFFFF, s13;
	p1 =	por $0x1, $0x1;
	[tilespmem:s10+$0x4A40] =	vst.msk vm0, v11  }
0x74: {  	s16 =	simm.s32 $0x0;
	s13 =	simm.s32 $0x4700;
	s14 =	simm.s32 $0x0;
	v9 =	vld [tilespmem:s23+$0x0]  }
.LBB2_24:
0x75: {  	p2 =	seq.s32 s17, $0x1;
	_ =	sdelay $0x1  }
0x76: {  	s16 =	sadd.s32 $0x10, s16  }
0x77: {  	v10 =	vor.u32 s16, v3  }
0x78: {  	vm1 =	vlt.s32 v10, v6;
	vm0 =	vlt.s32 v9, v8  }
0x79: {  	s13 =	sadd.s32 $0x10, s13;
	vm2 =	vge.s32 v9, v7;
	vm0 =	vmand vm0, vm1  }
0x7a: {  	v10 =	vld [tilespmem:s13+$0x0];
	vm0 =	vmand vm0, vm2  }
0x7b: {  	v11 =	vmpcnt.ones.xlane vm0  }
0x7c: {  	s24 =	spop (v2sf)  }
0x7d: {  	(v2sf) =	vpush v11, $0x0;
	s14 =	sadd.s32 s14, s24  }
0x7e: {  	[tilespmem:s14+$0x4340] =	vst.msk vm0, v9  }
.Ltmp9:
0x7f: {  	[tilespmem:s14+$0x4A40] =	vst.msk vm0, v10;
	(pc) =	sbr.rel @!p2 .LBB2_24-.Ltmp9, $3  }
0x80: {  	_ =	sdelay $0x1  }
0x81: {  	s23 =	sadd.s32 $0x10, s23  }
0x82: {  	s17 =	sadd.s32 $0xFFFFFFFF, s17;
	v9 =	vld [tilespmem:s23+$0x0]  }
.LBB2_25:
0x83: {  	_ = 	snop  }
0x84: {  	s16 =	sadd.s32 @p1 $0x10, s16;
	s17 =	simm.s32 $0x0  }
0x85: {  	s17 =	smov.u32 @p1 s16  }
0x86: {  	v10 =	vor.u32 s17, v3  }
0x87: {  	vm1 =	vlt.s32 v10, v6;
	vm0 =	vlt.s32 v9, v8  }
0x88: {  	vm2 =	vge.s32 v9, v7;
	vm0 =	vmand vm0, vm1  }
0x89: {  	vm0 =	vmand vm0, vm2  }
0x8a: {  	v7 =	vmpcnt.ones.xlane vm0;
	_ =	sdelay $0x1  }
0x8b: {  	(v2sf) =	vpush v7, $0x0;
	_ =	sdelay $0x8  }
0x8c: {  	s13 =	sadd.s32 @p1 $0x10, s13  }
0x8d: {  	s12 =	smov.u32 @p1 s13  }
0x8e: {  	v7 =	vld [tilespmem:s12+$0x0]  }
0x8f: {  	s12 =	spop @p1 (v2sf)  }
0x90: {  	s12 =	sadd.s32 @p1 s14, s12  }
0x91: {  	s10 =	smov.u32 @p1 s12  }
0x92: {  	[tilespmem:s10+$0x4340] =	vst.msk vm0, v9;
	s24 =	spop (v2sf)  }
0x93: {  	[tilespmem:s10+$0x4A40] =	vst.msk vm0, v7;
	s10 =	sadd.s32 s10, s24  }
0x94: {  	p1 =	slt.s32 s10, $0x1  }
.Ltmp10:
0x95: {  	_ = 	snop;
	(pc) =	sbr.rel @p1 .LBB2_13-.Ltmp10, $1  }
0x96: {  	_ =	sdelay $0x3  }
0x97: {  	s14 =	simm.s32 $0x0  }
0x98: {  	s16 =	sand.u32 $0x7FFFFFF0, s14  }
0x99: {  	v7 =	vld [tilespmem:s16+$0x4340];
	_ =	sdelay $0x1  }
0x9a: {  	s14 =	sand.u32 $0xF, s14  }
0x9b: {  	v8 =	vmov s14  }
0x9c: {  	vm0 =	veq.s32 v8, v3  }
0x9d: {  	v7 =	vnsel vm0, $0x0, v7  }
0x9e: {  	(xrf0) =	vadd.scan.msk.s32 $0xffff, v7;
	_ =	sdelay $0x5  }
0x9f: {  	v7, _, _ =	vpop (xrf0)  }
0xa0: {  	(v2sf) =	vpush v7, $0xF  }
0xa1: {  	v7 =	vld [tilespmem:s16+$0x4A40];
	_ =	sdelay $0x4  }
0xa2: {  	v7 =	vnsel vm0, $0x0, v7  }
0xa3: {  	(xrf0) =	vadd.scan.msk.s32 $0xffff, v7;
	_ =	sdelay $0x5  }
0xa4: {  	v7, _, _ =	vpop (xrf0)  }
0xa5: {  	(v2sf) =	vpush v7, $0xF  }
0xa6: {  	s17 =	spop (v2sf)  }
0xa7: {  	s14 =	ssub.s32 s17, s9  }
0xa8: {  	v7 =	vmov s14  }
0xa9: {  	v8 =	vshll.u32 v7, $0x3  }
0xaa: {  	v7 =	vand.u32 $0x7F, v7;
	v8 =	vand.u32 $0xFFFFFC00, v8  }
0xab: {  	v7 =	vor.u32 v7, v8  }
0xac: {  	v8 =	vadd.s32 v4, v7  }
0xad: {  	v7 =	vadd.s32 v5, v7;
	_ =	sdelay $0x3  }
0xae: {  	v8 =	vld.idx.msk [tilespmem:v8+s2+$0x0], $0xffff  }
0xaf: {  	v7 =	vld.idx.msk [tilespmem:v7+s2+$0x0], $0xffff  }
0xb0: {  	s12 =	sshll.u32 s8, $0x7;
	p1 =	sne.s32 s10, $0x1  }
.Ltmp11:
0xb1: {  	s12 =	sshra.s32 s12, $0x2;
	s23 =	spop (v2sf);
	(pc) =	sbr.rel @!p1 .LBB2_12-.Ltmp11, $4  }
0xb2: {  	s13 =	sadd.s32 $0xCE10, s12;
	s24 =	sshll.u32 s23, $0x5  }
0xb3: {  	s14 =	sor.u32 $0x10, s24;
	[tilespmem:s13+$0xFFFFFFF0] =	vst v8  }
0xb4: {  	s12 =	sadd.s32 $0x13610, s12;
	[tilespmem:s13+$0x0] =	vst v7;
	v8 =	vor.u32 s14, v3  }
0xb5: {  	s14 =	simm.s32 $0x1;
	v7 =	vor.u32 s24, v3;
	[tilespmem:s12+$0x0] =	vst v8  }
.LBB2_11:
0xb6: {  	s16 =	sand.u32 $0x7FFFFFF0, s14;
	[tilespmem:s12+$0xFFFFFFF0] =	vst v7;
	s17 =	smov.u32 s14  }
0xb7: {  	v7 =	vld [tilespmem:s16+$0x4340]  }
0xb8: {  	s14 =	sadd.s32 $0x1, s14  }
0xb9: {  	s17 =	sand.u32 $0xF, s17;
	p1 =	sne.s32 s10, s14  }
0xba: {  	v8 =	vmov s17  }
0xbb: {  	vm0 =	veq.s32 v8, v3  }
0xbc: {  	v7 =	vnsel vm0, $0x0, v7  }
0xbd: {  	(xrf0) =	vadd.scan.msk.s32 $0xffff, v7;
	_ =	sdelay $0x5  }
0xbe: {  	v7, _, _ =	vpop (xrf0)  }
0xbf: {  	(v2sf) =	vpush v7, $0xF;
	_ =	sdelay $0x1  }
0xc0: {  	v7 =	vld [tilespmem:s16+$0x4A40];
	_ =	sdelay $0x4  }
0xc1: {  	v7 =	vnsel vm0, $0x0, v7  }
0xc2: {  	(xrf0) =	vadd.scan.msk.s32 $0xffff, v7;
	_ =	sdelay $0x5  }
0xc3: {  	v7, _, _ =	vpop (xrf0)  }
0xc4: {  	s16 =	spop (v2sf);
	(v2sf) =	vpush v7, $0xF  }
0xc5: {  	s16 =	ssub.s32 s16, s9  }
0xc6: {  	v7 =	vmov s16  }
0xc7: {  	v8 =	vshll.u32 v7, $0x3  }
0xc8: {  	v7 =	vand.u32 $0x7F, v7;
	v8 =	vand.u32 $0xFFFFFC00, v8  }
0xc9: {  	v7 =	vor.u32 v7, v8  }
0xca: {  	v8 =	vadd.s32 v4, v7  }
0xcb: {  	v7 =	vadd.s32 v5, v7;
	_ =	sdelay $0x3  }
0xcc: {  	v8 =	vld.idx.msk [tilespmem:v8+s2+$0x0], $0xffff  }
0xcd: {  	v9 =	vld.idx.msk [tilespmem:v7+s2+$0x0], $0xffff;
	_ =	sdelay $0x2  }
.Ltmp12:
0xce: {  	s16 =	spop (v2sf);
	(pc) =	sbr.rel @p1 .LBB2_11-.Ltmp12, $4  }
0xcf: {  	s13 =	sadd.s32 $0x20, s13;
	s16 =	sshll.u32 s16, $0x5  }
0xd0: {  	[tilespmem:s13+$0xFFFFFFF0] =	vst v8;
	v7 =	vor.u32 s16, v3;
	s16 =	sor.u32 $0x10, s16  }
0xd1: {  	s12 =	sadd.s32 $0x20, s12;
	[tilespmem:s13+$0x0] =	vst v9;
	v8 =	vor.u32 s16, v3  }
0xd2: {  	[tilespmem:s12+$0x0] =	vst v8  }
.Ltmp13:
0xd3: {  	_ = 	snop;
	(pc) =	sbr.rel .LBB2_12-.Ltmp13, $1  }
0xd4: {  	_ =	sdelay $0x3  }
.LBB2_8:
.Ltmp14:
0xd5: {  	(pc) =	sbr.rel .LBB2_25-.Ltmp14, $2  }
0xd6: {  	_ =	sdelay $0x2  }
0xd7: {  	s16 =	simm.s32 $0x0;
	s13 =	simm.s32 $0x4700;
	s14 =	simm.s32 $0x0  }
.LBB2_23:
.Ltmp15:
0xd8: {  	(pc) =	sbr.rel .LBB2_25-.Ltmp15, $2  }
0xd9: {  	_ =	sdelay $0x2  }
0xda: {  	s16 =	simm.s32 $0x0;
	s13 =	simm.s32 $0x4700;
	s14 =	simm.s32 $0x0  }
.LBB2_14:
0xdb: {  	(ifvalue) =	ssetifvalue $0xFFFFFFFF  }
0xdc: {  	(ifvalue) =	ssetifvalue $0xFFFFFFFF;
	s0 =	rddreg [dreg:$0x6]  }
0xdd: {  	[hbm4b:s0+s26] =	stream.indirect.scatter [tilespmem:s29], [sflag:$0x1], $0x1, s28, s26, $0x40b8;
	[tilespmem:$0x19E00] =	vst v63  }
0xde: {  	_ =	swait.ge [sflag:s21], $0x6800  }
0xdf: {  	[sflag:s21] =	ssyncset.done $0x0  }
0xe0: {  	[sflag:s21] =	ssyncadd.s32 $0xFFFF9800  }
0xe1: {  	s0 =	simm.s32 $0x0;
	s2 =	rddreg [dreg:$0x1]  }
0xe2: {  	[tilespmem:s0], [sflag:$0x3] =	stream.linear.gather [hbm4b:s2+s0], $0x4000, $0x38;
	[tilespmem:$0x19E00] =	vst v63  }
0xe3: {  	_ =	swait.ge [sflag:s19], $0x4000  }
0xe4: {  	[sflag:s19] =	ssyncset.done $0x0  }
0xe5: {  	s5 =	simm.s32 $0x0;
	s2 =	simm.s32 $0x40;
	[sflag:s19] =	ssyncadd.s32 $0xFFFFC000  }
.LBB2_15:
0xe6: {  	p0 =	sne.s32 s2, $0x19FC0;
	[tilespmem:s5+$0x13600] =	vst v2;
	s5 =	smov.u32 s2;
	s2 =	sadd.s32 $0x40, s2  }
.Ltmp16:
0xe7: {  	(pc) =	sbr.rel @p0 .LBB2_15-.Ltmp16, $2  }
0xe8: {  	_ =	sdelay $0x2  }
0xe9: {  	s5 =	sshra.s32 s5, $0x2  }
0xea: {  	[tilespmem:s5+$0x13600] =	vst v2  }
0xeb: {  	v6 =	vld [tilespmem:s0+$0x0];
	_ =	sdelay $0x4  }
0xec: {  	vm0 =	vge.s32 v6, v0;
	vm1 =	vlt.s32 v6, v1  }
0xed: {  	vm0 =	vmand vm0, vm1  }
0xee: {  	v7 =	vmpcnt.ones.xlane vm0;
	_ =	sdelay $0x1  }
0xef: {  	(v2sf) =	vpush v7, $0x0;
	_ =	sdelay $0x4  }
0xf0: {  	[tilespmem:s0+$0x4000] =	vst.msk vm0, v6;
	v6 =	vor.u32 s0, v3  }
0xf1: {  	s2 =	simm.s32 $0x10;
	[tilespmem:s0+$0x4700] =	vst.msk vm0, v6  }
0xf2: {  	s5 =	simm.s32 $0x20;
	s8 =	simm.s32 $0x10;
	v6 =	vld [tilespmem:s2+$0x0]  }
.LBB2_17:
0xf3: {  	p0 =	sne.s32 s5, $0x3FF0;
	_ =	sdelay $0x3  }
0xf4: {  	vm0 =	vge.s32 v6, v0;
	vm1 =	vlt.s32 v6, v1  }
0xf5: {  	vm0 =	vmand vm0, vm1  }
0xf6: {  	v7 =	vmpcnt.ones.xlane vm0  }
0xf7: {  	s9 =	spop (v2sf)  }
0xf8: {  	(v2sf) =	vpush v7, $0x0;
	s0 =	sadd.s32 s0, s9  }
0xf9: {  	[tilespmem:s0+$0x4000] =	vst.msk vm0, v6;
	v6 =	vor.u32 s2, v3;
	s2 =	smov.u32 s5  }
0xfa: {  	[tilespmem:s0+$0x4700] =	vst.msk vm0, v6  }
.Ltmp17:
0xfb: {  	(pc) =	sbr.rel @p0 .LBB2_17-.Ltmp17, $3  }
0xfc: {  	_ =	sdelay $0x1  }
0xfd: {  	s8 =	sadd.s32 $0x10, s8  }
0xfe: {  	s5 =	sadd.s32 $0x10, s5;
	v6 =	vld [tilespmem:s8+$0x0]  }
0xff: {  	_ =	sdelay $0x3  }
0x100: {  	vm0 =	vge.s32 v6, v0;
	vm1 =	vlt.s32 v6, v1  }
0x101: {  	vm0 =	vmand vm0, vm1  }
0x102: {  	v7 =	vmpcnt.ones.xlane vm0;
	_ =	sdelay $0x1  }
0x103: {  	(v2sf) =	vpush v7, $0x0;
	_ =	sdelay $0x7  }
0x104: {  	s5 =	spop (v2sf)  }
0x105: {  	s0 =	sadd.s32 s0, s5  }
0x106: {  	v7 =	vor.u32 s2, v3;
	[tilespmem:s0+$0x4000] =	vst.msk vm0, v6  }
0x107: {  	s16 =	rddreg [dreg:$0xa];
	s17 =	simm.s32 $0x4E00;
	[tilespmem:s0+$0x4700] =	vst.msk vm0, v7  }
0x108: {  	[tilespmem:s17], [sflag:$0x2] =	stream.strided.gather [hbm4b:s16+s20], $0x4000, s22, s20, $0x38;
	[tilespmem:$0x19E00] =	vst v63  }
0x109: {  	s23 =	rddreg [dreg:$0xb];
	s24 =	simm.s32 $0x8E00  }
0x10a: {  	[tilespmem:s24], [sflag:$0x2] =	stream.strided.gather [hbm4b:s23+s20], $0x4000, s22, s20, $0x38;
	[tilespmem:$0x19E00] =	vst v63  }
0x10b: {  	s10 =	spop (v2sf)  }
0x10c: {  	s5 =	sadd.s32 s0, s10  }
0x10d: {  	s8 =	sadd.s32 $0xF, s5  }
0x10e: {  	s9 =	sand.u32 $0xF, s8  }
0x10f: {  	s12 =	sshra.s32 s8, $0x1F;
	p1 =	slt.s32 s8, $0x1;
	p0 =	sne.s32 s9, $0x0  }
.Ltmp18:
0x110: {  	s13 =	sshrl.u32 s12, $0x1C;
	p0 =	por !p1, !p0;
	(pc) =	sbr.rel .LBB2_19-.Ltmp18, $4  }
0x111: {  	s2 =	simm.s32 $0x1;
	s14 =	sadd.s32 s13, s8;
	p0 =	por !p0, !p0  }
0x112: {  	s0 =	sshra.s32 s14, $0x4;
	s2 =	simm.s32 @!p0 $0x0  }
0x113: {  	s31 =	ssub.s32 s0, s2  }
0x114: {  	v6 =	vmov s5;
	s8 =	simm.s32 $0x0;
	s0 =	simm.s32 $0x0;
	p0 =	slt.s32 s31, $0x1  }
.LBB2_29:
0x115: {  	[tilespmem:s12+$0xFFFFFFF0] =	vst v7;
	s8 =	sadd.s32 s14, s8  }
.LBB2_30:
0x116: {  	p1 =	sgt.u32 s0, $0x3B  }
0x117: {  	s5 =	sadd.s32 @!p1 s5, s15  }
0x118: {  	p2 =	slt.s32 @!p1 s5, s11  }
0x119: {  	p2 =	por !p2, p1  }
0x11a: {  	s5 =	smov.u32 @p2 s11  }
0x11b: {  	s5 =	sshll.u32 @!p1 s5, $0x7  }
0x11c: {  	s0 =	sadd.s32 $0x1, s0;
	s5 =	sand.u32 @!p1 $0x1FFFFF80, s5  }
0x11d: {  	s9 =	simm.s32 @!p1 $0x1000;
	s10 =	simm.s32 @!p1 $0x7A1400;
	s5 =	sadd.s32 @!p1 s7, s5  }
0x11e: {  	[tilespmem:s2], [sflag:$0x2] =	stream.strided.gather @!p1 [hbm4b:s5+s9], $0x4000, s10, s9, $0x38;
	[tilespmem:$0x19E00] =	vst v63  }
0x11f: {  	p1 =	sne.s32 s0, $0x3E  }
.Ltmp19:
0x120: {  	_ = 	snop;
	(pc) =	sbr.rel @!p1 .LBB2_31-.Ltmp19, $1  }
0x121: {  	_ =	sdelay $0x3  }
.LBB2_19:
.Ltmp20:
0x122: {  	(pc) =	sbr.rel @p0 .LBB2_30-.Ltmp20, $4  }
0x123: {  	_ = 	snop  }
0x124: {  	s2 =	sshll.u32 s0, $0xE;
	_ =	swait.ge [sflag:s25], $0x4000  }
0x125: {  	s2 =	sand.u32 $0x4000, s2;
	[sflag:s25] =	ssyncset.done $0x0  }
0x126: {  	s5 =	sshll.u32 s0, $0x2;
	s2 =	sadd.s32 $0x4E00, s2;
	[sflag:s25] =	ssyncadd.s32 $0xFFFFC000  }
0x127: {  	p2 =	seq.s32 s31, $0x1  }
.Ltmp21:
0x128: {  	s9 =	sadd.s32 s1, s5;
	s10 =	sshll.u32 s0, $0x9;
	(pc) =	sbr.rel @p2 .LBB2_21-.Ltmp21, $4  }
0x129: {  	s12 =	smov.u32 s11;
	p1 =	slt.s32 s9, s11;
	s10 =	sadd.s32 s3, s10  }
0x12a: {  	s24 =	simm.s32 $0x4000;
	s12 =	smov.u32 @p1 s9;
	s13 =	sadd.s32 $0x200, s10  }
0x12b: {  	v7 =	vmov s10;
	s10 =	simm.s32 $0x0;
	p1 =	por $0x0, $0x0;
	s23 =	smin.u32 s13, s4  }
0x12c: {  	v9 =	vld [tilespmem:s24+$0x0];
	s9 =	sshll.u32 s12, $0x7;
	s12 =	simm.s32 $0x4700;
	s13 =	sadd.s32 $0xFFFFFFFF, s31;
	v8 =	vmov s23  }
0x12d: {  	_ =	sdelay $0x2  }
0x12e: {  	v10 =	vor.u32 s10, v3  }
0x12f: {  	vm1 =	vlt.s32 v10, v6;
	vm0 =	vlt.s32 v9, v8  }
0x130: {  	vm15 =	vge.s32 v9, v7;
	vm0 =	vmand vm0, vm1  }
0x131: {  	vm0 =	vmand vm0, vm15  }
0x132: {  	v10 =	vmpcnt.ones.xlane vm0;
	_ =	sdelay $0x1  }
0x133: {  	v11 =	vld [tilespmem:s12+$0x0];
	(v2sf) =	vpush v10, $0x0  }
0x134: {  	p2 =	seq.s32 s13, $0x1  }
.Ltmp22:
0x135: {  	_ = 	snop;
	(pc) =	sbr.rel @p2 .LBB2_34-.Ltmp22, $4  }
0x136: {  	_ = 	snop  }
0x137: {  	[tilespmem:s10+$0x4340] =	vst.msk vm0, v9  }
0x138: {  	s23 =	simm.s32 $0x4010;
	s17 =	sadd.s32 $0xFFFFFFFF, s13;
	p1 =	por $0x1, $0x1;
	[tilespmem:s10+$0x4A40] =	vst.msk vm0, v11  }
0x139: {  	s16 =	simm.s32 $0x0;
	s13 =	simm.s32 $0x4700;
	s14 =	simm.s32 $0x0;
	v9 =	vld [tilespmem:s23+$0x0]  }
.LBB2_35:
0x13a: {  	p2 =	seq.s32 s17, $0x1;
	_ =	sdelay $0x1  }
0x13b: {  	s16 =	sadd.s32 $0x10, s16  }
0x13c: {  	v10 =	vor.u32 s16, v3  }
0x13d: {  	vm1 =	vlt.s32 v10, v6;
	vm0 =	vlt.s32 v9, v8  }
0x13e: {  	s13 =	sadd.s32 $0x10, s13;
	vm2 =	vge.s32 v9, v7;
	vm0 =	vmand vm0, vm1  }
0x13f: {  	v10 =	vld [tilespmem:s13+$0x0];
	vm0 =	vmand vm0, vm2  }
0x140: {  	v11 =	vmpcnt.ones.xlane vm0  }
0x141: {  	s24 =	spop (v2sf)  }
0x142: {  	(v2sf) =	vpush v11, $0x0;
	s14 =	sadd.s32 s14, s24  }
0x143: {  	[tilespmem:s14+$0x4340] =	vst.msk vm0, v9  }
.Ltmp23:
0x144: {  	[tilespmem:s14+$0x4A40] =	vst.msk vm0, v10;
	(pc) =	sbr.rel @!p2 .LBB2_35-.Ltmp23, $3  }
0x145: {  	_ =	sdelay $0x1  }
0x146: {  	s23 =	sadd.s32 $0x10, s23  }
0x147: {  	s17 =	sadd.s32 $0xFFFFFFFF, s17;
	v9 =	vld [tilespmem:s23+$0x0]  }
.LBB2_36:
0x148: {  	_ = 	snop  }
0x149: {  	s16 =	sadd.s32 @p1 $0x10, s16;
	s17 =	simm.s32 $0x0  }
0x14a: {  	s17 =	smov.u32 @p1 s16  }
0x14b: {  	v10 =	vor.u32 s17, v3  }
0x14c: {  	vm1 =	vlt.s32 v10, v6;
	vm0 =	vlt.s32 v9, v8  }
0x14d: {  	vm2 =	vge.s32 v9, v7;
	vm0 =	vmand vm0, vm1  }
0x14e: {  	vm0 =	vmand vm0, vm2  }
0x14f: {  	v7 =	vmpcnt.ones.xlane vm0;
	_ =	sdelay $0x1  }
0x150: {  	(v2sf) =	vpush v7, $0x0;
	_ =	sdelay $0x8  }
0x151: {  	s13 =	sadd.s32 @p1 $0x10, s13  }
0x152: {  	s12 =	smov.u32 @p1 s13  }
0x153: {  	v7 =	vld [tilespmem:s12+$0x0]  }
0x154: {  	s12 =	spop @p1 (v2sf)  }
0x155: {  	s12 =	sadd.s32 @p1 s14, s12  }
0x156: {  	s10 =	smov.u32 @p1 s12  }
0x157: {  	[tilespmem:s10+$0x4340] =	vst.msk vm0, v9;
	s24 =	spop (v2sf)  }
0x158: {  	[tilespmem:s10+$0x4A40] =	vst.msk vm0, v7;
	s10 =	sadd.s32 s10, s24  }
0x159: {  	p1 =	slt.s32 s10, $0x1  }
.Ltmp24:
0x15a: {  	_ = 	snop;
	(pc) =	sbr.rel @p1 .LBB2_30-.Ltmp24, $1  }
0x15b: {  	_ =	sdelay $0x3  }
0x15c: {  	s14 =	simm.s32 $0x0  }
0x15d: {  	s16 =	sand.u32 $0x7FFFFFF0, s14  }
0x15e: {  	v7 =	vld [tilespmem:s16+$0x4340];
	_ =	sdelay $0x1  }
0x15f: {  	s14 =	sand.u32 $0xF, s14  }
0x160: {  	v8 =	vmov s14  }
0x161: {  	vm0 =	veq.s32 v8, v3  }
0x162: {  	v7 =	vnsel vm0, $0x0, v7  }
0x163: {  	(xrf0) =	vadd.scan.msk.s32 $0xffff, v7;
	_ =	sdelay $0x5  }
0x164: {  	v7, _, _ =	vpop (xrf0)  }
0x165: {  	(v2sf) =	vpush v7, $0xF  }
0x166: {  	v7 =	vld [tilespmem:s16+$0x4A40];
	_ =	sdelay $0x4  }
0x167: {  	v7 =	vnsel vm0, $0x0, v7  }
0x168: {  	(xrf0) =	vadd.scan.msk.s32 $0xffff, v7;
	_ =	sdelay $0x5  }
0x169: {  	v7, _, _ =	vpop (xrf0)  }
0x16a: {  	(v2sf) =	vpush v7, $0xF  }
0x16b: {  	s17 =	spop (v2sf)  }
0x16c: {  	s14 =	ssub.s32 s17, s9  }
0x16d: {  	v7 =	vmov s14  }
0x16e: {  	v8 =	vshll.u32 v7, $0x3  }
0x16f: {  	v7 =	vand.u32 $0x7F, v7;
	v8 =	vand.u32 $0xFFFFFC00, v8  }
0x170: {  	v7 =	vor.u32 v7, v8  }
0x171: {  	v8 =	vadd.s32 v4, v7  }
0x172: {  	v7 =	vadd.s32 v5, v7;
	_ =	sdelay $0x3  }
0x173: {  	v8 =	vld.idx.msk [tilespmem:v8+s2+$0x0], $0xffff  }
0x174: {  	v7 =	vld.idx.msk [tilespmem:v7+s2+$0x0], $0xffff  }
0x175: {  	s12 =	sshll.u32 s8, $0x7;
	p1 =	sne.s32 s10, $0x1  }
.Ltmp25:
0x176: {  	s12 =	sshra.s32 s12, $0x2;
	s23 =	spop (v2sf);
	(pc) =	sbr.rel @!p1 .LBB2_29-.Ltmp25, $4  }
0x177: {  	s13 =	sadd.s32 $0xCE10, s12;
	s24 =	sshll.u32 s23, $0x5  }
0x178: {  	s14 =	sor.u32 $0x10, s24;
	[tilespmem:s13+$0xFFFFFFF0] =	vst v8  }
0x179: {  	s12 =	sadd.s32 $0x13610, s12;
	[tilespmem:s13+$0x0] =	vst v7;
	v8 =	vor.u32 s14, v3  }
0x17a: {  	s14 =	simm.s32 $0x1;
	v7 =	vor.u32 s24, v3;
	[tilespmem:s12+$0x0] =	vst v8  }
.LBB2_28:
0x17b: {  	s16 =	sand.u32 $0x7FFFFFF0, s14;
	[tilespmem:s12+$0xFFFFFFF0] =	vst v7;
	s17 =	smov.u32 s14  }
0x17c: {  	v7 =	vld [tilespmem:s16+$0x4340]  }
0x17d: {  	s14 =	sadd.s32 $0x1, s14  }
0x17e: {  	s17 =	sand.u32 $0xF, s17;
	p1 =	sne.s32 s10, s14  }
0x17f: {  	v8 =	vmov s17  }
0x180: {  	vm0 =	veq.s32 v8, v3  }
0x181: {  	v7 =	vnsel vm0, $0x0, v7  }
0x182: {  	(xrf0) =	vadd.scan.msk.s32 $0xffff, v7;
	_ =	sdelay $0x5  }
0x183: {  	v7, _, _ =	vpop (xrf0)  }
0x184: {  	(v2sf) =	vpush v7, $0xF;
	_ =	sdelay $0x1  }
0x185: {  	v7 =	vld [tilespmem:s16+$0x4A40];
	_ =	sdelay $0x4  }
0x186: {  	v7 =	vnsel vm0, $0x0, v7  }
0x187: {  	(xrf0) =	vadd.scan.msk.s32 $0xffff, v7;
	_ =	sdelay $0x5  }
0x188: {  	v7, _, _ =	vpop (xrf0)  }
0x189: {  	s16 =	spop (v2sf);
	(v2sf) =	vpush v7, $0xF  }
0x18a: {  	s16 =	ssub.s32 s16, s9  }
0x18b: {  	v7 =	vmov s16  }
0x18c: {  	v8 =	vshll.u32 v7, $0x3  }
0x18d: {  	v7 =	vand.u32 $0x7F, v7;
	v8 =	vand.u32 $0xFFFFFC00, v8  }
0x18e: {  	v7 =	vor.u32 v7, v8  }
0x18f: {  	v8 =	vadd.s32 v4, v7  }
0x190: {  	v7 =	vadd.s32 v5, v7;
	_ =	sdelay $0x3  }
0x191: {  	v8 =	vld.idx.msk [tilespmem:v8+s2+$0x0], $0xffff  }
0x192: {  	v9 =	vld.idx.msk [tilespmem:v7+s2+$0x0], $0xffff;
	_ =	sdelay $0x2  }
.Ltmp26:
0x193: {  	s16 =	spop (v2sf);
	(pc) =	sbr.rel @p1 .LBB2_28-.Ltmp26, $4  }
0x194: {  	s13 =	sadd.s32 $0x20, s13;
	s16 =	sshll.u32 s16, $0x5  }
0x195: {  	[tilespmem:s13+$0xFFFFFFF0] =	vst v8;
	v7 =	vor.u32 s16, v3;
	s16 =	sor.u32 $0x10, s16  }
0x196: {  	s12 =	sadd.s32 $0x20, s12;
	[tilespmem:s13+$0x0] =	vst v9;
	v8 =	vor.u32 s16, v3  }
0x197: {  	[tilespmem:s12+$0x0] =	vst v8  }
.Ltmp27:
0x198: {  	_ = 	snop;
	(pc) =	sbr.rel .LBB2_29-.Ltmp27, $1  }
0x199: {  	_ =	sdelay $0x3  }
.LBB2_21:
.Ltmp28:
0x19a: {  	(pc) =	sbr.rel .LBB2_36-.Ltmp28, $2  }
0x19b: {  	_ =	sdelay $0x2  }
0x19c: {  	s16 =	simm.s32 $0x0;
	s13 =	simm.s32 $0x4700;
	s14 =	simm.s32 $0x0  }
.LBB2_34:
.Ltmp29:
0x19d: {  	(pc) =	sbr.rel .LBB2_36-.Ltmp29, $2  }
0x19e: {  	_ =	sdelay $0x2  }
0x19f: {  	s16 =	simm.s32 $0x0;
	s13 =	simm.s32 $0x4700;
	s14 =	simm.s32 $0x0  }
.LBB2_32:
0x1a0: {  	_ =	sfence.sel $0x180000  }
0x1a1: {  	[bflag:$0x0] =	sbarrier.arrive $0xFFFF  }
0x1a2: {  	_ =	strace $0x90000047  }
0x1a3: {  	s0 =	stileid.u32;
	[bflag:$0x2] =	sbarrier.arrive $0xFFFF  }
0x1a4: {  	p0 =	sne.s32 s0, $0x0;
	s0 =	rddreg [dreg:$0x5]  }
0x1a5: {  	s0 =	sadd.s32 @!p0 $0x100000, s0  }
0x1a6: {  	[sflag:s0] =	ssyncadd.tile.s32 @!p0 $0x1;
	_ =	shalt  }
.Lfunc_end2:
_tile_overlayer_lowered:
.L_overlay_start_2:
0x1a7: {  	(tag) =	ssettag $0x2  }
0x1a8: {  	s0 =	rddreg [dreg:$0x0];
	s2 =	stileid.u32  }
0x1a9: {  	s1 =	rddreg [dreg:$0x1];
	p0 =	sne.s32 s2, $0x0  }
0x1aa: {  	s3 =	rddreg [dreg:$0x2];
	[bflag:$0x3] =	sbarrier.arrive $0xFFFF;
	s2 =	simm.s32 @!p0 $0x1C03  }
0x1ab: {  	[timem:s3], [sflag:s2] =	dma.local @!p0 [hbm:s0], s1  }
0x1ac: {  	s0 =	simm.s32 @!p0 $0x3  }
0x1ad: {  	_ =	swait.ge @!p0 [sflag:s0], s1  }
0x1ae: {  	s1 =	ssub.s32 @!p0 $0x0, s1;
	[sflag:s0] =	ssyncset.done @!p0 $0x0  }
0x1af: {  	[sflag:s0] =	ssyncadd.s32 @!p0 s1  }
0x1b0: {  	[bflag:$0x3] =	sbarrier.arrive $0xFFFF  }
0x1b1: {  	_ =	shalt  }

// kernel: _lfm_sc.7.cloned.1.call-start
scs
__scs_entry_jumppad:
0x0: {  	(pc) =	sbr.rel $0x88, $3  }
0x1: {  	(tag) =	ssettag $0x0;
	lr =	simm.s32 $0x1  }
0x2: {  	[smem:$0x3F97] =	sst lr;
	_ =	strace $0xD0000000  }
0x3: {  	_ = 	snop  }
0x4: {  	_ = 	snop  }
0x5: {  	_ = 	snop  }
0x6: {  	_ = 	snop  }
0x7: {  	_ = 	snop  }
__scs_overlays_trampoline_lowered:
0x8: {  	[smem:$0x3FA6] =	sst s0  }
0x9: {  	[smem:$0x3FA7] =	sst s1  }
0xa: {  	[smem:$0x3FA8] =	sst s2  }
0xb: {  	[smem:$0x3FA9] =	sst s3  }
0xc: {  	[smem:$0x3FAA] =	sst s4  }
0xd: {  	[smem:$0x3FAB] =	sst s5  }
0xe: {  	[smem:$0x3FAC] =	sst s6  }
0xf: {  	[smem:$0x3FAD] =	sst s7  }
0x10: {  	[smem:$0x3FAE] =	sst s8  }
0x11: {  	[smem:$0x3FAF] =	sst s9;
	s0 =	simm.s32 @!p0 $0x0  }
0x12: {  	s1 =	sld [smem:$0x3F95];
	s0 =	simm.s32 @p0 $0x1  }
0x13: {  	[smem:$0x3FB0] =	sst s0;
	s0 =	simm.s32 @!p1 $0x0  }
0x14: {  	s2 =	sld [smem:$0x3F94];
	s0 =	simm.s32 @p1 $0x1  }
0x15: {  	[smem:$0x3FB1] =	sst s0;
	s0 =	simm.s32 @!p2 $0x0  }
0x16: {  	s3 =	sld [smem:$0x3FDB];
	s0 =	simm.s32 @p2 $0x1  }
0x17: {  	s4 =	simm.s32 $0x1BF5;
	[smem:$0x3FB3] =	sst s0  }
0x18: {  	s0 =	sld [smem:$0x3F96];
	_ =	swait.ge [sflag:s4], $0x0  }
0x19: {  	s7 =	sld [smem:$0x3F97]  }
0x1a: {  	s8 =	sadd.s32 $0xFFFFE003, lr  }
0x1b: {  	s9 =	sadd.s32 $0xFFFFFEF7, lr;
	s5 =	simm.s32 $0xFFFFFFFF;
	p2 =	slt.u32 s8, $0xFFFFF086  }
0x1c: {  	p1 =	slt.u32 s9, $0xF7A;
	s5 =	simm.s32 @!p2 $0x0  }
0x1d: {  	s5 =	simm.s32 @p1 $0x1;
	p0 =	seq.s32 s7, s2  }
0x1e: {  	s7 =	smul.u32 @!p0 $0xF7A, s2;
	p2 =	seq.s32 @!p0 s5, $0x0  }
0x1f: {  	s9 =	smul.u32 $0xF7A, s1;
	s8 =	simm.s32 @!p0 $0x1BF5;
	p2 =	por !p2, p0  }
0x20: {  	[sflag:s8] =	ssyncset.s32 @!p0 $0xFFFFF086;
	s6 =	sadd.s32 @!p0 s3, s7;
	s7 =	simm.s32 @!p0 $0x108  }
0x21: {  	s3 =	sadd.s32 s3, s9;
	s6 =	sadd.s32 @!p0 $0x88, s6;
	s7 =	simm.s32 @p2 $0x1082  }
0x22: {  	[simem:s7], [sflag:s8] =	dma.local @!p0 [hbm:s6], $0xF7A  }
0x23: {  	s9 =	sor.u32 $0xD0000000, s2;
	s6 =	simm.s32 $0x108;
	_ =	swait.ge @!p0 [sflag:s8], $0x0  }
0x24: {  	s3 =	sadd.s32 $0x88, s3;
	s6 =	simm.s32 @!p1 $0x1082;
	[sflag:s4] =	ssyncset.s32 $0xFFFFF086  }
0x25: {  	[simem:s6], [sflag:s4] =	dma.local [hbm:s3], $0xF7A  }
0x26: {  	[smem:$0x3F97] =	sst s1;
	(tag) =	ssettag s2;
	_ =	strace s9  }
0x27: {  	s1 =	sld [smem:$0x3FA7]  }
0x28: {  	s2 =	sld [smem:$0x3FA8]  }
0x29: {  	s4 =	sld [smem:$0x3FAA]  }
0x2a: {  	p0 =	seq.s32 s5, $0x0;
	s5 =	sld [smem:$0x3FAB]  }
0x2b: {  	s6 =	sld [smem:$0x3FAC]  }
0x2c: {  	s7 =	sld [smem:$0x3FAD]  }
0x2d: {  	s3 =	simm.s32 $0x108;
	s8 =	sld [smem:$0x3FAE]  }
0x2e: {  	s3 =	simm.s32 @!p0 $0x1082;
	s9 =	sld [smem:$0x3FAF]  }
0x2f: {  	lr =	sadd.s32 s0, s3;
	s0 =	sld [smem:$0x3FA6]  }
0x30: {  	s3 =	sld [smem:$0x3FA9]  }
0x31: {  	[smem:$0x3FB2] =	sst s10  }
0x32: {  	s10 =	sld [smem:$0x3FB0];
	_ =	sdelay $0x3  }
0x33: {  	p0 =	seq.s32 s10, $0x1;
	s10 =	sld [smem:$0x3FB2];
	_ =	sdelay $0x3  }
0x34: {  	[smem:$0x3FB2] =	sst s10  }
0x35: {  	s10 =	sld [smem:$0x3FB1];
	_ =	sdelay $0x3  }
0x36: {  	p1 =	seq.s32 s10, $0x1;
	s10 =	sld [smem:$0x3FB2];
	_ =	sdelay $0x3  }
0x37: {  	[smem:$0x3FB2] =	sst s10  }
0x38: {  	s10 =	sld [smem:$0x3FB3]  }
0x39: {  	_ = 	snop;
	(pc) =	sbr.ind lr, $3  }
0x3a: {  	_ = 	snop  }
0x3b: {  	_ = 	snop  }
0x3c: {  	p2 =	seq.s32 s10, $0x1;
	s10 =	sld [smem:$0x3FB2]  }
0x3d: {  	_ =	shalt  }
0x3e: {  	_ =	shalt  }
0x3f: {  	_ =	shalt  }
0x40: {  	_ =	shalt  }
0x41: {  	_ =	shalt  }
0x42: {  	_ =	shalt  }
0x43: {  	_ =	shalt  }
0x44: {  	_ =	shalt  }
0x45: {  	_ =	shalt  }
0x46: {  	_ =	shalt  }
0x47: {  	_ =	shalt  }
0x48: {  	_ =	shalt  }
0x49: {  	_ =	shalt  }
0x4a: {  	_ =	shalt  }
0x4b: {  	_ =	shalt  }
0x4c: {  	_ =	shalt  }
0x4d: {  	_ =	shalt  }
0x4e: {  	_ =	shalt  }
0x4f: {  	_ =	shalt  }
0x50: {  	_ =	shalt  }
0x51: {  	_ =	shalt  }
0x52: {  	_ =	shalt  }
0x53: {  	_ =	shalt  }
0x54: {  	_ =	shalt  }
0x55: {  	_ =	shalt  }
0x56: {  	_ =	shalt  }
0x57: {  	_ =	shalt  }
0x58: {  	_ =	shalt  }
0x59: {  	_ =	shalt  }
0x5a: {  	_ =	shalt  }
0x5b: {  	_ =	shalt  }
0x5c: {  	_ =	shalt  }
0x5d: {  	_ =	shalt  }
0x5e: {  	_ =	shalt  }
0x5f: {  	_ =	shalt  }
0x60: {  	_ =	shalt  }
0x61: {  	_ =	shalt  }
0x62: {  	_ =	shalt  }
0x63: {  	_ =	shalt  }
0x64: {  	_ =	shalt  }
0x65: {  	_ =	shalt  }
0x66: {  	_ =	shalt  }
0x67: {  	_ =	shalt  }
0x68: {  	_ =	shalt  }
0x69: {  	_ =	shalt  }
0x6a: {  	_ =	shalt  }
0x6b: {  	_ =	shalt  }
0x6c: {  	_ =	shalt  }
0x6d: {  	_ =	shalt  }
0x6e: {  	_ =	shalt  }
0x6f: {  	_ =	shalt  }
0x70: {  	_ =	shalt  }
0x71: {  	_ =	shalt  }
0x72: {  	_ =	shalt  }
0x73: {  	_ =	shalt  }
0x74: {  	_ =	shalt  }
0x75: {  	_ =	shalt  }
0x76: {  	_ =	shalt  }
0x77: {  	_ =	shalt  }
0x78: {  	_ =	shalt  }
0x79: {  	_ =	shalt  }
0x7a: {  	_ =	shalt  }
0x7b: {  	_ =	shalt  }
0x7c: {  	_ =	shalt  }
0x7d: {  	_ =	shalt  }
0x7e: {  	_ =	shalt  }
0x7f: {  	_ =	shalt  }
0x80: {  	_ =	shalt  }
0x81: {  	_ =	shalt  }
0x82: {  	_ =	shalt  }
0x83: {  	_ =	shalt  }
0x84: {  	_ =	shalt  }
0x85: {  	_ =	shalt  }
0x86: {  	_ =	shalt  }
0x87: {  	_ =	shalt  }
.Lfunc_end0:
.L_simem_size_0:
called_computation.1_lowered:
.L_overlay_start_0:
0x88: {  	s2 =	sld [smem:$0x3FD9]  }
0x89: {  	s3 =	sld [smem:$0x3FFE];
	_ =	sdelay $0x1  }
0x8a: {  	s1 =	srdreg.scid  }
0x8b: {  	s0 =	sand.u32 $0x1, s1  }
0x8c: {  	s17 =	sshll.u32 s0, $0xA;
	s2 =	sadd.s32 s3, s2  }
0x8d: {  	s2 =	sadd.s32 s2, s17  }
0x8e: {  	[smem:$0x3FBE] =	sst s2  }
0x8f: {  	_ = 	snop  }
0x90: {  	s2 =	sld [smem:$0x3FC9]  }
0x91: {  	s18 =	sld [smem:$0x3FC8]  }
0x92: {  	s4 =	sld [smem:$0x3FC7]  }
0x93: {  	s5 =	sld [smem:$0x3FC6]  }
0x94: {  	s6 =	sld [smem:$0x3FC5]  }
0x95: {  	s7 =	sld [smem:$0x3FC4]  }
0x96: {  	s8 =	sld [smem:$0x3FC3]  }
0x97: {  	s9 =	sld [smem:$0x3FC2];
	(tm) =	ssettm $0x1  }
0x98: {  	s10 =	sld [smem:$0x3FFB];
	_ =	sdelay $0x3  }
0x99: {  	_ =	strace s10  }
0x9a: {  	s10 =	sld [smem:$0x3FFC];
	_ =	sdelay $0x3  }
0x9b: {  	_ =	strace s10  }
0x9c: {  	s10 =	sld [smem:$0x3FFD];
	_ =	sdelay $0x3  }
0x9d: {  	_ =	strace s10  }
0x9e: {  	_ =	strace $0x8FFFFFFF  }
0x9f: {  	s19 =	sld [smem:$0x3FDB];
	_ =	sdelay $0x1  }
0xa0: {  	s11 =	simm.s32 $_scs_section_size  }
0xa1: {  	s12 =	simm.s32 $_size__tile_overlayer_lowered;
	s13 =	simm.s32 $_tile_overlayer_lowered  }
0xa2: {  	s22 =	simm.s32 $0x1BFF;
	s21 =	sshll.u32 s13, $0x1;
	s10 =	sadd.s32 s11, s19  }
0xa3: {  	s14 =	simm.s32 $0x0;
	s20 =	sshll.u32 s12, $0x1;
	s12 =	sadd.s32 s21, s10  }
0xa4: {  	[timem:s14], [sflag:s22] =	dma.local [hbm:s12], s20  }
0xa5: {  	_ =	swait.ge [sflag:s22], s20  }
0xa6: {  	s11 =	ssub.s32 $0x0, s20;
	[sflag:s22] =	ssyncset.done $0x0  }
0xa7: {  	[sflag:s22] =	ssyncadd.s32 s11;
	_ =	sdelay $0x1  }
0xa8: {  	s23 =	simm.s32 $0x1B8B  }
0xa9: {  	_ =	swait.ge [sflag:s23], $0x1  }
0xaa: {  	[sflag:s23] =	ssyncset.done $0x0  }
0xab: {  	s25 =	simm.s32 $0x1B8E;
	s24 =	sld [smem:$0x3FFE];
	[sflag:s23] =	ssyncadd.s32 $0xFFFFFFFF  }
0xac: {  	s26 =	simm.s32 $execute0_lowered;
	[smem:$0x3FD2] =	sst s25  }
0xad: {  	s12 =	sshll.u32 s26, $0x1;
	_ =	strace $0x80000049;
	[dreg:$0x1] =	wrdreg $0xFFFFFFFF  }
0xae: {  	s28 =	simm.s32 $_size_execute0_lowered;
	s10 =	sadd.s32 s10, s12;
	[dreg:$0x0] =	wrdreg $0x0  }
0xaf: {  	s12 =	sshll.u32 s28, $0x1;
	[dreg:$0x2] =	wrdreg s10  }
0xb0: {  	[dreg:$0x3] =	wrdreg s12  }
0xb1: {  	[dreg:$0x4] =	wrdreg $0xC0  }
0xb2: {  	_ =	task [dreg:s14], $0x5FFFF  }
0xb3: {  	[dreg:$0x1] =	wrdreg $0xFFFFFFFF  }
0xb4: {  	[dreg:$0x0] =	wrdreg $0x60  }
0xb5: {  	[dreg:$0x2] =	wrdreg s2  }
0xb6: {  	[dreg:$0x3] =	wrdreg s18  }
0xb7: {  	[dreg:$0x4] =	wrdreg s4  }
0xb8: {  	[dreg:$0x5] =	wrdreg s5  }
0xb9: {  	[dreg:$0x6] =	wrdreg s6  }
0xba: {  	[dreg:$0x7] =	wrdreg s7  }
0xbb: {  	[dreg:$0x8] =	wrdreg s8  }
0xbc: {  	[dreg:$0x9] =	wrdreg s9  }
0xbd: {  	[dreg:$0xa] =	wrdreg s24  }
0xbe: {  	[dreg:$0xb] =	wrdreg $0x9  }
0xbf: {  	_ =	task.clear_ibuf [dreg:s14], $0xCFFFF;
	_ =	strace $0x90000049  }
0xc0: {  	s29 =	simm.s32 $0x9;
	_ =	strace $0x8000004B  }
0xc1: {  	_ =	swait.ge [sflag:s29], $0x1  }
0xc2: {  	[sflag:s29] =	ssyncadd.s32 $0xFFFFFFFF  }
0xc3: {  	_ =	strace $0x9000004B  }
0xc4: {  	_ =	sfence  }
0xc5: {  	s30 =	sld [smem:$0x0];
	_ =	sdelay $0x2  }
0xc6: {  	s31 =	sshll.u32 s1, $0xD;
	s1 =	sshrl.u32 s1, $0x2  }
0xc7: {  	s3 =	sand.u32 $0x4000, s31;
	s1 =	sadd.s32 s1, s30  }
0xc8: {  	s0 =	sor.u32 s3, s0;
	s1 =	sshll.u32 s1, $0x11  }
0xc9: {  	s0 =	sor.u32 s1, s0  }
0xca: {  	s0 =	sadd.s32 $0x8F2B, s0  }
0xcb: {  	[sflag:s0] =	ssyncadd.remote.s32 $0x1  }
0xcc: {  	_ =	sfence.sel $0xFFFF  }
0xcd: {  	[dreg:$0x0] =	wrdreg $0xFFFFFFFF;
	(pc) =	sbr.abs _section_cstart, $3  }
0xce: {  	[dreg:$0x1] =	wrdreg $0xFFFFFFFF  }
0xcf: {  	_ =	task.clear_ibuf [dreg:s14], $0x2FFFF;
	_ =	strace $0x9FFFFFFF  }
0xd0: {  	(tm) =	ssettm $0x7FFFFFFF  }
0xd1: {  	_ =	shalt  }
tec
execute0_lowered:
.L_overlay_start_1:
0x0: {  	(tag) =	ssettag $0x1  }
0x1: {  	s1 =	rddreg [dreg:$0x0]  }
0x2: {  	s4 =	rddreg [dreg:$0x1]  }
0x3: {  	s9 =	rddreg [dreg:$0x2]  }
0x4: {  	s10 =	rddreg [dreg:$0x3]  }
0x5: {  	s3 =	rddreg [dreg:$0x6]  }
0x6: {  	s5 =	rddreg [dreg:$0x7];
	s6 =	srdreg.scid  }
0x7: {  	s0 =	stileid.u32;
	s7 =	rddreg [dreg:$0x8]  }
0x8: {  	s15 =	simm.s32 $0x2;
	s16 =	simm.s32 $0x200;
	s17 =	simm.s32 $0x400  }
0x9: {  	s18 =	simm.s32 $0x600;
	s19 =	simm.s32 $0x800;
	s20 =	simm.s32 $0x880  }
0xa: {  	s21 =	simm.s32 $0xD00;
	s22 =	simm.s32 $0x4D00;
	s23 =	simm.s32 $0x900  }
0xb: {  	s24 =	simm.s32 $0xB00;
	s25 =	simm.s32 $0x1;
	s26 =	simm.s32 $0x8D00  }
0xc: {  	v0 =	vlaneseq.u32;
	s28 =	simm.s32 $0x8E00;
	s8 =	sand.u32 $0x1, s6;
	s11 =	sshll.u32 s0, $0x1  }
0xd: {  	s29 =	simm.s32 $0x0;
	s6 =	simm.s32 $0x0;
	v0 =	vmul.u32 $0x10, v0;
	s11 =	sor.u32 s8, s11  }
0xe: {  	[smem:$0x7FF] =	sst s6;
	s8 =	ssub.s32 $0x2, s8;
	s12 =	sshll.u32 s11, $0xB  }
0xf: {  	_ =	strace $0x8000004A;
	s13 =	sshll.u32 s11, $0x4;
	s14 =	sshrl.u32 s8, $0x1;
	v1 =	vor.u32 $0x1, v0;
	v2 =	vor.u32 $0x2, v0;
	v3 =	vor.u32 $0x3, v0  }
0x10: {  	s11 =	sshll.u32 s11, $0x6;
	v4 =	vor.u32 $0x4, v0;
	v5 =	vor.u32 $0x5, v0;
	v15 =	vor.u32 $0xF, v0;
	s12 =	sadd.s32 s12, s7;
	s13 =	sadd.s32 s13, s7  }
0x11: {  	v6 =	vor.u32 $0x6, v0;
	v7 =	vor.u32 $0x7, v0;
	v8 =	vor.u32 $0x8, v0;
	s14 =	ssub.s32 s8, s14;
	s7 =	sadd.s32 s1, s11;
	s8 =	sadd.s32 s4, s11  }
0x12: {  	v9 =	vor.u32 $0x9, v0;
	v10 =	vor.u32 $0xA, v0;
	v11 =	vor.u32 $0xB, v0;
	s9 =	sadd.s32 s9, s11;
	s10 =	sadd.s32 s10, s11;
	s11 =	sadd.s32 $0xC00, s12  }
0x13: {  	v12 =	vor.u32 $0xC, v0;
	v13 =	vor.u32 $0xD, v0;
	v14 =	vor.u32 $0xE, v0;
	s12 =	sadd.s32 $0x10C00, s12;
	s13 =	sadd.s32 $0x20C00, s13;
	s14 =	smax.u32 s14, $0x1  }
.LBB2_1:
0x14: {  	[tilespmem:s6], [sflag:$0x2] =	stream.linear.gather [hbm4b:s7+s6], $0x200, $0x38;
	[tilespmem:$0x8E80] =	vst v63  }
0x15: {  	_ =	swait.ge [sflag:s15], $0x200  }
0x16: {  	[sflag:s15] =	ssyncset.done $0x0  }
0x17: {  	[sflag:s15] =	ssyncadd.s32 $0xFFFFFE00  }
0x18: {  	[tilespmem:s16], [sflag:$0x2] =	stream.linear.gather [hbm4b:s8+s6], $0x200, $0x38;
	[tilespmem:$0x8E80] =	vst v63  }
0x19: {  	_ =	swait.ge [sflag:s15], $0x200  }
0x1a: {  	[sflag:s15] =	ssyncset.done $0x0  }
0x1b: {  	[sflag:s15] =	ssyncadd.s32 $0xFFFFFE00  }
0x1c: {  	[tilespmem:s17], [sflag:$0x2] =	stream.linear.gather [hbm4b:s9+s6], $0x200, $0x38;
	[tilespmem:$0x8E80] =	vst v63  }
0x1d: {  	_ =	swait.ge [sflag:s15], $0x200  }
0x1e: {  	[sflag:s15] =	ssyncset.done $0x0  }
0x1f: {  	[sflag:s15] =	ssyncadd.s32 $0xFFFFFE00  }
0x20: {  	[tilespmem:s18], [sflag:$0x2] =	stream.linear.gather [hbm4b:s10+s6], $0x200, $0x38;
	[tilespmem:$0x8E80] =	vst v63  }
0x21: {  	_ =	swait.ge [sflag:s15], $0x200  }
0x22: {  	[sflag:s15] =	ssyncset.done $0x0  }
0x23: {  	[sflag:s15] =	ssyncadd.s32 $0xFFFFFE00  }
0x24: {  	s0 =	rddreg [dreg:$0x4]  }
0x25: {  	[tilespmem:s19], [sflag:$0x2] =	stream.linear.gather [hbm4b:s0+s6], $0x80, $0x38;
	[tilespmem:$0x8E80] =	vst v63  }
0x26: {  	_ =	swait.ge [sflag:s15], $0x80  }
0x27: {  	[sflag:s15] =	ssyncset.done $0x0  }
0x28: {  	[sflag:s15] =	ssyncadd.s32 $0xFFFFFF80  }
0x29: {  	s4 =	rddreg [dreg:$0x5]  }
0x2a: {  	[tilespmem:s20], [sflag:$0x2] =	stream.linear.gather [hbm4b:s4+s6], $0x80, $0x38;
	[tilespmem:$0x8E80] =	vst v63  }
0x2b: {  	_ =	swait.ge [sflag:s15], $0x80  }
0x2c: {  	[sflag:s15] =	ssyncset.done $0x0  }
0x2d: {  	[sflag:s15] =	ssyncadd.s32 $0xFFFFFF80  }
0x2e: {  	[tilespmem:s21], [sflag:$0x2] =	stream.linear.gather [hbm4b:s11+s6], $0x4000, $0x38;
	[tilespmem:$0x8E80] =	vst v63  }
0x2f: {  	_ =	swait.ge [sflag:s15], $0x4000  }
0x30: {  	[sflag:s15] =	ssyncset.done $0x0  }
0x31: {  	[sflag:s15] =	ssyncadd.s32 $0xFFFFC000  }
0x32: {  	[tilespmem:s22], [sflag:$0x2] =	stream.linear.gather [hbm4b:s12+s6], $0x4000, $0x38;
	[tilespmem:$0x8E80] =	vst v63  }
0x33: {  	_ =	swait.ge [sflag:s15], $0x4000  }
0x34: {  	[sflag:s15] =	ssyncset.done $0x0  }
0x35: {  	[sflag:s15] =	ssyncadd.s32 $0xFFFFC000  }
0x36: {  	[tilespmem:s23], [sflag:$0x1] =	stream.indirect.gather [hbm4b:s3+s16], $0x1, s6, s16, $0xb8;
	[tilespmem:$0x8E80] =	vst v63  }
0x37: {  	_ = 	snop  }
0x38: {  	[tilespmem:s24], [sflag:$0x1] =	stream.indirect.gather [hbm4b:s5+s16], $0x1, s16, s16, $0xb8;
	[tilespmem:$0x8E80] =	vst v63  }
0x39: {  	_ =	swait.ge [sflag:s25], $0x200  }
0x3a: {  	[sflag:s25] =	ssyncset.done $0x0  }
0x3b: {  	[sflag:s25] =	ssyncadd.s32 $0xFFFFFE00  }
0x3c: {  	_ =	swait.ge [sflag:s25], $0x200  }
0x3d: {  	[sflag:s25] =	ssyncset.done $0x0  }
0x3e: {  	s30 =	simm.s32 $0xE00;
	[sflag:s25] =	ssyncadd.s32 $0xFFFFFE00  }
0x3f: {  	s31 =	simm.s32 $0x4E00;
	v16 =	vld [tilespmem:s30+$0xFFFFFF00]  }
0x40: {  	v17 =	vld [tilespmem:s31+$0xFFFFFF10]  }
0x41: {  	v18 =	vld [tilespmem:s30+$0xFFFFFF10]  }
0x42: {  	v19 =	vld [tilespmem:s31+$0xFFFFFF00];
	_ =	sdelay $0x4  }
0x43: {  	v18 =	vmul.f32 v17, v18;
	v16 =	vmul.f32 v19, v16;
	_ =	sdelay $0x1  }
0x44: {  	v18 =	vadd.f32 v18, v16  }
0x45: {  	v17 =	vld [tilespmem:$0x800]  }
0x46: {  	v16 =	vld [tilespmem:$0x880];
	[tilespmem:v0+s26+$0x0] =	vst.idx.msk $0xffff, v18  }
0x47: {  	v18 =	vld [tilespmem:s31+$0xFFFFFF30]  }
0x48: {  	v19 =	vld [tilespmem:s30+$0xFFFFFF20]  }
0x49: {  	v20 =	vld [tilespmem:s30+$0xFFFFFF30]  }
0x4a: {  	v21 =	vld [tilespmem:s31+$0xFFFFFF20];
	_ =	sdelay $0x4  }
0x4b: {  	v18 =	vmul.f32 v18, v20;
	v19 =	vmul.f32 v21, v19;
	_ =	sdelay $0x1  }
0x4c: {  	v18 =	vadd.f32 v18, v19;
	_ =	sdelay $0x1  }
0x4d: {  	[tilespmem:v1+s26+$0x0] =	vst.idx.msk $0xffff, v18  }
0x4e: {  	v18 =	vld [tilespmem:s30+$0xFFFFFF40]  }
0x4f: {  	v19 =	vld [tilespmem:s31+$0xFFFFFF40]  }
0x50: {  	v20 =	vld [tilespmem:s30+$0xFFFFFF50]  }
0x51: {  	v50 =	vld [tilespmem:s31+$0xFFFFFF50];
	_ =	sdelay $0x4  }
0x52: {  	v18 =	vmul.f32 v19, v18;
	v19 =	vmul.f32 v50, v20;
	_ =	sdelay $0x1  }
0x53: {  	v18 =	vadd.f32 v19, v18;
	_ =	sdelay $0x1  }
0x54: {  	[tilespmem:v2+s26+$0x0] =	vst.idx.msk $0xffff, v18  }
0x55: {  	v18 =	vld [tilespmem:s30+$0xFFFFFF70]  }
0x56: {  	v19 =	vld [tilespmem:s31+$0xFFFFFF60]  }
0x57: {  	v20 =	vld [tilespmem:s30+$0xFFFFFF60]  }
0x58: {  	v51 =	vld [tilespmem:s31+$0xFFFFFF70];
	_ =	sdelay $0x4  }
0x59: {  	v19 =	vmul.f32 v19, v20;
	v18 =	vmul.f32 v51, v18;
	_ =	sdelay $0x1  }
0x5a: {  	v18 =	vadd.f32 v18, v19;
	_ =	sdelay $0x1  }
0x5b: {  	[tilespmem:v3+s26+$0x0] =	vst.idx.msk $0xffff, v18  }
0x5c: {  	v18 =	vld [tilespmem:s31+$0xFFFFFF90]  }
0x5d: {  	v19 =	vld [tilespmem:s31+$0xFFFFFF80]  }
0x5e: {  	v20 =	vld [tilespmem:s30+$0xFFFFFF80]  }
0x5f: {  	v52 =	vld [tilespmem:s30+$0xFFFFFF90];
	_ =	sdelay $0x4  }
0x60: {  	v19 =	vmul.f32 v19, v20;
	v18 =	vmul.f32 v18, v52;
	_ =	sdelay $0x1  }
0x61: {  	v18 =	vadd.f32 v18, v19;
	_ =	sdelay $0x1  }
0x62: {  	[tilespmem:v4+s26+$0x0] =	vst.idx.msk $0xffff, v18  }
0x63: {  	v18 =	vld [tilespmem:s31+$0xFFFFFFA0]  }
0x64: {  	v19 =	vld [tilespmem:s31+$0xFFFFFFB0]  }
0x65: {  	v20 =	vld [tilespmem:s30+$0xFFFFFFA0]  }
0x66: {  	v53 =	vld [tilespmem:s30+$0xFFFFFFB0];
	_ =	sdelay $0x4  }
0x67: {  	v18 =	vmul.f32 v18, v20;
	v19 =	vmul.f32 v19, v53;
	_ =	sdelay $0x1  }
0x68: {  	v18 =	vadd.f32 v19, v18;
	_ =	sdelay $0x1  }
0x69: {  	[tilespmem:v5+s26+$0x0] =	vst.idx.msk $0xffff, v18  }
0x6a: {  	v18 =	vld [tilespmem:s31+$0xFFFFFFC0]  }
0x6b: {  	v19 =	vld [tilespmem:s31+$0xFFFFFFD0]  }
0x6c: {  	v20 =	vld [tilespmem:s30+$0xFFFFFFC0]  }
0x6d: {  	v54 =	vld [tilespmem:s30+$0xFFFFFFD0];
	_ =	sdelay $0x4  }
0x6e: {  	v18 =	vmul.f32 v18, v20;
	v19 =	vmul.f32 v19, v54;
	_ =	sdelay $0x1  }
0x6f: {  	v18 =	vadd.f32 v19, v18;
	_ =	sdelay $0x1  }
0x70: {  	[tilespmem:v6+s26+$0x0] =	vst.idx.msk $0xffff, v18  }
0x71: {  	v18 =	vld [tilespmem:s30+$0xFFFFFFE0]  }
0x72: {  	v19 =	vld [tilespmem:s31+$0xFFFFFFE0]  }
0x73: {  	v20 =	vld [tilespmem:s31+$0xFFFFFFF0]  }
0x74: {  	v55 =	vld [tilespmem:s30+$0xFFFFFFF0];
	_ =	sdelay $0x4  }
0x75: {  	v18 =	vmul.f32 v19, v18;
	v19 =	vmul.f32 v20, v55;
	_ =	sdelay $0x1  }
0x76: {  	v18 =	vadd.f32 v19, v18;
	_ =	sdelay $0x1  }
0x77: {  	[tilespmem:v7+s26+$0x0] =	vst.idx.msk $0xffff, v18  }
0x78: {  	v18 =	vld [tilespmem:s31+$0x0]  }
0x79: {  	v19 =	vld [tilespmem:s31+$0x10]  }
0x7a: {  	v20 =	vld [tilespmem:s30+$0x10]  }
0x7b: {  	v56 =	vld [tilespmem:s30+$0x0];
	_ =	sdelay $0x4  }
0x7c: {  	v19 =	vmul.f32 v19, v20;
	v18 =	vmul.f32 v18, v56;
	_ =	sdelay $0x1  }
0x7d: {  	v18 =	vadd.f32 v19, v18;
	_ =	sdelay $0x1  }
0x7e: {  	[tilespmem:v8+s26+$0x0] =	vst.idx.msk $0xffff, v18  }
0x7f: {  	v18 =	vld [tilespmem:s31+$0x20]  }
0x80: {  	v19 =	vld [tilespmem:s31+$0x30]  }
0x81: {  	v20 =	vld [tilespmem:s30+$0x30]  }
0x82: {  	v57 =	vld [tilespmem:s30+$0x20];
	_ =	sdelay $0x4  }
0x83: {  	v19 =	vmul.f32 v19, v20;
	v18 =	vmul.f32 v18, v57;
	_ =	sdelay $0x1  }
0x84: {  	v18 =	vadd.f32 v19, v18;
	_ =	sdelay $0x1  }
0x85: {  	[tilespmem:v9+s26+$0x0] =	vst.idx.msk $0xffff, v18  }
0x86: {  	v18 =	vld [tilespmem:s31+$0x40]  }
0x87: {  	v19 =	vld [tilespmem:s30+$0x40]  }
0x88: {  	v20 =	vld [tilespmem:s30+$0x50]  }
0x89: {  	v58 =	vld [tilespmem:s31+$0x50];
	_ =	sdelay $0x4  }
0x8a: {  	v18 =	vmul.f32 v18, v19;
	v19 =	vmul.f32 v58, v20;
	_ =	sdelay $0x1  }
0x8b: {  	v18 =	vadd.f32 v19, v18;
	_ =	sdelay $0x1  }
0x8c: {  	[tilespmem:v10+s26+$0x0] =	vst.idx.msk $0xffff, v18  }
0x8d: {  	v18 =	vld [tilespmem:s30+$0x70]  }
0x8e: {  	v19 =	vld [tilespmem:s31+$0x60]  }
0x8f: {  	v20 =	vld [tilespmem:s30+$0x60]  }
0x90: {  	v59 =	vld [tilespmem:s31+$0x70];
	_ =	sdelay $0x4  }
0x91: {  	v19 =	vmul.f32 v19, v20;
	v18 =	vmul.f32 v59, v18;
	_ =	sdelay $0x1  }
0x92: {  	v18 =	vadd.f32 v18, v19;
	_ =	sdelay $0x1  }
0x93: {  	[tilespmem:v11+s26+$0x0] =	vst.idx.msk $0xffff, v18  }
0x94: {  	v18 =	vld [tilespmem:s31+$0x90]  }
0x95: {  	v19 =	vld [tilespmem:s30+$0x80]  }
0x96: {  	v20 =	vld [tilespmem:s31+$0x80]  }
0x97: {  	v60 =	vld [tilespmem:s30+$0x90];
	_ =	sdelay $0x4  }
0x98: {  	v19 =	vmul.f32 v20, v19;
	v18 =	vmul.f32 v18, v60;
	_ =	sdelay $0x1  }
0x99: {  	v18 =	vadd.f32 v18, v19;
	_ =	sdelay $0x1  }
0x9a: {  	[tilespmem:v12+s26+$0x0] =	vst.idx.msk $0xffff, v18  }
0x9b: {  	v18 =	vld [tilespmem:s31+$0xA0]  }
0x9c: {  	v19 =	vld [tilespmem:s31+$0xB0]  }
0x9d: {  	v20 =	vld [tilespmem:s30+$0xA0]  }
0x9e: {  	v61 =	vld [tilespmem:s30+$0xB0];
	_ =	sdelay $0x4  }
0x9f: {  	v18 =	vmul.f32 v18, v20;
	v19 =	vmul.f32 v19, v61;
	_ =	sdelay $0x1  }
0xa0: {  	v18 =	vadd.f32 v19, v18;
	_ =	sdelay $0x1  }
0xa1: {  	[tilespmem:v13+s26+$0x0] =	vst.idx.msk $0xffff, v18  }
0xa2: {  	v18 =	vld [tilespmem:s30+$0xC0]  }
0xa3: {  	v19 =	vld [tilespmem:s31+$0xC0]  }
0xa4: {  	v20 =	vld [tilespmem:s31+$0xD0]  }
0xa5: {  	v62 =	vld [tilespmem:s30+$0xD0];
	_ =	sdelay $0x4  }
0xa6: {  	v18 =	vmul.f32 v19, v18;
	v19 =	vmul.f32 v20, v62;
	_ =	sdelay $0x1  }
0xa7: {  	v18 =	vadd.f32 v19, v18;
	_ =	sdelay $0x1  }
0xa8: {  	[tilespmem:v14+s26+$0x0] =	vst.idx.msk $0xffff, v18  }
0xa9: {  	v18 =	vld [tilespmem:s30+$0xE0]  }
0xaa: {  	v19 =	vld [tilespmem:s31+$0xE0]  }
0xab: {  	v20 =	vld [tilespmem:s30+$0xF0]  }
0xac: {  	v63 =	vld [tilespmem:s31+$0xF0];
	_ =	sdelay $0x4  }
0xad: {  	v19 =	vmul.f32 v19, v18;
	v20 =	vmul.f32 v63, v20;
	_ =	sdelay $0x1  }
0xae: {  	s1 =	simm.s32 $0x40;
	s4 =	simm.s32 $0x0;
	v18 =	vimm.f32 $0.0e+00;
	v19 =	vadd.f32 v20, v19  }
.LBB2_2:
0xaf: {  	p0 =	sne.s32 s1, $0x7C0;
	s31 =	sadd.s32 $0x200, s31;
	s30 =	sadd.s32 $0x200, s30  }
0xb0: {  	s0 =	smov.u32 s1;
	s1 =	sadd.s32 $0x40, s1;
	[tilespmem:v15+s26+$0x0] =	vst.idx.msk $0xffff, v19  }
0xb1: {  	v19 =	vld [tilespmem:$0x8D00]  }
0xb2: {  	v20 =	vld [tilespmem:$0x8D10]  }
0xb3: {  	v21 =	vld [tilespmem:$0x8D20]  }
0xb4: {  	v22 =	vld [tilespmem:$0x8D30]  }
0xb5: {  	v23 =	vld [tilespmem:$0x8D40]  }
0xb6: {  	v24 =	vld [tilespmem:$0x8D50]  }
0xb7: {  	v19 =	vadd.f32 v20, v19;
	v20 =	vld [tilespmem:$0x8D60]  }
0xb8: {  	v25 =	vld [tilespmem:$0x8D70]  }
0xb9: {  	v19 =	vadd.f32 v21, v19;
	v21 =	vld [tilespmem:$0x8D80]  }
0xba: {  	v26 =	vld [tilespmem:$0x8D90]  }
0xbb: {  	v19 =	vadd.f32 v22, v19;
	v22 =	vld [tilespmem:$0x8DA0]  }
0xbc: {  	v27 =	vld [tilespmem:$0x8DB0]  }
0xbd: {  	v28 =	vld [tilespmem:s30+$0xFFFFFF00];
	v19 =	vadd.f32 v23, v19  }
0xbe: {  	v23 =	vld [tilespmem:s31+$0xFFFFFF10]  }
0xbf: {  	v29 =	vld [tilespmem:s30+$0xFFFFFF10];
	v19 =	vadd.f32 v24, v19  }
0xc0: {  	v24 =	vld [tilespmem:s31+$0xFFFFFF00]  }
0xc1: {  	v19 =	vadd.f32 v20, v19;
	v20 =	vld [tilespmem:$0x8DC0]  }
0xc2: {  	v30 =	vld [tilespmem:$0x8DD0]  }
0xc3: {  	v19 =	vadd.f32 v25, v19;
	v25 =	vld [tilespmem:$0x8DE0]  }
0xc4: {  	s2 =	sshra.s32 s4, $0x2;
	s4 =	smov.u32 s0;
	v23 =	vmul.f32 v23, v29;
	v29 =	vld [tilespmem:$0x8DF0]  }
0xc5: {  	v24 =	vmul.f32 v24, v28;
	v19 =	vadd.f32 v21, v19;
	v21 =	vld [tilespmem:s2+$0x900]  }
0xc6: {  	v28 =	vld [tilespmem:s2+$0xB00]  }
0xc7: {  	v23 =	vadd.f32 v23, v24;
	v19 =	vadd.f32 v26, v19;
	v24 =	vld [tilespmem:s2+$0x600]  }
0xc8: {  	v26 =	vld [tilespmem:s2+$0x400]  }
0xc9: {  	[tilespmem:v0+s26+$0x0] =	vst.idx.msk $0xffff, v23;
	v19 =	vadd.f32 v22, v19  }
0xca: {  	v22 =	vld [tilespmem:s31+$0xFFFFFF30];
	v21 =	vadd.f32 v21, v17  }
0xcb: {  	v23 =	vld [tilespmem:s30+$0xFFFFFF20];
	v19 =	vadd.f32 v27, v19  }
0xcc: {  	v27 =	vld [tilespmem:s30+$0xFFFFFF30];
	v21 =	vadd.f32 v28, v21  }
0xcd: {  	v28 =	vld [tilespmem:s31+$0xFFFFFF20];
	v19 =	vadd.f32 v20, v19;
	_ =	sdelay $0x1  }
0xce: {  	v19 =	vadd.f32 v30, v19;
	_ =	sdelay $0x1  }
0xcf: {  	v20 =	vmul.f32 v22, v27;
	v19 =	vadd.f32 v25, v19  }
0xd0: {  	v22 =	vmul.f32 v28, v23  }
0xd1: {  	v19 =	vadd.f32 v29, v19  }
0xd2: {  	v20 =	vadd.f32 v20, v22;
	v22 =	vmul.f32 v24, v16  }
0xd3: {  	v19 =	vadd.f32 v21, v19  }
0xd4: {  	[tilespmem:v1+s26+$0x0] =	vst.idx.msk $0xffff, v20  }
0xd5: {  	v20 =	vld [tilespmem:s30+$0xFFFFFF40];
	v19 =	vadd.f32 v22, v19  }
0xd6: {  	v21 =	vld [tilespmem:s31+$0xFFFFFF40]  }
0xd7: {  	v22 =	vld [tilespmem:s30+$0xFFFFFF50];
	v19 =	vsub.f32 v19, v26  }
0xd8: {  	v23 =	vld [tilespmem:s31+$0xFFFFFF50]  }
0xd9: {  	v19 =	vmul.f32 v19, v19;
	_ =	sdelay $0x1  }
0xda: {  	v20 =	vmul.f32 v21, v20;
	v18 =	vadd.f32 v19, v18;
	_ =	sdelay $0x1  }
0xdb: {  	v19 =	vmul.f32 v23, v22;
	_ =	sdelay $0x1  }
0xdc: {  	v19 =	vadd.f32 v19, v20;
	_ =	sdelay $0x1  }
0xdd: {  	[tilespmem:v2+s26+$0x0] =	vst.idx.msk $0xffff, v19  }
0xde: {  	v19 =	vld [tilespmem:s30+$0xFFFFFF70]  }
0xdf: {  	v20 =	vld [tilespmem:s31+$0xFFFFFF60]  }
0xe0: {  	v21 =	vld [tilespmem:s30+$0xFFFFFF60]  }
0xe1: {  	v22 =	vld [tilespmem:s31+$0xFFFFFF70];
	_ =	sdelay $0x3  }
0xe2: {  	v20 =	vmul.f32 v20, v21  }
0xe3: {  	v19 =	vmul.f32 v22, v19;
	_ =	sdelay $0x1  }
0xe4: {  	v19 =	vadd.f32 v19, v20;
	_ =	sdelay $0x1  }
0xe5: {  	[tilespmem:v3+s26+$0x0] =	vst.idx.msk $0xffff, v19  }
0xe6: {  	v19 =	vld [tilespmem:s31+$0xFFFFFF90]  }
0xe7: {  	v20 =	vld [tilespmem:s31+$0xFFFFFF80]  }
0xe8: {  	v21 =	vld [tilespmem:s30+$0xFFFFFF80]  }
0xe9: {  	v22 =	vld [tilespmem:s30+$0xFFFFFF90];
	_ =	sdelay $0x3  }
0xea: {  	v20 =	vmul.f32 v20, v21  }
0xeb: {  	v19 =	vmul.f32 v19, v22;
	_ =	sdelay $0x1  }
0xec: {  	v19 =	vadd.f32 v19, v20;
	_ =	sdelay $0x1  }
0xed: {  	[tilespmem:v4+s26+$0x0] =	vst.idx.msk $0xffff, v19  }
0xee: {  	v19 =	vld [tilespmem:s31+$0xFFFFFFA0]  }
0xef: {  	v20 =	vld [tilespmem:s31+$0xFFFFFFB0]  }
0xf0: {  	v21 =	vld [tilespmem:s30+$0xFFFFFFA0]  }
0xf1: {  	v22 =	vld [tilespmem:s30+$0xFFFFFFB0];
	_ =	sdelay $0x3  }
0xf2: {  	v19 =	vmul.f32 v19, v21  }
0xf3: {  	v20 =	vmul.f32 v20, v22;
	_ =	sdelay $0x1  }
0xf4: {  	v19 =	vadd.f32 v20, v19;
	_ =	sdelay $0x1  }
0xf5: {  	[tilespmem:v5+s26+$0x0] =	vst.idx.msk $0xffff, v19  }
0xf6: {  	v19 =	vld [tilespmem:s31+$0xFFFFFFC0]  }
0xf7: {  	v20 =	vld [tilespmem:s31+$0xFFFFFFD0]  }
0xf8: {  	v21 =	vld [tilespmem:s30+$0xFFFFFFC0]  }
0xf9: {  	v22 =	vld [tilespmem:s30+$0xFFFFFFD0];
	_ =	sdelay $0x3  }
0xfa: {  	v19 =	vmul.f32 v19, v21  }
0xfb: {  	v20 =	vmul.f32 v20, v22;
	_ =	sdelay $0x1  }
0xfc: {  	v19 =	vadd.f32 v20, v19;
	_ =	sdelay $0x1  }
0xfd: {  	[tilespmem:v6+s26+$0x0] =	vst.idx.msk $0xffff, v19  }
0xfe: {  	v19 =	vld [tilespmem:s30+$0xFFFFFFE0]  }
0xff: {  	v20 =	vld [tilespmem:s31+$0xFFFFFFE0]  }
0x100: {  	v21 =	vld [tilespmem:s31+$0xFFFFFFF0]  }
0x101: {  	v22 =	vld [tilespmem:s30+$0xFFFFFFF0];
	_ =	sdelay $0x2  }
0x102: {  	v19 =	vmul.f32 v20, v19;
	_ =	sdelay $0x1  }
0x103: {  	v20 =	vmul.f32 v21, v22;
	_ =	sdelay $0x1  }
0x104: {  	v19 =	vadd.f32 v20, v19;
	_ =	sdelay $0x1  }
0x105: {  	[tilespmem:v7+s26+$0x0] =	vst.idx.msk $0xffff, v19  }
0x106: {  	v19 =	vld [tilespmem:s31+$0x0]  }
0x107: {  	v20 =	vld [tilespmem:s31+$0x10]  }
0x108: {  	v21 =	vld [tilespmem:s30+$0x10]  }
0x109: {  	v22 =	vld [tilespmem:s30+$0x0];
	_ =	sdelay $0x3  }
0x10a: {  	v20 =	vmul.f32 v20, v21  }
0x10b: {  	v19 =	vmul.f32 v19, v22;
	_ =	sdelay $0x1  }
0x10c: {  	v19 =	vadd.f32 v20, v19;
	_ =	sdelay $0x1  }
0x10d: {  	[tilespmem:v8+s26+$0x0] =	vst.idx.msk $0xffff, v19  }
0x10e: {  	v19 =	vld [tilespmem:s31+$0x20]  }
0x10f: {  	v20 =	vld [tilespmem:s31+$0x30]  }
0x110: {  	v21 =	vld [tilespmem:s30+$0x30]  }
0x111: {  	v22 =	vld [tilespmem:s30+$0x20];
	_ =	sdelay $0x3  }
0x112: {  	v20 =	vmul.f32 v20, v21  }
0x113: {  	v19 =	vmul.f32 v19, v22;
	_ =	sdelay $0x1  }
0x114: {  	v19 =	vadd.f32 v20, v19;
	_ =	sdelay $0x1  }
0x115: {  	[tilespmem:v9+s26+$0x0] =	vst.idx.msk $0xffff, v19  }
0x116: {  	v19 =	vld [tilespmem:s31+$0x40]  }
0x117: {  	v20 =	vld [tilespmem:s30+$0x40]  }
0x118: {  	v21 =	vld [tilespmem:s30+$0x50]  }
0x119: {  	v22 =	vld [tilespmem:s31+$0x50];
	_ =	sdelay $0x2  }
0x11a: {  	v19 =	vmul.f32 v19, v20;
	_ =	sdelay $0x1  }
0x11b: {  	v20 =	vmul.f32 v22, v21;
	_ =	sdelay $0x1  }
0x11c: {  	v19 =	vadd.f32 v20, v19;
	_ =	sdelay $0x1  }
0x11d: {  	[tilespmem:v10+s26+$0x0] =	vst.idx.msk $0xffff, v19  }
0x11e: {  	v19 =	vld [tilespmem:s30+$0x70]  }
0x11f: {  	v20 =	vld [tilespmem:s31+$0x60]  }
0x120: {  	v21 =	vld [tilespmem:s30+$0x60]  }
0x121: {  	v22 =	vld [tilespmem:s31+$0x70];
	_ =	sdelay $0x3  }
0x122: {  	v20 =	vmul.f32 v20, v21  }
0x123: {  	v19 =	vmul.f32 v22, v19;
	_ =	sdelay $0x1  }
0x124: {  	v19 =	vadd.f32 v19, v20;
	_ =	sdelay $0x1  }
0x125: {  	[tilespmem:v11+s26+$0x0] =	vst.idx.msk $0xffff, v19  }
0x126: {  	v19 =	vld [tilespmem:s31+$0x90]  }
0x127: {  	v20 =	vld [tilespmem:s30+$0x80]  }
0x128: {  	v21 =	vld [tilespmem:s31+$0x80]  }
0x129: {  	v22 =	vld [tilespmem:s30+$0x90];
	_ =	sdelay $0x3  }
0x12a: {  	v20 =	vmul.f32 v21, v20  }
0x12b: {  	v19 =	vmul.f32 v19, v22;
	_ =	sdelay $0x1  }
0x12c: {  	v19 =	vadd.f32 v19, v20;
	_ =	sdelay $0x1  }
0x12d: {  	[tilespmem:v12+s26+$0x0] =	vst.idx.msk $0xffff, v19  }
0x12e: {  	v19 =	vld [tilespmem:s31+$0xA0]  }
0x12f: {  	v20 =	vld [tilespmem:s31+$0xB0]  }
0x130: {  	v21 =	vld [tilespmem:s30+$0xA0]  }
0x131: {  	v22 =	vld [tilespmem:s30+$0xB0];
	_ =	sdelay $0x3  }
0x132: {  	v19 =	vmul.f32 v19, v21  }
0x133: {  	v20 =	vmul.f32 v20, v22;
	_ =	sdelay $0x1  }
0x134: {  	v19 =	vadd.f32 v20, v19;
	_ =	sdelay $0x1  }
0x135: {  	[tilespmem:v13+s26+$0x0] =	vst.idx.msk $0xffff, v19  }
0x136: {  	v19 =	vld [tilespmem:s30+$0xC0]  }
0x137: {  	v20 =	vld [tilespmem:s31+$0xC0]  }
0x138: {  	v21 =	vld [tilespmem:s31+$0xD0]  }
0x139: {  	v22 =	vld [tilespmem:s30+$0xD0];
	_ =	sdelay $0x2  }
0x13a: {  	v19 =	vmul.f32 v20, v19;
	_ =	sdelay $0x1  }
0x13b: {  	v20 =	vmul.f32 v21, v22;
	_ =	sdelay $0x1  }
0x13c: {  	v19 =	vadd.f32 v20, v19;
	_ =	sdelay $0x1  }
0x13d: {  	[tilespmem:v14+s26+$0x0] =	vst.idx.msk $0xffff, v19  }
0x13e: {  	v19 =	vld [tilespmem:s30+$0xE0]  }
0x13f: {  	v20 =	vld [tilespmem:s31+$0xE0]  }
0x140: {  	v21 =	vld [tilespmem:s30+$0xF0]  }
0x141: {  	v22 =	vld [tilespmem:s31+$0xF0];
	_ =	sdelay $0x2  }
.Ltmp0:
0x142: {  	v19 =	vmul.f32 v20, v19;
	(pc) =	sbr.rel @p0 .LBB2_2-.Ltmp0, $3  }
0x143: {  	_ = 	snop  }
0x144: {  	v20 =	vmul.f32 v22, v21;
	_ =	sdelay $0x1  }
0x145: {  	v19 =	vadd.f32 v20, v19  }
0x146: {  	_ =	sdelay $0x3  }
0x147: {  	[tilespmem:v15+s26+$0x0] =	vst.idx.msk $0xffff, v19  }
0x148: {  	v19 =	vld [tilespmem:$0x8D00]  }
0x149: {  	v20 =	vld [tilespmem:$0x8D10];
	_ =	sdelay $0x1  }
0x14a: {  	v21 =	vld [tilespmem:$0x8D20];
	_ =	sdelay $0x1  }
0x14b: {  	v22 =	vld [tilespmem:$0x8D30]  }
0x14c: {  	v19 =	vadd.f32 v20, v19  }
0x14d: {  	v50 =	vld [tilespmem:$0x8D40]  }
0x14e: {  	v19 =	vadd.f32 v21, v19  }
0x14f: {  	v51 =	vld [tilespmem:$0x8D50]  }
0x150: {  	v19 =	vadd.f32 v22, v19  }
0x151: {  	v52 =	vld [tilespmem:$0x8D60]  }
0x152: {  	v19 =	vadd.f32 v50, v19  }
0x153: {  	v53 =	vld [tilespmem:$0x8D70]  }
0x154: {  	v19 =	vadd.f32 v51, v19  }
0x155: {  	v54 =	vld [tilespmem:$0x8D80]  }
0x156: {  	v19 =	vadd.f32 v52, v19  }
0x157: {  	v55 =	vld [tilespmem:$0x8D90]  }
0x158: {  	v19 =	vadd.f32 v53, v19  }
0x159: {  	v56 =	vld [tilespmem:$0x8DA0]  }
0x15a: {  	v19 =	vadd.f32 v54, v19  }
0x15b: {  	v57 =	vld [tilespmem:$0x8DB0]  }
0x15c: {  	v19 =	vadd.f32 v55, v19  }
0x15d: {  	v58 =	vld [tilespmem:$0x8DC0]  }
0x15e: {  	v19 =	vadd.f32 v56, v19  }
0x15f: {  	v59 =	vld [tilespmem:$0x8DD0]  }
0x160: {  	s0 =	sshra.s32 s4, $0x2;
	v23 =	vld [tilespmem:$0x8DE0];
	v19 =	vadd.f32 v57, v19  }
0x161: {  	v60 =	vld [tilespmem:s0+$0x900]  }
0x162: {  	v24 =	vld [tilespmem:$0x8DF0];
	v19 =	vadd.f32 v58, v19  }
0x163: {  	v61 =	vld [tilespmem:s0+$0xB00]  }
0x164: {  	v19 =	vadd.f32 v59, v19  }
0x165: {  	v62 =	vld [tilespmem:s0+$0x600]  }
0x166: {  	v17 =	vadd.f32 v60, v17;
	v19 =	vadd.f32 v23, v19;
	_ =	sdelay $0x1  }
0x167: {  	v17 =	vadd.f32 v61, v17;
	v19 =	vadd.f32 v24, v19  }
0x168: {  	v63 =	vld [tilespmem:s0+$0x400]  }
0x169: {  	v16 =	vmul.f32 v62, v16;
	v17 =	vadd.f32 v17, v19;
	_ =	sdelay $0x1  }
0x16a: {  	v16 =	vadd.f32 v16, v17;
	_ =	sdelay $0x1  }
0x16b: {  	v16 =	vsub.f32 v16, v63;
	_ =	sdelay $0x1  }
0x16c: {  	v16 =	vmul.f32 v16, v16;
	_ =	sdelay $0x1  }
0x16d: {  	s29 =	sadd.s32 $0x1, s29;
	v16 =	vadd.f32 v16, v18  }
0x16e: {  	p0 =	sne.s32 s29, s14  }
.Ltmp1:
0x16f: {  	[tilespmem:$0x8E00] =	vst v16;
	(pc) =	sbr.rel @p0 .LBB2_1-.Ltmp1, $4  }
0x170: {  	[hbm4b:s13+s6] =	stream.linear.scatter [tilespmem:s28], [sflag:$0x2], $0x80, $0x38;
	[tilespmem:$0x8E80] =	vst v63  }
0x171: {  	_ =	swait.ge [sflag:s15], $0x80  }
0x172: {  	[sflag:s15] =	ssyncset.done $0x0  }
0x173: {  	[sflag:s15] =	ssyncadd.s32 $0xFFFFFF80  }
0x174: {  	_ =	sfence.sel $0x180000  }
0x175: {  	[bflag:$0x0] =	sbarrier.arrive $0xFFFF  }
0x176: {  	_ =	strace $0x9000004A  }
0x177: {  	s0 =	stileid.u32;
	[bflag:$0x2] =	sbarrier.arrive $0xFFFF  }
0x178: {  	p0 =	sne.s32 s0, $0x0;
	s0 =	rddreg [dreg:$0x9]  }
0x179: {  	s0 =	sadd.s32 @!p0 $0x100000, s0  }
0x17a: {  	[sflag:s0] =	ssyncadd.tile.s32 @!p0 $0x1;
	_ =	shalt  }
.Lfunc_end2:
_tile_overlayer_lowered:
.L_overlay_start_2:
0x17b: {  	(tag) =	ssettag $0x2  }
0x17c: {  	s0 =	rddreg [dreg:$0x0];
	s2 =	stileid.u32  }
0x17d: {  	s1 =	rddreg [dreg:$0x1];
	p0 =	sne.s32 s2, $0x0  }
0x17e: {  	s3 =	rddreg [dreg:$0x2];
	[bflag:$0x3] =	sbarrier.arrive $0xFFFF;
	s2 =	simm.s32 @!p0 $0x1C02  }
0x17f: {  	[timem:s3], [sflag:s2] =	dma.local @!p0 [hbm:s0], s1  }
0x180: {  	s0 =	simm.s32 @!p0 $0x2  }
0x181: {  	_ =	swait.ge @!p0 [sflag:s0], s1  }
0x182: {  	s1 =	ssub.s32 @!p0 $0x0, s1;
	[sflag:s0] =	ssyncset.done @!p0 $0x0  }
0x183: {  	[sflag:s0] =	ssyncadd.s32 @!p0 s1  }
0x184: {  	[bflag:$0x3] =	sbarrier.arrive $0xFFFF  }
0x185: {  	_ =	shalt  }

</sc_bundles>
